<compile_context>
chip_gen: v7x
topology: tpu7x:2x2x1
jax: 0.10.2.dev20260603
libtpu: 0.0.44.dev20260713+nightly
codegen_flags: <defaults>
</compile_context>

<pallas_src>
import functools

import jax
import jax.numpy as jnp
from jax import lax
from jax.experimental import pallas as pl
from jax.experimental.pallas import tpu as pltpu
from jax.experimental.pallas import tpu_sc as plsc

_B = 16384
_L = 200
_D = 32

_info = plsc.get_sparse_core_info()
_NC, _NS = _info.num_cores, _info.num_subcores
_NW = _NC * _NS
_PER_W = _B // _NW
_NIDX = 8
_VREGS = _PER_W // 16
_TPITCH = _PER_W + 1
_RUNROLL = 16

_mesh = plsc.VectorSubcoreMesh(core_axis_name="c", subcore_axis_name="s")


@functools.partial(
    pl.kernel,
    mesh=_mesh,
    out_type=jax.ShapeDtypeStruct((_L, _D, _B), jnp.float32),
    scratch_types=[
        pltpu.VMEM((_NIDX, _PER_W), jnp.int32),
        pltpu.VMEM((2, _PER_W, _D), jnp.float32),
        pltpu.VMEM((2, _D, _TPITCH), jnp.float32),
        pltpu.SemaphoreType.DMA,
        pltpu.SemaphoreType.DMA,
        pltpu.SemaphoreType.DMA,
    ],
    compiler_params=pltpu.CompilerParams(
        use_tc_tiling_on_sc=False, needs_layout_passes=False,
        disable_bounds_checks=True),
)
def _gather_all(actt_hbm, table_hbm, out_hbm, idx_v, rows_v, t_v, isem, gsem, osem):
    wid = lax.axis_index("s") * _NC + lax.axis_index("c")
    base = wid * _PER_W
    iota = lax.iota(jnp.int32, 16)
    riota = [iota + (16 * k) for k in range(_VREGS)]

    def idx_cp(l):
        return pltpu.make_async_copy(
            actt_hbm.at[l, pl.ds(base, _PER_W)], idx_v.at[l % _NIDX], isem)

    def gat_cp(l, rb):
        return pltpu.make_async_copy(
            table_hbm.at[idx_v.at[l % _NIDX]], rows_v.at[rb], gsem)

    def out_cp(l, tb):
        return pltpu.make_async_copy(
            t_v.at[tb, :, pl.ds(0, _PER_W)],
            out_hbm.at[l, :, pl.ds(base, _PER_W)], osem)

    def transpose(rb, tb):
        rref = rows_v.at[rb]
        tref = t_v.at[tb]
        dlo = iota
        dhi = iota + 16

        def rows8(i, carry):
            for u in range(_RUNROLL):
                r = i * _RUNROLL + u
                rv = jnp.full((16,), r, jnp.int32)
                plsc.store_scatter(tref, [dlo, rv], rref[r, pl.ds(0, 16)])
                plsc.store_scatter(tref, [dhi, rv], rref[r, pl.ds(16, 16)])
            return carry

        lax.fori_loop(0, _PER_W // _RUNROLL, rows8, 0)

    for i in range(_NIDX):
        idx_cp(i).start()
    idx_cp(0).wait()
    gat_cp(0, 0).start()

    def body(g, carry):
        for j in range(2):
            l = 2 * g + j
            rb = j
            tb = j

            gat_cp(l, rb).wait()
            @pl.when(l + 1 < _L)
            def _():
                idx_cp(l + 1).wait()
                gat_cp(l + 1, 1 - rb).start()

            @pl.when(l >= 2)
            def _():
                out_cp(l - 2, tb).wait()

            transpose(rb, tb)
            out_cp(l, tb).start()

            @pl.when(l + _NIDX < _L)
            def _():
                idx_cp(l + _NIDX).start()

        return carry

    lax.fori_loop(0, _L // 2, body, 0)

    out_cp(_L - 2, 0).wait()
    out_cp(_L - 1, 1).wait()


def kernel(actions, table):
    actt = jnp.transpose(actions.astype(jnp.int32))
    out = _gather_all(actt, table)
    return jnp.transpose(out, (2, 0, 1))

# --- scband reference (transcript-rebuilt; emitter-appended) ---
"""Pipeline reference for scband-action-encoder-23124103922073 (READ-ONLY COPY).

The authoritative reference and input builder live on the scoring server;
editing this copy changes nothing except your own understanding.
"""

import jax, jax.numpy as jnp
import numpy as np

NUM_ACTIONS = 100000
EMBED_DIM = 32

def setup_inputs(seed: int = 0) -> dict:
    key = jax.random.key(seed)
    k1, k2 = jax.random.split(key)
    actions = jax.random.randint(k1, (16384, 200), 0, NUM_ACTIONS, dtype=jnp.int64 if jax.config.jax_enable_x64 else jnp.int32)
    table = jax.random.normal(k2, (NUM_ACTIONS, EMBED_DIM), dtype=jnp.float32)
    return {"actions": actions, "table": table}

def reference(actions, table):
    # nn.Embedding forward: table[actions.long()] -> [B, L, D]
    return jnp.take(table, actions.astype(jnp.int32), axis=0)

if __name__ == "__main__":
    import jax
    _d = setup_inputs()
    print(jax.jit(kernel)(*tuple(_d.values())))

</pallas_src>

<mosaic_0001>
#map = affine_map<(d0, d1) -> (0, 0)>
#map1 = affine_map<(d0, d1) -> (0, 0, 0)>
module attributes {stable_mosaic.version = 14 : i64} {
  func.func @_gather_all(%arg0: i32, %arg1: i32, %arg2: memref<200x16384xi32, #tpu.memory_space<hbm>>, %arg3: memref<100000x32xf32, #tpu.memory_space<hbm>>, %arg4: memref<200x32x16384xf32, #tpu.memory_space<hbm>>, %arg5: memref<8x512xi32, #tpu.memory_space<vmem>>, %arg6: memref<2x512x32xf32, #tpu.memory_space<vmem>>, %arg7: memref<2x32x513xf32, #tpu.memory_space<vmem>>, %arg8: memref<!tpu.dma_semaphore, #tpu.memory_space<semaphore_mem>>, %arg9: memref<!tpu.dma_semaphore, #tpu.memory_space<semaphore_mem>>, %arg10: memref<!tpu.dma_semaphore, #tpu.memory_space<semaphore_mem>>) attributes {dimension_semantics = [#tpu.dimension_semantics<core_parallel>, #tpu.dimension_semantics<subcore_parallel>], iteration_bounds = array<i64: 2, 16>, scalar_prefetch = 0 : i64, scratch_operands = 6 : i64, tpu.core_type = #tpu.core_type<sc_vector_subcore>, window_params = [{transform_indices = #map}, {transform_indices = #map}, {transform_indices = #map1}]} {
    %mul3A = arith.constant 2 : i32
    %mul3A_0 = arith.muli %arg1, %mul3A : i32
    %add3A = arith.addi %mul3A_0, %arg0 : i32
    %mul3A_1 = arith.constant 512 : i32
    %mul3A_2 = arith.muli %add3A, %mul3A_1 : i32
    %iota3A = tpu.iota {dimensions = array<i32: 0>} : vector<16xi32>
    %add3A_3 = arith.constant 0 : i32
    %add3A_4 = vector.broadcast %add3A_3 : i32 to vector<16xi32>
    %add3A_5 = arith.addi %iota3A, %add3A_4 : vector<16xi32>
    %add3A_6 = arith.constant 16 : i32
    %add3A_7 = vector.broadcast %add3A_6 : i32 to vector<16xi32>
    %add3A_8 = arith.addi %iota3A, %add3A_7 : vector<16xi32>
    %add3A_9 = arith.constant 32 : i32
    %add3A_10 = vector.broadcast %add3A_9 : i32 to vector<16xi32>
    %add3A_11 = arith.addi %iota3A, %add3A_10 : vector<16xi32>
    %add3A_12 = arith.constant 48 : i32
    %add3A_13 = vector.broadcast %add3A_12 : i32 to vector<16xi32>
    %add3A_14 = arith.addi %iota3A, %add3A_13 : vector<16xi32>
    %add3A_15 = arith.constant 64 : i32
    %add3A_16 = vector.broadcast %add3A_15 : i32 to vector<16xi32>
    %add3A_17 = arith.addi %iota3A, %add3A_16 : vector<16xi32>
    %add3A_18 = arith.constant 80 : i32
    %add3A_19 = vector.broadcast %add3A_18 : i32 to vector<16xi32>
    %add3A_20 = arith.addi %iota3A, %add3A_19 : vector<16xi32>
    %add3A_21 = arith.constant 96 : i32
    %add3A_22 = vector.broadcast %add3A_21 : i32 to vector<16xi32>
    %add3A_23 = arith.addi %iota3A, %add3A_22 : vector<16xi32>
    %add3A_24 = arith.constant 112 : i32
    %add3A_25 = vector.broadcast %add3A_24 : i32 to vector<16xi32>
    %add3A_26 = arith.addi %iota3A, %add3A_25 : vector<16xi32>
    %add3A_27 = arith.constant 128 : i32
    %add3A_28 = vector.broadcast %add3A_27 : i32 to vector<16xi32>
    %add3A_29 = arith.addi %iota3A, %add3A_28 : vector<16xi32>
    %add3A_30 = arith.constant 144 : i32
    %add3A_31 = vector.broadcast %add3A_30 : i32 to vector<16xi32>
    %add3A_32 = arith.addi %iota3A, %add3A_31 : vector<16xi32>
    %add3A_33 = arith.constant 160 : i32
    %add3A_34 = vector.broadcast %add3A_33 : i32 to vector<16xi32>
    %add3A_35 = arith.addi %iota3A, %add3A_34 : vector<16xi32>
    %add3A_36 = arith.constant 176 : i32
    %add3A_37 = vector.broadcast %add3A_36 : i32 to vector<16xi32>
    %add3A_38 = arith.addi %iota3A, %add3A_37 : vector<16xi32>
    %add3A_39 = arith.constant 192 : i32
    %add3A_40 = vector.broadcast %add3A_39 : i32 to vector<16xi32>
    %add3A_41 = arith.addi %iota3A, %add3A_40 : vector<16xi32>
    %add3A_42 = arith.constant 208 : i32
    %add3A_43 = vector.broadcast %add3A_42 : i32 to vector<16xi32>
    %add3A_44 = arith.addi %iota3A, %add3A_43 : vector<16xi32>
    %add3A_45 = arith.constant 224 : i32
    %add3A_46 = vector.broadcast %add3A_45 : i32 to vector<16xi32>
    %add3A_47 = arith.addi %iota3A, %add3A_46 : vector<16xi32>
    %add3A_48 = arith.constant 240 : i32
    %add3A_49 = vector.broadcast %add3A_48 : i32 to vector<16xi32>
    %add3A_50 = arith.addi %iota3A, %add3A_49 : vector<16xi32>
    %add3A_51 = arith.constant 256 : i32
    %add3A_52 = vector.broadcast %add3A_51 : i32 to vector<16xi32>
    %add3A_53 = arith.addi %iota3A, %add3A_52 : vector<16xi32>
    %add3A_54 = arith.constant 272 : i32
    %add3A_55 = vector.broadcast %add3A_54 : i32 to vector<16xi32>
    %add3A_56 = arith.addi %iota3A, %add3A_55 : vector<16xi32>
    %add3A_57 = arith.constant 288 : i32
    %add3A_58 = vector.broadcast %add3A_57 : i32 to vector<16xi32>
    %add3A_59 = arith.addi %iota3A, %add3A_58 : vector<16xi32>
    %add3A_60 = arith.constant 304 : i32
    %add3A_61 = vector.broadcast %add3A_60 : i32 to vector<16xi32>
    %add3A_62 = arith.addi %iota3A, %add3A_61 : vector<16xi32>
    %add3A_63 = arith.constant 320 : i32
    %add3A_64 = vector.broadcast %add3A_63 : i32 to vector<16xi32>
    %add3A_65 = arith.addi %iota3A, %add3A_64 : vector<16xi32>
    %add3A_66 = arith.constant 336 : i32
    %add3A_67 = vector.broadcast %add3A_66 : i32 to vector<16xi32>
    %add3A_68 = arith.addi %iota3A, %add3A_67 : vector<16xi32>
    %add3A_69 = arith.constant 352 : i32
    %add3A_70 = vector.broadcast %add3A_69 : i32 to vector<16xi32>
    %add3A_71 = arith.addi %iota3A, %add3A_70 : vector<16xi32>
    %add3A_72 = arith.constant 368 : i32
    %add3A_73 = vector.broadcast %add3A_72 : i32 to vector<16xi32>
    %add3A_74 = arith.addi %iota3A, %add3A_73 : vector<16xi32>
    %add3A_75 = arith.constant 384 : i32
    %add3A_76 = vector.broadcast %add3A_75 : i32 to vector<16xi32>
    %add3A_77 = arith.addi %iota3A, %add3A_76 : vector<16xi32>
    %add3A_78 = arith.constant 400 : i32
    %add3A_79 = vector.broadcast %add3A_78 : i32 to vector<16xi32>
    %add3A_80 = arith.addi %iota3A, %add3A_79 : vector<16xi32>
    %add3A_81 = arith.constant 416 : i32
    %add3A_82 = vector.broadcast %add3A_81 : i32 to vector<16xi32>
    %add3A_83 = arith.addi %iota3A, %add3A_82 : vector<16xi32>
    %add3A_84 = arith.constant 432 : i32
    %add3A_85 = vector.broadcast %add3A_84 : i32 to vector<16xi32>
    %add3A_86 = arith.addi %iota3A, %add3A_85 : vector<16xi32>
    %add3A_87 = arith.constant 448 : i32
    %add3A_88 = vector.broadcast %add3A_87 : i32 to vector<16xi32>
    %add3A_89 = arith.addi %iota3A, %add3A_88 : vector<16xi32>
    %add3A_90 = arith.constant 464 : i32
    %add3A_91 = vector.broadcast %add3A_90 : i32 to vector<16xi32>
    %add3A_92 = arith.addi %iota3A, %add3A_91 : vector<16xi32>
    %add3A_93 = arith.constant 480 : i32
    %add3A_94 = vector.broadcast %add3A_93 : i32 to vector<16xi32>
    %add3A_95 = arith.addi %iota3A, %add3A_94 : vector<16xi32>
    %add3A_96 = arith.constant 496 : i32
    %add3A_97 = vector.broadcast %add3A_96 : i32 to vector<16xi32>
    %add3A_98 = arith.addi %iota3A, %add3A_97 : vector<16xi32>
    %dma_start3A = arith.constant 0 : i32
    %dma_start3A_99 = arith.constant 0 : i32
    %dma_start3A_100 = arith.constant 0 : i32
    %dma_start3A_101 = tpu.memref_slice %arg5[%dma_start3A_99, %dma_start3A_100] : memref<8x512xi32, #tpu.memory_space<vmem>> -> memref<1x512xi32, #tpu.memory_space<vmem>>
    %dma_start3A_102 = tpu.memref_squeeze %dma_start3A_101 : memref<1x512xi32, #tpu.memory_space<vmem>> -> memref<512xi32, #tpu.memory_space<vmem>>
    %dma_start3A_103 = tpu.memref_slice %arg2[%dma_start3A, %mul3A_2] : memref<200x16384xi32, #tpu.memory_space<hbm>> -> memref<1x512xi32, #tpu.memory_space<hbm>>
    %dma_start3A_104 = tpu.memref_squeeze %dma_start3A_103 : memref<1x512xi32, #tpu.memory_space<hbm>> -> memref<512xi32, #tpu.memory_space<hbm>>
    %dma_start3A_105 = arith.constant 0 : i32
    %dma_start3A_106 = tpu.memref_slice %arg5[%dma_start3A_99, %dma_start3A_105] : memref<8x512xi32, #tpu.memory_space<vmem>> -> memref<1x512xi32, #tpu.memory_space<vmem>>
    %dma_start3A_107 = tpu.memref_squeeze %dma_start3A_106 : memref<1x512xi32, #tpu.memory_space<vmem>> -> memref<512xi32, #tpu.memory_space<vmem>>
    %dma_start3A_108 = tpu.memref_slice %arg2[%dma_start3A, %mul3A_2] : memref<200x16384xi32, #tpu.memory_space<hbm>> -> memref<1x512xi32, #tpu.memory_space<hbm>>
    %dma_start3A_109 = tpu.memref_squeeze %dma_start3A_108 : memref<1x512xi32, #tpu.memory_space<hbm>> -> memref<512xi32, #tpu.memory_space<hbm>>
    tpu.enqueue_dma source(%dma_start3A_109 : memref<512xi32, #tpu.memory_space<hbm>>) target(%dma_start3A_107 : memref<512xi32, #tpu.memory_space<vmem>>) target_semaphore(%arg8 : memref<!tpu.dma_semaphore, #tpu.memory_space<semaphore_mem>>)
    %dma_start3A_110 = arith.constant 1 : i32
    %dma_start3A_111 = arith.constant 1 : i32
    %dma_start3A_112 = arith.constant 0 : i32
    %dma_start3A_113 = tpu.memref_slice %arg5[%dma_start3A_111, %dma_start3A_112] : memref<8x512xi32, #tpu.memory_space<vmem>> -> memref<1x512xi32, #tpu.memory_space<vmem>>
    %dma_start3A_114 = tpu.memref_squeeze %dma_start3A_113 : memref<1x512xi32, #tpu.memory_space<vmem>> -> memref<512xi32, #tpu.memory_space<vmem>>
    %dma_start3A_115 = tpu.memref_slice %arg2[%dma_start3A_110, %mul3A_2] : memref<200x16384xi32, #tpu.memory_space<hbm>> -> memref<1x512xi32, #tpu.memory_space<hbm>>
    %dma_start3A_116 = tpu.memref_squeeze %dma_start3A_115 : memref<1x512xi32, #tpu.memory_space<hbm>> -> memref<512xi32, #tpu.memory_space<hbm>>
    %dma_start3A_117 = arith.constant 0 : i32
    %dma_start3A_118 = tpu.memref_slice %arg5[%dma_start3A_111, %dma_start3A_117] : memref<8x512xi32, #tpu.memory_space<vmem>> -> memref<1x512xi32, #tpu.memory_space<vmem>>
    %dma_start3A_119 = tpu.memref_squeeze %dma_start3A_118 : memref<1x512xi32, #tpu.memory_space<vmem>> -> memref<512xi32, #tpu.memory_space<vmem>>
    %dma_start3A_120 = tpu.memref_slice %arg2[%dma_start3A_110, %mul3A_2] : memref<200x16384xi32, #tpu.memory_space<hbm>> -> memref<1x512xi32, #tpu.memory_space<hbm>>
    %dma_start3A_121 = tpu.memref_squeeze %dma_start3A_120 : memref<1x512xi32, #tpu.memory_space<hbm>> -> memref<512xi32, #tpu.memory_space<hbm>>
    tpu.enqueue_dma source(%dma_start3A_121 : memref<512xi32, #tpu.memory_space<hbm>>) target(%dma_start3A_119 : memref<512xi32, #tpu.memory_space<vmem>>) target_semaphore(%arg8 : memref<!tpu.dma_semaphore, #tpu.memory_space<semaphore_mem>>)
    %dma_start3A_122 = arith.constant 2 : i32
    %dma_start3A_123 = arith.constant 2 : i32
    %dma_start3A_124 = arith.constant 0 : i32
    %dma_start3A_125 = tpu.memref_slice %arg5[%dma_start3A_123, %dma_start3A_124] : memref<8x512xi32, #tpu.memory_space<vmem>> -> memref<1x512xi32, #tpu.memory_space<vmem>>
    %dma_start3A_126 = tpu.memref_squeeze %dma_start3A_125 : memref<1x512xi32, #tpu.memory_space<vmem>> -> memref<512xi32, #tpu.memory_space<vmem>>
    %dma_start3A_127 = tpu.memref_slice %arg2[%dma_start3A_122, %mul3A_2] : memref<200x16384xi32, #tpu.memory_space<hbm>> -> memref<1x512xi32, #tpu.memory_space<hbm>>
    %dma_start3A_128 = tpu.memref_squeeze %dma_start3A_127 : memref<1x512xi32, #tpu.memory_space<hbm>> -> memref<512xi32, #tpu.memory_space<hbm>>
    %dma_start3A_129 = arith.constant 0 : i32
    %dma_start3A_130 = tpu.memref_slice %arg5[%dma_start3A_123, %dma_start3A_129] : memref<8x512xi32, #tpu.memory_space<vmem>> -> memref<1x512xi32, #tpu.memory_space<vmem>>
    %dma_start3A_131 = tpu.memref_squeeze %dma_start3A_130 : memref<1x512xi32, #tpu.memory_space<vmem>> -> memref<512xi32, #tpu.memory_space<vmem>>
    %dma_start3A_132 = tpu.memref_slice %arg2[%dma_start3A_122, %mul3A_2] : memref<200x16384xi32, #tpu.memory_space<hbm>> -> memref<1x512xi32, #tpu.memory_space<hbm>>
    %dma_start3A_133 = tpu.memref_squeeze %dma_start3A_132 : memref<1x512xi32, #tpu.memory_space<hbm>> -> memref<512xi32, #tpu.memory_space<hbm>>
    tpu.enqueue_dma source(%dma_start3A_133 : memref<512xi32, #tpu.memory_space<hbm>>) target(%dma_start3A_131 : memref<512xi32, #tpu.memory_space<vmem>>) target_semaphore(%arg8 : memref<!tpu.dma_semaphore, #tpu.memory_space<semaphore_mem>>)
    %dma_start3A_134 = arith.constant 3 : i32
    %dma_start3A_135 = arith.constant 3 : i32
    %dma_start3A_136 = arith.constant 0 : i32
    %dma_start3A_137 = tpu.memref_slice %arg5[%dma_start3A_135, %dma_start3A_136] : memref<8x512xi32, #tpu.memory_space<vmem>> -> memref<1x512xi32, #tpu.memory_space<vmem>>
    %dma_start3A_138 = tpu.memref_squeeze %dma_start3A_137 : memref<1x512xi32, #tpu.memory_space<vmem>> -> memref<512xi32, #tpu.memory_space<vmem>>
    %dma_start3A_139 = tpu.memref_slice %arg2[%dma_start3A_134, %mul3A_2] : memref<200x16384xi32, #tpu.memory_space<hbm>> -> memref<1x512xi32, #tpu.memory_space<hbm>>
    %dma_start3A_140 = tpu.memref_squeeze %dma_start3A_139 : memref<1x512xi32, #tpu.memory_space<hbm>> -> memref<512xi32, #tpu.memory_space<hbm>>
    %dma_start3A_141 = arith.constant 0 : i32
    %dma_start3A_142 = tpu.memref_slice %arg5[%dma_start3A_135, %dma_start3A_141] : memref<8x512xi32, #tpu.memory_space<vmem>> -> memref<1x512xi32, #tpu.memory_space<vmem>>
    %dma_start3A_143 = tpu.memref_squeeze %dma_start3A_142 : memref<1x512xi32, #tpu.memory_space<vmem>> -> memref<512xi32, #tpu.memory_space<vmem>>
    %dma_start3A_144 = tpu.memref_slice %arg2[%dma_start3A_134, %mul3A_2] : memref<200x16384xi32, #tpu.memory_space<hbm>> -> memref<1x512xi32, #tpu.memory_space<hbm>>
    %dma_start3A_145 = tpu.memref_squeeze %dma_start3A_144 : memref<1x512xi32, #tpu.memory_space<hbm>> -> memref<512xi32, #tpu.memory_space<hbm>>
    tpu.enqueue_dma source(%dma_start3A_145 : memref<512xi32, #tpu.memory_space<hbm>>) target(%dma_start3A_143 : memref<512xi32, #tpu.memory_space<vmem>>) target_semaphore(%arg8 : memref<!tpu.dma_semaphore, #tpu.memory_space<semaphore_mem>>)
    %dma_start3A_146 = arith.constant 4 : i32
    %dma_start3A_147 = arith.constant 4 : i32
    %dma_start3A_148 = arith.constant 0 : i32
    %dma_start3A_149 = tpu.memref_slice %arg5[%dma_start3A_147, %dma_start3A_148] : memref<8x512xi32, #tpu.memory_space<vmem>> -> memref<1x512xi32, #tpu.memory_space<vmem>>
    %dma_start3A_150 = tpu.memref_squeeze %dma_start3A_149 : memref<1x512xi32, #tpu.memory_space<vmem>> -> memref<512xi32, #tpu.memory_space<vmem>>
    %dma_start3A_151 = tpu.memref_slice %arg2[%dma_start3A_146, %mul3A_2] : memref<200x16384xi32, #tpu.memory_space<hbm>> -> memref<1x512xi32, #tpu.memory_space<hbm>>
    %dma_start3A_152 = tpu.memref_squeeze %dma_start3A_151 : memref<1x512xi32, #tpu.memory_space<hbm>> -> memref<512xi32, #tpu.memory_space<hbm>>
    %dma_start3A_153 = arith.constant 0 : i32
    %dma_start3A_154 = tpu.memref_slice %arg5[%dma_start3A_147, %dma_start3A_153] : memref<8x512xi32, #tpu.memory_space<vmem>> -> memref<1x512xi32, #tpu.memory_space<vmem>>
    %dma_start3A_155 = tpu.memref_squeeze %dma_start3A_154 : memref<1x512xi32, #tpu.memory_space<vmem>> -> memref<512xi32, #tpu.memory_space<vmem>>
    %dma_start3A_156 = tpu.memref_slice %arg2[%dma_start3A_146, %mul3A_2] : memref<200x16384xi32, #tpu.memory_space<hbm>> -> memref<1x512xi32, #tpu.memory_space<hbm>>
    %dma_start3A_157 = tpu.memref_squeeze %dma_start3A_156 : memref<1x512xi32, #tpu.memory_space<hbm>> -> memref<512xi32, #tpu.memory_space<hbm>>
    tpu.enqueue_dma source(%dma_start3A_157 : memref<512xi32, #tpu.memory_space<hbm>>) target(%dma_start3A_155 : memref<512xi32, #tpu.memory_space<vmem>>) target_semaphore(%arg8 : memref<!tpu.dma_semaphore, #tpu.memory_space<semaphore_mem>>)
    %dma_start3A_158 = arith.constant 5 : i32
    %dma_start3A_159 = arith.constant 5 : i32
    %dma_start3A_160 = arith.constant 0 : i32
    %dma_start3A_161 = tpu.memref_slice %arg5[%dma_start3A_159, %dma_start3A_160] : memref<8x512xi32, #tpu.memory_space<vmem>> -> memref<1x512xi32, #tpu.memory_space<vmem>>
    %dma_start3A_162 = tpu.memref_squeeze %dma_start3A_161 : memref<1x512xi32, #tpu.memory_space<vmem>> -> memref<512xi32, #tpu.memory_space<vmem>>
    %dma_start3A_163 = tpu.memref_slice %arg2[%dma_start3A_158, %mul3A_2] : memref<200x16384xi32, #tpu.memory_space<hbm>> -> memref<1x512xi32, #tpu.memory_space<hbm>>
    %dma_start3A_164 = tpu.memref_squeeze %dma_start3A_163 : memref<1x512xi32, #tpu.memory_space<hbm>> -> memref<512xi32, #tpu.memory_space<hbm>>
    %dma_start3A_165 = arith.constant 0 : i32
    %dma_start3A_166 = tpu.memref_slice %arg5[%dma_start3A_159, %dma_start3A_165] : memref<8x512xi32, #tpu.memory_space<vmem>> -> memref<1x512xi32, #tpu.memory_space<vmem>>
    %dma_start3A_167 = tpu.memref_squeeze %dma_start3A_166 : memref<1x512xi32, #tpu.memory_space<vmem>> -> memref<512xi32, #tpu.memory_space<vmem>>
    %dma_start3A_168 = tpu.memref_slice %arg2[%dma_start3A_158, %mul3A_2] : memref<200x16384xi32, #tpu.memory_space<hbm>> -> memref<1x512xi32, #tpu.memory_space<hbm>>
    %dma_start3A_169 = tpu.memref_squeeze %dma_start3A_168 : memref<1x512xi32, #tpu.memory_space<hbm>> -> memref<512xi32, #tpu.memory_space<hbm>>
    tpu.enqueue_dma source(%dma_start3A_169 : memref<512xi32, #tpu.memory_space<hbm>>) target(%dma_start3A_167 : memref<512xi32, #tpu.memory_space<vmem>>) target_semaphore(%arg8 : memref<!tpu.dma_semaphore, #tpu.memory_space<semaphore_mem>>)
    %dma_start3A_170 = arith.constant 6 : i32
    %dma_start3A_171 = arith.constant 6 : i32
    %dma_start3A_172 = arith.constant 0 : i32
    %dma_start3A_173 = tpu.memref_slice %arg5[%dma_start3A_171, %dma_start3A_172] : memref<8x512xi32, #tpu.memory_space<vmem>> -> memref<1x512xi32, #tpu.memory_space<vmem>>
    %dma_start3A_174 = tpu.memref_squeeze %dma_start3A_173 : memref<1x512xi32, #tpu.memory_space<vmem>> -> memref<512xi32, #tpu.memory_space<vmem>>
    %dma_start3A_175 = tpu.memref_slice %arg2[%dma_start3A_170, %mul3A_2] : memref<200x16384xi32, #tpu.memory_space<hbm>> -> memref<1x512xi32, #tpu.memory_space<hbm>>
    %dma_start3A_176 = tpu.memref_squeeze %dma_start3A_175 : memref<1x512xi32, #tpu.memory_space<hbm>> -> memref<512xi32, #tpu.memory_space<hbm>>
    %dma_start3A_177 = arith.constant 0 : i32
    %dma_start3A_178 = tpu.memref_slice %arg5[%dma_start3A_171, %dma_start3A_177] : memref<8x512xi32, #tpu.memory_space<vmem>> -> memref<1x512xi32, #tpu.memory_space<vmem>>
    %dma_start3A_179 = tpu.memref_squeeze %dma_start3A_178 : memref<1x512xi32, #tpu.memory_space<vmem>> -> memref<512xi32, #tpu.memory_space<vmem>>
    %dma_start3A_180 = tpu.memref_slice %arg2[%dma_start3A_170, %mul3A_2] : memref<200x16384xi32, #tpu.memory_space<hbm>> -> memref<1x512xi32, #tpu.memory_space<hbm>>
    %dma_start3A_181 = tpu.memref_squeeze %dma_start3A_180 : memref<1x512xi32, #tpu.memory_space<hbm>> -> memref<512xi32, #tpu.memory_space<hbm>>
    tpu.enqueue_dma source(%dma_start3A_181 : memref<512xi32, #tpu.memory_space<hbm>>) target(%dma_start3A_179 : memref<512xi32, #tpu.memory_space<vmem>>) target_semaphore(%arg8 : memref<!tpu.dma_semaphore, #tpu.memory_space<semaphore_mem>>)
    %dma_start3A_182 = arith.constant 7 : i32
    %dma_start3A_183 = arith.constant 7 : i32
    %dma_start3A_184 = arith.constant 0 : i32
    %dma_start3A_185 = tpu.memref_slice %arg5[%dma_start3A_183, %dma_start3A_184] : memref<8x512xi32, #tpu.memory_space<vmem>> -> memref<1x512xi32, #tpu.memory_space<vmem>>
    %dma_start3A_186 = tpu.memref_squeeze %dma_start3A_185 : memref<1x512xi32, #tpu.memory_space<vmem>> -> memref<512xi32, #tpu.memory_space<vmem>>
    %dma_start3A_187 = tpu.memref_slice %arg2[%dma_start3A_182, %mul3A_2] : memref<200x16384xi32, #tpu.memory_space<hbm>> -> memref<1x512xi32, #tpu.memory_space<hbm>>
    %dma_start3A_188 = tpu.memref_squeeze %dma_start3A_187 : memref<1x512xi32, #tpu.memory_space<hbm>> -> memref<512xi32, #tpu.memory_space<hbm>>
    %dma_start3A_189 = arith.constant 0 : i32
    %dma_start3A_190 = tpu.memref_slice %arg5[%dma_start3A_183, %dma_start3A_189] : memref<8x512xi32, #tpu.memory_space<vmem>> -> memref<1x512xi32, #tpu.memory_space<vmem>>
    %dma_start3A_191 = tpu.memref_squeeze %dma_start3A_190 : memref<1x512xi32, #tpu.memory_space<vmem>> -> memref<512xi32, #tpu.memory_space<vmem>>
    %dma_start3A_192 = tpu.memref_slice %arg2[%dma_start3A_182, %mul3A_2] : memref<200x16384xi32, #tpu.memory_space<hbm>> -> memref<1x512xi32, #tpu.memory_space<hbm>>
    %dma_start3A_193 = tpu.memref_squeeze %dma_start3A_192 : memref<1x512xi32, #tpu.memory_space<hbm>> -> memref<512xi32, #tpu.memory_space<hbm>>
    tpu.enqueue_dma source(%dma_start3A_193 : memref<512xi32, #tpu.memory_space<hbm>>) target(%dma_start3A_191 : memref<512xi32, #tpu.memory_space<vmem>>) target_semaphore(%arg8 : memref<!tpu.dma_semaphore, #tpu.memory_space<semaphore_mem>>)
    %dma_wait3A = arith.constant 0 : i32
    %dma_wait3A_194 = arith.constant 0 : i32
    %dma_wait3A_195 = arith.constant 0 : i32
    %dma_wait3A_196 = tpu.memref_slice %arg5[%dma_wait3A_194, %dma_wait3A_195] : memref<8x512xi32, #tpu.memory_space<vmem>> -> memref<1x512xi32, #tpu.memory_space<vmem>>
    %dma_wait3A_197 = tpu.memref_squeeze %dma_wait3A_196 : memref<1x512xi32, #tpu.memory_space<vmem>> -> memref<512xi32, #tpu.memory_space<vmem>>
    %dma_wait3A_198 = tpu.memref_slice %arg2[%dma_wait3A, %mul3A_2] : memref<200x16384xi32, #tpu.memory_space<hbm>> -> memref<1x512xi32, #tpu.memory_space<hbm>>
    %dma_wait3A_199 = tpu.memref_squeeze %dma_wait3A_198 : memref<1x512xi32, #tpu.memory_space<hbm>> -> memref<512xi32, #tpu.memory_space<hbm>>
    %dma_wait3A_200 = arith.constant 0 : i32
    %dma_wait3A_201 = tpu.memref_slice %arg5[%dma_wait3A_194, %dma_wait3A_200] : memref<8x512xi32, #tpu.memory_space<vmem>> -> memref<1x512xi32, #tpu.memory_space<vmem>>
    %dma_wait3A_202 = tpu.memref_squeeze %dma_wait3A_201 : memref<1x512xi32, #tpu.memory_space<vmem>> -> memref<512xi32, #tpu.memory_space<vmem>>
    %dma_wait3A_203 = tpu.memref_slice %arg2[%dma_wait3A, %mul3A_2] : memref<200x16384xi32, #tpu.memory_space<hbm>> -> memref<1x512xi32, #tpu.memory_space<hbm>>
    %dma_wait3A_204 = tpu.memref_squeeze %dma_wait3A_203 : memref<1x512xi32, #tpu.memory_space<hbm>> -> memref<512xi32, #tpu.memory_space<hbm>>
    tpu.wait_dma2 semaphore(%arg8 : memref<!tpu.dma_semaphore, #tpu.memory_space<semaphore_mem>>) src(%dma_wait3A_204 : memref<512xi32, #tpu.memory_space<hbm>>) dst(%dma_wait3A_202 : memref<512xi32, #tpu.memory_space<vmem>>)
    %dma_start3A_205 = arith.constant 0 : i32
    %dma_start3A_206 = arith.constant 0 : i32
    %dma_start3A_207 = arith.constant 0 : i32
    %dma_start3A_208 = arith.constant 0 : i32
    %dma_start3A_209 = tpu.memref_slice %arg6[%dma_start3A_206, %dma_start3A_207, %dma_start3A_208] : memref<2x512x32xf32, #tpu.memory_space<vmem>> -> memref<1x512x32xf32, #tpu.memory_space<vmem>>
    %dma_start3A_210 = tpu.memref_squeeze %dma_start3A_209 : memref<1x512x32xf32, #tpu.memory_space<vmem>> -> memref<512x32xf32, #tpu.memory_space<vmem>>
    %dma_start3A_211 = arith.constant 0 : i32
    %dma_start3A_212 = tpu.memref_slice %arg5[%dma_start3A_205, %dma_start3A_211] : memref<8x512xi32, #tpu.memory_space<vmem>> -> memref<1x512xi32, #tpu.memory_space<vmem>>
    %dma_start3A_213 = tpu.memref_squeeze %dma_start3A_212 : memref<1x512xi32, #tpu.memory_space<vmem>> -> memref<512xi32, #tpu.memory_space<vmem>>
    %dma_start3A_214 = arith.constant 0 : i32
    %dma_start3A_215 = arith.constant 0 : i32
    %dma_start3A_216 = tpu.memref_slice %arg3[%dma_start3A_214, %dma_start3A_215] : memref<100000x32xf32, #tpu.memory_space<hbm>> -> memref<100000x32xf32, #tpu.memory_space<hbm>>
    tpu.enqueue_indirect_dma source(%dma_start3A_216 : memref<100000x32xf32, #tpu.memory_space<hbm>>) target(%dma_start3A_210 : memref<512x32xf32, #tpu.memory_space<vmem>>) offsets(%dma_start3A_213 : memref<512xi32, #tpu.memory_space<vmem>>) semaphore(%arg9 : memref<!tpu.dma_semaphore, #tpu.memory_space<semaphore_mem>>)
    %scan3A = arith.constant 0 : i32
    %scan3A_217 = arith.constant 0 : i32
    %scan3A_218 = arith.constant 100 : i32
    %scan3A_219 = arith.addi %scan3A_217, %scan3A_218 : i32
    %scan3A_220 = arith.constant 1 : i32
    scf.for %scan3A_254 = %scan3A_217 to %scan3A_219 step %scan3A_220  : i32 {
      %mul3A_255 = arith.constant 2 : i32
      %mul3A_256 = arith.muli %mul3A_255, %scan3A_254 : i32
      %add3A_257 = arith.constant 0 : i32
      %add3A_258 = arith.addi %mul3A_256, %add3A_257 : i32
      %jit3A = arith.constant 8 : i32
      %eq3A = arith.constant 0 : i32
      %eq3A_259 = arith.cmpi eq, %jit3A, %eq3A : i32
      %jit3A_260 = arith.constant 1 : i32
      %select_n3A = arith.select %eq3A_259, %jit3A_260, %jit3A : i32
      %rem3A = arith.remsi %add3A_258, %select_n3A : i32
      %ne3A = arith.constant 0 : i32
      %ne3A_261 = arith.cmpi ne, %rem3A, %ne3A : i32
      %lt3A = arith.constant 0 : i32
      %lt3A_262 = arith.cmpi slt, %rem3A, %lt3A : i32
      %lt3A_263 = arith.constant 0 : i32
      %lt3A_264 = arith.cmpi slt, %select_n3A, %lt3A_263 : i32
      %ne3A_265 = arith.xori %lt3A_262, %lt3A_264 : i1
      %and3A = arith.andi %ne3A_265, %ne3A_261 : i1
      %add3A_266 = arith.addi %rem3A, %select_n3A : i32
      %select_n3A_267 = arith.select %and3A, %add3A_266, %rem3A : i32
      %dma_wait3A_268 = arith.constant 0 : i32
      %dma_wait3A_269 = arith.constant 0 : i32
      %dma_wait3A_270 = arith.constant 0 : i32
      %dma_wait3A_271 = tpu.memref_slice %arg6[%dma_wait3A_268, %dma_wait3A_269, %dma_wait3A_270] : memref<2x512x32xf32, #tpu.memory_space<vmem>> -> memref<1x512x32xf32, #tpu.memory_space<vmem>>
      %dma_wait3A_272 = tpu.memref_squeeze %dma_wait3A_271 : memref<1x512x32xf32, #tpu.memory_space<vmem>> -> memref<512x32xf32, #tpu.memory_space<vmem>>
      %dma_wait3A_273 = arith.constant 0 : i32
      %dma_wait3A_274 = tpu.memref_slice %arg5[%select_n3A_267, %dma_wait3A_273] : memref<8x512xi32, #tpu.memory_space<vmem>> -> memref<1x512xi32, #tpu.memory_space<vmem>>
      %dma_wait3A_275 = tpu.memref_squeeze %dma_wait3A_274 : memref<1x512xi32, #tpu.memory_space<vmem>> -> memref<512xi32, #tpu.memory_space<vmem>>
      %dma_wait3A_276 = arith.constant 0 : i32
      %dma_wait3A_277 = arith.constant 0 : i32
      %dma_wait3A_278 = tpu.memref_slice %arg3[%dma_wait3A_276, %dma_wait3A_277] : memref<100000x32xf32, #tpu.memory_space<hbm>> -> memref<100000x32xf32, #tpu.memory_space<hbm>>
      tpu.wait_indirect_dma semaphore(%arg9 : memref<!tpu.dma_semaphore, #tpu.memory_space<semaphore_mem>>) src(%dma_wait3A_278 : memref<100000x32xf32, #tpu.memory_space<hbm>>) dst(%dma_wait3A_272 : memref<512x32xf32, #tpu.memory_space<vmem>>)
      %add3A_279 = arith.constant 1 : i32
      %add3A_280 = arith.addi %add3A_258, %add3A_279 : i32
      %lt3A_281 = arith.constant 200 : i32
      %lt3A_282 = arith.cmpi slt, %add3A_280, %lt3A_281 : i32
      %convert_element_type3A = arith.extui %lt3A_282 : i1 to i32
      %cond3A = arith.constant 0 : i32
      %cond3A_283 = arith.cmpi ne, %convert_element_type3A, %cond3A : i32
      scf.if %cond3A_283 {
        %add3A_397 = arith.constant 1 : i32
        %add3A_398 = arith.addi %add3A_258, %add3A_397 : i32
        %jit3A_399 = arith.constant 8 : i32
        %eq3A_400 = arith.constant 0 : i32
        %eq3A_401 = arith.cmpi eq, %jit3A_399, %eq3A_400 : i32
        %jit3A_402 = arith.constant 1 : i32
        %select_n3A_403 = arith.select %eq3A_401, %jit3A_402, %jit3A_399 : i32
        %rem3A_404 = arith.remsi %add3A_398, %select_n3A_403 : i32
        %ne3A_405 = arith.constant 0 : i32
        %ne3A_406 = arith.cmpi ne, %rem3A_404, %ne3A_405 : i32
        %lt3A_407 = arith.constant 0 : i32
        %lt3A_408 = arith.cmpi slt, %rem3A_404, %lt3A_407 : i32
        %lt3A_409 = arith.constant 0 : i32
        %lt3A_410 = arith.cmpi slt, %select_n3A_403, %lt3A_409 : i32
        %ne3A_411 = arith.xori %lt3A_408, %lt3A_410 : i1
        %and3A_412 = arith.andi %ne3A_411, %ne3A_406 : i1
        %add3A_413 = arith.addi %rem3A_404, %select_n3A_403 : i32
        %select_n3A_414 = arith.select %and3A_412, %add3A_413, %rem3A_404 : i32
        %dma_wait3A_415 = arith.constant 0 : i32
        %dma_wait3A_416 = tpu.memref_slice %arg5[%select_n3A_414, %dma_wait3A_415] : memref<8x512xi32, #tpu.memory_space<vmem>> -> memref<1x512xi32, #tpu.memory_space<vmem>>
        %dma_wait3A_417 = tpu.memref_squeeze %dma_wait3A_416 : memref<1x512xi32, #tpu.memory_space<vmem>> -> memref<512xi32, #tpu.memory_space<vmem>>
        %dma_wait3A_418 = tpu.memref_slice %arg2[%add3A_398, %mul3A_2] : memref<200x16384xi32, #tpu.memory_space<hbm>> -> memref<1x512xi32, #tpu.memory_space<hbm>>
        %dma_wait3A_419 = tpu.memref_squeeze %dma_wait3A_418 : memref<1x512xi32, #tpu.memory_space<hbm>> -> memref<512xi32, #tpu.memory_space<hbm>>
        %dma_wait3A_420 = arith.constant 0 : i32
        %dma_wait3A_421 = tpu.memref_slice %arg5[%select_n3A_414, %dma_wait3A_420] : memref<8x512xi32, #tpu.memory_space<vmem>> -> memref<1x512xi32, #tpu.memory_space<vmem>>
        %dma_wait3A_422 = tpu.memref_squeeze %dma_wait3A_421 : memref<1x512xi32, #tpu.memory_space<vmem>> -> memref<512xi32, #tpu.memory_space<vmem>>
        %dma_wait3A_423 = tpu.memref_slice %arg2[%add3A_398, %mul3A_2] : memref<200x16384xi32, #tpu.memory_space<hbm>> -> memref<1x512xi32, #tpu.memory_space<hbm>>
        %dma_wait3A_424 = tpu.memref_squeeze %dma_wait3A_423 : memref<1x512xi32, #tpu.memory_space<hbm>> -> memref<512xi32, #tpu.memory_space<hbm>>
        tpu.wait_dma2 semaphore(%arg8 : memref<!tpu.dma_semaphore, #tpu.memory_space<semaphore_mem>>) src(%dma_wait3A_424 : memref<512xi32, #tpu.memory_space<hbm>>) dst(%dma_wait3A_422 : memref<512xi32, #tpu.memory_space<vmem>>)
        %add3A_425 = arith.constant 1 : i32
        %add3A_426 = arith.addi %add3A_258, %add3A_425 : i32
        %jit3A_427 = arith.constant 8 : i32
        %eq3A_428 = arith.constant 0 : i32
        %eq3A_429 = arith.cmpi eq, %jit3A_427, %eq3A_428 : i32
        %jit3A_430 = arith.constant 1 : i32
        %select_n3A_431 = arith.select %eq3A_429, %jit3A_430, %jit3A_427 : i32
        %rem3A_432 = arith.remsi %add3A_426, %select_n3A_431 : i32
        %ne3A_433 = arith.constant 0 : i32
        %ne3A_434 = arith.cmpi ne, %rem3A_432, %ne3A_433 : i32
        %lt3A_435 = arith.constant 0 : i32
        %lt3A_436 = arith.cmpi slt, %rem3A_432, %lt3A_435 : i32
        %lt3A_437 = arith.constant 0 : i32
        %lt3A_438 = arith.cmpi slt, %select_n3A_431, %lt3A_437 : i32
        %ne3A_439 = arith.xori %lt3A_436, %lt3A_438 : i1
        %and3A_440 = arith.andi %ne3A_439, %ne3A_434 : i1
        %add3A_441 = arith.addi %rem3A_432, %select_n3A_431 : i32
        %select_n3A_442 = arith.select %and3A_440, %add3A_441, %rem3A_432 : i32
        %dma_start3A_443 = arith.constant 1 : i32
        %dma_start3A_444 = arith.constant 0 : i32
        %dma_start3A_445 = arith.constant 0 : i32
        %dma_start3A_446 = tpu.memref_slice %arg6[%dma_start3A_443, %dma_start3A_444, %dma_start3A_445] : memref<2x512x32xf32, #tpu.memory_space<vmem>> -> memref<1x512x32xf32, #tpu.memory_space<vmem>>
        %dma_start3A_447 = tpu.memref_squeeze %dma_start3A_446 : memref<1x512x32xf32, #tpu.memory_space<vmem>> -> memref<512x32xf32, #tpu.memory_space<vmem>>
        %dma_start3A_448 = arith.constant 0 : i32
        %dma_start3A_449 = tpu.memref_slice %arg5[%select_n3A_442, %dma_start3A_448] : memref<8x512xi32, #tpu.memory_space<vmem>> -> memref<1x512xi32, #tpu.memory_space<vmem>>
        %dma_start3A_450 = tpu.memref_squeeze %dma_start3A_449 : memref<1x512xi32, #tpu.memory_space<vmem>> -> memref<512xi32, #tpu.memory_space<vmem>>
        %dma_start3A_451 = arith.constant 0 : i32
        %dma_start3A_452 = arith.constant 0 : i32
        %dma_start3A_453 = tpu.memref_slice %arg3[%dma_start3A_451, %dma_start3A_452] : memref<100000x32xf32, #tpu.memory_space<hbm>> -> memref<100000x32xf32, #tpu.memory_space<hbm>>
        tpu.enqueue_indirect_dma source(%dma_start3A_453 : memref<100000x32xf32, #tpu.memory_space<hbm>>) target(%dma_start3A_447 : memref<512x32xf32, #tpu.memory_space<vmem>>) offsets(%dma_start3A_450 : memref<512xi32, #tpu.memory_space<vmem>>) semaphore(%arg9 : memref<!tpu.dma_semaphore, #tpu.memory_space<semaphore_mem>>)
      } else {
      }
      %ge3A = arith.constant 2 : i32
      %ge3A_284 = arith.cmpi sge, %add3A_258, %ge3A : i32
      %convert_element_type3A_285 = arith.extui %ge3A_284 : i1 to i32
      %cond3A_286 = arith.constant 0 : i32
      %cond3A_287 = arith.cmpi ne, %convert_element_type3A_285, %cond3A_286 : i32
      scf.if %cond3A_287 {
        %sub3A = arith.constant 2 : i32
        %sub3A_397 = arith.subi %add3A_258, %sub3A : i32
        %dma_wait3A_398 = arith.constant 0 : i32
        %dma_wait3A_399 = arith.constant 0 : i32
        %dma_wait3A_400 = arith.constant 0 : i32
        %dma_wait3A_401 = tpu.memref_slice %arg7[%dma_wait3A_398, %dma_wait3A_399, %dma_wait3A_400] : memref<2x32x513xf32, #tpu.memory_space<vmem>> -> memref<1x32x512xf32, #tpu.memory_space<vmem>>
        %dma_wait3A_402 = tpu.memref_squeeze %dma_wait3A_401 : memref<1x32x512xf32, #tpu.memory_space<vmem>> -> memref<32x512xf32, #tpu.memory_space<vmem>>
        %dma_wait3A_403 = arith.constant 0 : i32
        %dma_wait3A_404 = tpu.memref_slice %arg4[%sub3A_397, %dma_wait3A_403, %mul3A_2] : memref<200x32x16384xf32, #tpu.memory_space<hbm>> -> memref<1x32x512xf32, #tpu.memory_space<hbm>>
        %dma_wait3A_405 = tpu.memref_squeeze %dma_wait3A_404 : memref<1x32x512xf32, #tpu.memory_space<hbm>> -> memref<32x512xf32, #tpu.memory_space<hbm>>
        %dma_wait3A_406 = arith.constant 0 : i32
        %dma_wait3A_407 = tpu.memref_slice %arg4[%sub3A_397, %dma_wait3A_406, %mul3A_2] : memref<200x32x16384xf32, #tpu.memory_space<hbm>> -> memref<1x32x512xf32, #tpu.memory_space<hbm>>
        %dma_wait3A_408 = tpu.memref_squeeze %dma_wait3A_407 : memref<1x32x512xf32, #tpu.memory_space<hbm>> -> memref<32x512xf32, #tpu.memory_space<hbm>>
        %dma_wait3A_409 = arith.constant 0 : i32
        %dma_wait3A_410 = arith.constant 0 : i32
        %dma_wait3A_411 = tpu.memref_slice %arg7[%dma_wait3A_398, %dma_wait3A_409, %dma_wait3A_410] : memref<2x32x513xf32, #tpu.memory_space<vmem>> -> memref<1x32x512xf32, #tpu.memory_space<vmem>>
        %dma_wait3A_412 = tpu.memref_squeeze %dma_wait3A_411 : memref<1x32x512xf32, #tpu.memory_space<vmem>> -> memref<32x512xf32, #tpu.memory_space<vmem>>
        tpu.wait_dma2 semaphore(%arg10 : memref<!tpu.dma_semaphore, #tpu.memory_space<semaphore_mem>>) src(%dma_wait3A_412 : memref<32x512xf32, #tpu.memory_space<vmem>>) dst(%dma_wait3A_408 : memref<32x512xf32, #tpu.memory_space<hbm>>)
      } else {
      }
      %add3A_288 = arith.constant 16 : i32
      %add3A_289 = vector.broadcast %add3A_288 : i32 to vector<16xi32>
      %add3A_290 = arith.addi %iota3A, %add3A_289 : vector<16xi32>
      %scan3A_291 = arith.constant 0 : i32
      %scan3A_292 = arith.constant 0 : i32
      %scan3A_293 = arith.constant 0 : i32
      %scan3A_294 = arith.constant 0 : i32
      %scan3A_295 = arith.constant 32 : i32
      %scan3A_296 = arith.addi %scan3A_294, %scan3A_295 : i32
      %scan3A_297 = arith.constant 1 : i32
      scf.for %scan3A_397 = %scan3A_294 to %scan3A_296 step %scan3A_297  : i32 {
        %mul3A_398 = arith.constant 16 : i32
        %mul3A_399 = arith.muli %scan3A_397, %mul3A_398 : i32
        %add3A_400 = arith.constant 0 : i32
        %add3A_401 = arith.addi %mul3A_399, %add3A_400 : i32
        %broadcast_in_dim3A = vector.broadcast %add3A_401 : i32 to vector<16xi32>
        %get3A = arith.constant 0 : i32
        %get3A_402 = arith.constant 0 : i32
        %get3A_403 = tpu.memref_slice %arg6[%scan3A_292, %get3A, %get3A_402] : memref<2x512x32xf32, #tpu.memory_space<vmem>> -> memref<1x512x32xf32, #tpu.memory_space<vmem>>
        %get3A_404 = tpu.memref_squeeze %get3A_403 : memref<1x512x32xf32, #tpu.memory_space<vmem>> -> memref<512x32xf32, #tpu.memory_space<vmem>>
        %get3A_405 = arith.index_cast %add3A_401 : i32 to index
        %get3A_406 = arith.constant 0 : index
        %get3A_407 = tpu.vector_load %get3A_404[%get3A_405, %get3A_406] {strides = array<i32>} : memref<512x32xf32, #tpu.memory_space<vmem>>, vector<16xf32>,
        %scatter3A = arith.constant 0 : i32
        %scatter3A_408 = arith.constant 0 : i32
        %scatter3A_409 = tpu.memref_slice %arg7[%scan3A_293, %scatter3A, %scatter3A_408] : memref<2x32x513xf32, #tpu.memory_space<vmem>> -> memref<1x32x513xf32, #tpu.memory_space<vmem>>
        %scatter3A_410 = tpu.memref_squeeze %scatter3A_409 : memref<1x32x513xf32, #tpu.memory_space<vmem>> -> memref<32x513xf32, #tpu.memory_space<vmem>>
        tpu.vector_store_idx %scatter3A_410[%iota3A, %broadcast_in_dim3A], %get3A_407 : memref<32x513xf32, #tpu.memory_space<vmem>>[vector<16xi32>, vector<16xi32>], vector<16xf32>,
        %get3A_411 = arith.constant 0 : i32
        %get3A_412 = arith.constant 0 : i32
        %get3A_413 = tpu.memref_slice %arg6[%scan3A_292, %get3A_411, %get3A_412] : memref<2x512x32xf32, #tpu.memory_space<vmem>> -> memref<1x512x32xf32, #tpu.memory_space<vmem>>
        %get3A_414 = tpu.memref_squeeze %get3A_413 : memref<1x512x32xf32, #tpu.memory_space<vmem>> -> memref<512x32xf32, #tpu.memory_space<vmem>>
        %get3A_415 = arith.index_cast %add3A_401 : i32 to index
        %get3A_416 = arith.constant 16 : index
        %get3A_417 = tpu.vector_load %get3A_414[%get3A_415, %get3A_416] {strides = array<i32>} : memref<512x32xf32, #tpu.memory_space<vmem>>, vector<16xf32>,
        %scatter3A_418 = arith.constant 0 : i32
        %scatter3A_419 = arith.constant 0 : i32
        %scatter3A_420 = tpu.memref_slice %arg7[%scan3A_293, %scatter3A_418, %scatter3A_419] : memref<2x32x513xf32, #tpu.memory_space<vmem>> -> memref<1x32x513xf32, #tpu.memory_space<vmem>>
        %scatter3A_421 = tpu.memref_squeeze %scatter3A_420 : memref<1x32x513xf32, #tpu.memory_space<vmem>> -> memref<32x513xf32, #tpu.memory_space<vmem>>
        tpu.vector_store_idx %scatter3A_421[%add3A_290, %broadcast_in_dim3A], %get3A_417 : memref<32x513xf32, #tpu.memory_space<vmem>>[vector<16xi32>, vector<16xi32>], vector<16xf32>,
        %mul3A_422 = arith.constant 16 : i32
        %mul3A_423 = arith.muli %scan3A_397, %mul3A_422 : i32
        %add3A_424 = arith.constant 1 : i32
        %add3A_425 = arith.addi %mul3A_423, %add3A_424 : i32
        %broadcast_in_dim3A_426 = vector.broadcast %add3A_425 : i32 to vector<16xi32>
        %get3A_427 = arith.constant 0 : i32
        %get3A_428 = arith.constant 0 : i32
        %get3A_429 = tpu.memref_slice %arg6[%scan3A_292, %get3A_427, %get3A_428] : memref<2x512x32xf32, #tpu.memory_space<vmem>> -> memref<1x512x32xf32, #tpu.memory_space<vmem>>
        %get3A_430 = tpu.memref_squeeze %get3A_429 : memref<1x512x32xf32, #tpu.memory_space<vmem>> -> memref<512x32xf32, #tpu.memory_space<vmem>>
        %get3A_431 = arith.index_cast %add3A_425 : i32 to index
        %get3A_432 = arith.constant 0 : index
        %get3A_433 = tpu.vector_load %get3A_430[%get3A_431, %get3A_432] {strides = array<i32>} : memref<512x32xf32, #tpu.memory_space<vmem>>, vector<16xf32>,
        %scatter3A_434 = arith.constant 0 : i32
        %scatter3A_435 = arith.constant 0 : i32
        %scatter3A_436 = tpu.memref_slice %arg7[%scan3A_293, %scatter3A_434, %scatter3A_435] : memref<2x32x513xf32, #tpu.memory_space<vmem>> -> memref<1x32x513xf32, #tpu.memory_space<vmem>>
        %scatter3A_437 = tpu.memref_squeeze %scatter3A_436 : memref<1x32x513xf32, #tpu.memory_space<vmem>> -> memref<32x513xf32, #tpu.memory_space<vmem>>
        tpu.vector_store_idx %scatter3A_437[%iota3A, %broadcast_in_dim3A_426], %get3A_433 : memref<32x513xf32, #tpu.memory_space<vmem>>[vector<16xi32>, vector<16xi32>], vector<16xf32>,
        %get3A_438 = arith.constant 0 : i32
        %get3A_439 = arith.constant 0 : i32
        %get3A_440 = tpu.memref_slice %arg6[%scan3A_292, %get3A_438, %get3A_439] : memref<2x512x32xf32, #tpu.memory_space<vmem>> -> memref<1x512x32xf32, #tpu.memory_space<vmem>>
        %get3A_441 = tpu.memref_squeeze %get3A_440 : memref<1x512x32xf32, #tpu.memory_space<vmem>> -> memref<512x32xf32, #tpu.memory_space<vmem>>
        %get3A_442 = arith.index_cast %add3A_425 : i32 to index
        %get3A_443 = arith.constant 16 : index
        %get3A_444 = tpu.vector_load %get3A_441[%get3A_442, %get3A_443] {strides = array<i32>} : memref<512x32xf32, #tpu.memory_space<vmem>>, vector<16xf32>,
        %scatter3A_445 = arith.constant 0 : i32
        %scatter3A_446 = arith.constant 0 : i32
        %scatter3A_447 = tpu.memref_slice %arg7[%scan3A_293, %scatter3A_445, %scatter3A_446] : memref<2x32x513xf32, #tpu.memory_space<vmem>> -> memref<1x32x513xf32, #tpu.memory_space<vmem>>
        %scatter3A_448 = tpu.memref_squeeze %scatter3A_447 : memref<1x32x513xf32, #tpu.memory_space<vmem>> -> memref<32x513xf32, #tpu.memory_space<vmem>>
        tpu.vector_store_idx %scatter3A_448[%add3A_290, %broadcast_in_dim3A_426], %get3A_444 : memref<32x513xf32, #tpu.memory_space<vmem>>[vector<16xi32>, vector<16xi32>], vector<16xf32>,
        %mul3A_449 = arith.constant 16 : i32
        %mul3A_450 = arith.muli %scan3A_397, %mul3A_449 : i32
        %add3A_451 = arith.constant 2 : i32
        %add3A_452 = arith.addi %mul3A_450, %add3A_451 : i32
        %broadcast_in_dim3A_453 = vector.broadcast %add3A_452 : i32 to vector<16xi32>
        %get3A_454 = arith.constant 0 : i32
        %get3A_455 = arith.constant 0 : i32
        %get3A_456 = tpu.memref_slice %arg6[%scan3A_292, %get3A_454, %get3A_455] : memref<2x512x32xf32, #tpu.memory_space<vmem>> -> memref<1x512x32xf32, #tpu.memory_space<vmem>>
        %get3A_457 = tpu.memref_squeeze %get3A_456 : memref<1x512x32xf32, #tpu.memory_space<vmem>> -> memref<512x32xf32, #tpu.memory_space<vmem>>
        %get3A_458 = arith.index_cast %add3A_452 : i32 to index
        %get3A_459 = arith.constant 0 : index
        %get3A_460 = tpu.vector_load %get3A_457[%get3A_458, %get3A_459] {strides = array<i32>} : memref<512x32xf32, #tpu.memory_space<vmem>>, vector<16xf32>,
        %scatter3A_461 = arith.constant 0 : i32
        %scatter3A_462 = arith.constant 0 : i32
        %scatter3A_463 = tpu.memref_slice %arg7[%scan3A_293, %scatter3A_461, %scatter3A_462] : memref<2x32x513xf32, #tpu.memory_space<vmem>> -> memref<1x32x513xf32, #tpu.memory_space<vmem>>
        %scatter3A_464 = tpu.memref_squeeze %scatter3A_463 : memref<1x32x513xf32, #tpu.memory_space<vmem>> -> memref<32x513xf32, #tpu.memory_space<vmem>>
        tpu.vector_store_idx %scatter3A_464[%iota3A, %broadcast_in_dim3A_453], %get3A_460 : memref<32x513xf32, #tpu.memory_space<vmem>>[vector<16xi32>, vector<16xi32>], vector<16xf32>,
        %get3A_465 = arith.constant 0 : i32
        %get3A_466 = arith.constant 0 : i32
        %get3A_467 = tpu.memref_slice %arg6[%scan3A_292, %get3A_465, %get3A_466] : memref<2x512x32xf32, #tpu.memory_space<vmem>> -> memref<1x512x32xf32, #tpu.memory_space<vmem>>
        %get3A_468 = tpu.memref_squeeze %get3A_467 : memref<1x512x32xf32, #tpu.memory_space<vmem>> -> memref<512x32xf32, #tpu.memory_space<vmem>>
        %get3A_469 = arith.index_cast %add3A_452 : i32 to index
        %get3A_470 = arith.constant 16 : index
        %get3A_471 = tpu.vector_load %get3A_468[%get3A_469, %get3A_470] {strides = array<i32>} : memref<512x32xf32, #tpu.memory_space<vmem>>, vector<16xf32>,
        %scatter3A_472 = arith.constant 0 : i32
        %scatter3A_473 = arith.constant 0 : i32
        %scatter3A_474 = tpu.memref_slice %arg7[%scan3A_293, %scatter3A_472, %scatter3A_473] : memref<2x32x513xf32, #tpu.memory_space<vmem>> -> memref<1x32x513xf32, #tpu.memory_space<vmem>>
        %scatter3A_475 = tpu.memref_squeeze %scatter3A_474 : memref<1x32x513xf32, #tpu.memory_space<vmem>> -> memref<32x513xf32, #tpu.memory_space<vmem>>
        tpu.vector_store_idx %scatter3A_475[%add3A_290, %broadcast_in_dim3A_453], %get3A_471 : memref<32x513xf32, #tpu.memory_space<vmem>>[vector<16xi32>, vector<16xi32>], vector<16xf32>,
        %mul3A_476 = arith.constant 16 : i32
        %mul3A_477 = arith.muli %scan3A_397, %mul3A_476 : i32
        %add3A_478 = arith.constant 3 : i32
        %add3A_479 = arith.addi %mul3A_477, %add3A_478 : i32
        %broadcast_in_dim3A_480 = vector.broadcast %add3A_479 : i32 to vector<16xi32>
        %get3A_481 = arith.constant 0 : i32
        %get3A_482 = arith.constant 0 : i32
        %get3A_483 = tpu.memref_slice %arg6[%scan3A_292, %get3A_481, %get3A_482] : memref<2x512x32xf32, #tpu.memory_space<vmem>> -> memref<1x512x32xf32, #tpu.memory_space<vmem>>
        %get3A_484 = tpu.memref_squeeze %get3A_483 : memref<1x512x32xf32, #tpu.memory_space<vmem>> -> memref<512x32xf32, #tpu.memory_space<vmem>>
        %get3A_485 = arith.index_cast %add3A_479 : i32 to index
        %get3A_486 = arith.constant 0 : index
        %get3A_487 = tpu.vector_load %get3A_484[%get3A_485, %get3A_486] {strides = array<i32>} : memref<512x32xf32, #tpu.memory_space<vmem>>, vector<16xf32>,
        %scatter3A_488 = arith.constant 0 : i32
        %scatter3A_489 = arith.constant 0 : i32
        %scatter3A_490 = tpu.memref_slice %arg7[%scan3A_293, %scatter3A_488, %scatter3A_489] : memref<2x32x513xf32, #tpu.memory_space<vmem>> -> memref<1x32x513xf32, #tpu.memory_space<vmem>>
        %scatter3A_491 = tpu.memref_squeeze %scatter3A_490 : memref<1x32x513xf32, #tpu.memory_space<vmem>> -> memref<32x513xf32, #tpu.memory_space<vmem>>
        tpu.vector_store_idx %scatter3A_491[%iota3A, %broadcast_in_dim3A_480], %get3A_487 : memref<32x513xf32, #tpu.memory_space<vmem>>[vector<16xi32>, vector<16xi32>], vector<16xf32>,
        %get3A_492 = arith.constant 0 : i32
        %get3A_493 = arith.constant 0 : i32
        %get3A_494 = tpu.memref_slice %arg6[%scan3A_292, %get3A_492, %get3A_493] : memref<2x512x32xf32, #tpu.memory_space<vmem>> -> memref<1x512x32xf32, #tpu.memory_space<vmem>>
        %get3A_495 = tpu.memref_squeeze %get3A_494 : memref<1x512x32xf32, #tpu.memory_space<vmem>> -> memref<512x32xf32, #tpu.memory_space<vmem>>
        %get3A_496 = arith.index_cast %add3A_479 : i32 to index
        %get3A_497 = arith.constant 16 : index
        %get3A_498 = tpu.vector_load %get3A_495[%get3A_496, %get3A_497] {strides = array<i32>} : memref<512x32xf32, #tpu.memory_space<vmem>>, vector<16xf32>,
        %scatter3A_499 = arith.constant 0 : i32
        %scatter3A_500 = arith.constant 0 : i32
        %scatter3A_501 = tpu.memref_slice %arg7[%scan3A_293, %scatter3A_499, %scatter3A_500] : memref<2x32x513xf32, #tpu.memory_space<vmem>> -> memref<1x32x513xf32, #tpu.memory_space<vmem>>
        %scatter3A_502 = tpu.memref_squeeze %scatter3A_501 : memref<1x32x513xf32, #tpu.memory_space<vmem>> -> memref<32x513xf32, #tpu.memory_space<vmem>>
        tpu.vector_store_idx %scatter3A_502[%add3A_290, %broadcast_in_dim3A_480], %get3A_498 : memref<32x513xf32, #tpu.memory_space<vmem>>[vector<16xi32>, vector<16xi32>], vector<16xf32>,
        %mul3A_503 = arith.constant 16 : i32
        %mul3A_504 = arith.muli %scan3A_397, %mul3A_503 : i32
        %add3A_505 = arith.constant 4 : i32
        %add3A_506 = arith.addi %mul3A_504, %add3A_505 : i32
        %broadcast_in_dim3A_507 = vector.broadcast %add3A_506 : i32 to vector<16xi32>
        %get3A_508 = arith.constant 0 : i32
        %get3A_509 = arith.constant 0 : i32
        %get3A_510 = tpu.memref_slice %arg6[%scan3A_292, %get3A_508, %get3A_509] : memref<2x512x32xf32, #tpu.memory_space<vmem>> -> memref<1x512x32xf32, #tpu.memory_space<vmem>>
        %get3A_511 = tpu.memref_squeeze %get3A_510 : memref<1x512x32xf32, #tpu.memory_space<vmem>> -> memref<512x32xf32, #tpu.memory_space<vmem>>
        %get3A_512 = arith.index_cast %add3A_506 : i32 to index
        %get3A_513 = arith.constant 0 : index
        %get3A_514 = tpu.vector_load %get3A_511[%get3A_512, %get3A_513] {strides = array<i32>} : memref<512x32xf32, #tpu.memory_space<vmem>>, vector<16xf32>,
        %scatter3A_515 = arith.constant 0 : i32
        %scatter3A_516 = arith.constant 0 : i32
        %scatter3A_517 = tpu.memref_slice %arg7[%scan3A_293, %scatter3A_515, %scatter3A_516] : memref<2x32x513xf32, #tpu.memory_space<vmem>> -> memref<1x32x513xf32, #tpu.memory_space<vmem>>
        %scatter3A_518 = tpu.memref_squeeze %scatter3A_517 : memref<1x32x513xf32, #tpu.memory_space<vmem>> -> memref<32x513xf32, #tpu.memory_space<vmem>>
        tpu.vector_store_idx %scatter3A_518[%iota3A, %broadcast_in_dim3A_507], %get3A_514 : memref<32x513xf32, #tpu.memory_space<vmem>>[vector<16xi32>, vector<16xi32>], vector<16xf32>,
        %get3A_519 = arith.constant 0 : i32
        %get3A_520 = arith.constant 0 : i32
        %get3A_521 = tpu.memref_slice %arg6[%scan3A_292, %get3A_519, %get3A_520] : memref<2x512x32xf32, #tpu.memory_space<vmem>> -> memref<1x512x32xf32, #tpu.memory_space<vmem>>
        %get3A_522 = tpu.memref_squeeze %get3A_521 : memref<1x512x32xf32, #tpu.memory_space<vmem>> -> memref<512x32xf32, #tpu.memory_space<vmem>>
        %get3A_523 = arith.index_cast %add3A_506 : i32 to index
        %get3A_524 = arith.constant 16 : index
        %get3A_525 = tpu.vector_load %get3A_522[%get3A_523, %get3A_524] {strides = array<i32>} : memref<512x32xf32, #tpu.memory_space<vmem>>, vector<16xf32>,
        %scatter3A_526 = arith.constant 0 : i32
        %scatter3A_527 = arith.constant 0 : i32
        %scatter3A_528 = tpu.memref_slice %arg7[%scan3A_293, %scatter3A_526, %scatter3A_527] : memref<2x32x513xf32, #tpu.memory_space<vmem>> -> memref<1x32x513xf32, #tpu.memory_space<vmem>>
        %scatter3A_529 = tpu.memref_squeeze %scatter3A_528 : memref<1x32x513xf32, #tpu.memory_space<vmem>> -> memref<32x513xf32, #tpu.memory_space<vmem>>
        tpu.vector_store_idx %scatter3A_529[%add3A_290, %broadcast_in_dim3A_507], %get3A_525 : memref<32x513xf32, #tpu.memory_space<vmem>>[vector<16xi32>, vector<16xi32>], vector<16xf32>,
        %mul3A_530 = arith.constant 16 : i32
        %mul3A_531 = arith.muli %scan3A_397, %mul3A_530 : i32
        %add3A_532 = arith.constant 5 : i32
        %add3A_533 = arith.addi %mul3A_531, %add3A_532 : i32
        %broadcast_in_dim3A_534 = vector.broadcast %add3A_533 : i32 to vector<16xi32>
        %get3A_535 = arith.constant 0 : i32
        %get3A_536 = arith.constant 0 : i32
        %get3A_537 = tpu.memref_slice %arg6[%scan3A_292, %get3A_535, %get3A_536] : memref<2x512x32xf32, #tpu.memory_space<vmem>> -> memref<1x512x32xf32, #tpu.memory_space<vmem>>
        %get3A_538 = tpu.memref_squeeze %get3A_537 : memref<1x512x32xf32, #tpu.memory_space<vmem>> -> memref<512x32xf32, #tpu.memory_space<vmem>>
        %get3A_539 = arith.index_cast %add3A_533 : i32 to index
        %get3A_540 = arith.constant 0 : index
        %get3A_541 = tpu.vector_load %get3A_538[%get3A_539, %get3A_540] {strides = array<i32>} : memref<512x32xf32, #tpu.memory_space<vmem>>, vector<16xf32>,
        %scatter3A_542 = arith.constant 0 : i32
        %scatter3A_543 = arith.constant 0 : i32
        %scatter3A_544 = tpu.memref_slice %arg7[%scan3A_293, %scatter3A_542, %scatter3A_543] : memref<2x32x513xf32, #tpu.memory_space<vmem>> -> memref<1x32x513xf32, #tpu.memory_space<vmem>>
        %scatter3A_545 = tpu.memref_squeeze %scatter3A_544 : memref<1x32x513xf32, #tpu.memory_space<vmem>> -> memref<32x513xf32, #tpu.memory_space<vmem>>
        tpu.vector_store_idx %scatter3A_545[%iota3A, %broadcast_in_dim3A_534], %get3A_541 : memref<32x513xf32, #tpu.memory_space<vmem>>[vector<16xi32>, vector<16xi32>], vector<16xf32>,
        %get3A_546 = arith.constant 0 : i32
        %get3A_547 = arith.constant 0 : i32
        %get3A_548 = tpu.memref_slice %arg6[%scan3A_292, %get3A_546, %get3A_547] : memref<2x512x32xf32, #tpu.memory_space<vmem>> -> memref<1x512x32xf32, #tpu.memory_space<vmem>>
        %get3A_549 = tpu.memref_squeeze %get3A_548 : memref<1x512x32xf32, #tpu.memory_space<vmem>> -> memref<512x32xf32, #tpu.memory_space<vmem>>
        %get3A_550 = arith.index_cast %add3A_533 : i32 to index
        %get3A_551 = arith.constant 16 : index
        %get3A_552 = tpu.vector_load %get3A_549[%get3A_550, %get3A_551] {strides = array<i32>} : memref<512x32xf32, #tpu.memory_space<vmem>>, vector<16xf32>,
        %scatter3A_553 = arith.constant 0 : i32
        %scatter3A_554 = arith.constant 0 : i32
        %scatter3A_555 = tpu.memref_slice %arg7[%scan3A_293, %scatter3A_553, %scatter3A_554] : memref<2x32x513xf32, #tpu.memory_space<vmem>> -> memref<1x32x513xf32, #tpu.memory_space<vmem>>
        %scatter3A_556 = tpu.memref_squeeze %scatter3A_555 : memref<1x32x513xf32, #tpu.memory_space<vmem>> -> memref<32x513xf32, #tpu.memory_space<vmem>>
        tpu.vector_store_idx %scatter3A_556[%add3A_290, %broadcast_in_dim3A_534], %get3A_552 : memref<32x513xf32, #tpu.memory_space<vmem>>[vector<16xi32>, vector<16xi32>], vector<16xf32>,
        %mul3A_557 = arith.constant 16 : i32
        %mul3A_558 = arith.muli %scan3A_397, %mul3A_557 : i32
        %add3A_559 = arith.constant 6 : i32
        %add3A_560 = arith.addi %mul3A_558, %add3A_559 : i32
        %broadcast_in_dim3A_561 = vector.broadcast %add3A_560 : i32 to vector<16xi32>
        %get3A_562 = arith.constant 0 : i32
        %get3A_563 = arith.constant 0 : i32
        %get3A_564 = tpu.memref_slice %arg6[%scan3A_292, %get3A_562, %get3A_563] : memref<2x512x32xf32, #tpu.memory_space<vmem>> -> memref<1x512x32xf32, #tpu.memory_space<vmem>>
        %get3A_565 = tpu.memref_squeeze %get3A_564 : memref<1x512x32xf32, #tpu.memory_space<vmem>> -> memref<512x32xf32, #tpu.memory_space<vmem>>
        %get3A_566 = arith.index_cast %add3A_560 : i32 to index
        %get3A_567 = arith.constant 0 : index
        %get3A_568 = tpu.vector_load %get3A_565[%get3A_566, %get3A_567] {strides = array<i32>} : memref<512x32xf32, #tpu.memory_space<vmem>>, vector<16xf32>,
        %scatter3A_569 = arith.constant 0 : i32
        %scatter3A_570 = arith.constant 0 : i32
        %scatter3A_571 = tpu.memref_slice %arg7[%scan3A_293, %scatter3A_569, %scatter3A_570] : memref<2x32x513xf32, #tpu.memory_space<vmem>> -> memref<1x32x513xf32, #tpu.memory_space<vmem>>
        %scatter3A_572 = tpu.memref_squeeze %scatter3A_571 : memref<1x32x513xf32, #tpu.memory_space<vmem>> -> memref<32x513xf32, #tpu.memory_space<vmem>>
        tpu.vector_store_idx %scatter3A_572[%iota3A, %broadcast_in_dim3A_561], %get3A_568 : memref<32x513xf32, #tpu.memory_space<vmem>>[vector<16xi32>, vector<16xi32>], vector<16xf32>,
        %get3A_573 = arith.constant 0 : i32
        %get3A_574 = arith.constant 0 : i32
        %get3A_575 = tpu.memref_slice %arg6[%scan3A_292, %get3A_573, %get3A_574] : memref<2x512x32xf32, #tpu.memory_space<vmem>> -> memref<1x512x32xf32, #tpu.memory_space<vmem>>
        %get3A_576 = tpu.memref_squeeze %get3A_575 : memref<1x512x32xf32, #tpu.memory_space<vmem>> -> memref<512x32xf32, #tpu.memory_space<vmem>>
        %get3A_577 = arith.index_cast %add3A_560 : i32 to index
        %get3A_578 = arith.constant 16 : index
        %get3A_579 = tpu.vector_load %get3A_576[%get3A_577, %get3A_578] {strides = array<i32>} : memref<512x32xf32, #tpu.memory_space<vmem>>, vector<16xf32>,
        %scatter3A_580 = arith.constant 0 : i32
        %scatter3A_581 = arith.constant 0 : i32
        %scatter3A_582 = tpu.memref_slice %arg7[%scan3A_293, %scatter3A_580, %scatter3A_581] : memref<2x32x513xf32, #tpu.memory_space<vmem>> -> memref<1x32x513xf32, #tpu.memory_space<vmem>>
        %scatter3A_583 = tpu.memref_squeeze %scatter3A_582 : memref<1x32x513xf32, #tpu.memory_space<vmem>> -> memref<32x513xf32, #tpu.memory_space<vmem>>
        tpu.vector_store_idx %scatter3A_583[%add3A_290, %broadcast_in_dim3A_561], %get3A_579 : memref<32x513xf32, #tpu.memory_space<vmem>>[vector<16xi32>, vector<16xi32>], vector<16xf32>,
        %mul3A_584 = arith.constant 16 : i32
        %mul3A_585 = arith.muli %scan3A_397, %mul3A_584 : i32
        %add3A_586 = arith.constant 7 : i32
        %add3A_587 = arith.addi %mul3A_585, %add3A_586 : i32
        %broadcast_in_dim3A_588 = vector.broadcast %add3A_587 : i32 to vector<16xi32>
        %get3A_589 = arith.constant 0 : i32
        %get3A_590 = arith.constant 0 : i32
        %get3A_591 = tpu.memref_slice %arg6[%scan3A_292, %get3A_589, %get3A_590] : memref<2x512x32xf32, #tpu.memory_space<vmem>> -> memref<1x512x32xf32, #tpu.memory_space<vmem>>
        %get3A_592 = tpu.memref_squeeze %get3A_591 : memref<1x512x32xf32, #tpu.memory_space<vmem>> -> memref<512x32xf32, #tpu.memory_space<vmem>>
        %get3A_593 = arith.index_cast %add3A_587 : i32 to index
        %get3A_594 = arith.constant 0 : index
        %get3A_595 = tpu.vector_load %get3A_592[%get3A_593, %get3A_594] {strides = array<i32>} : memref<512x32xf32, #tpu.memory_space<vmem>>, vector<16xf32>,
        %scatter3A_596 = arith.constant 0 : i32
        %scatter3A_597 = arith.constant 0 : i32
        %scatter3A_598 = tpu.memref_slice %arg7[%scan3A_293, %scatter3A_596, %scatter3A_597] : memref<2x32x513xf32, #tpu.memory_space<vmem>> -> memref<1x32x513xf32, #tpu.memory_space<vmem>>
        %scatter3A_599 = tpu.memref_squeeze %scatter3A_598 : memref<1x32x513xf32, #tpu.memory_space<vmem>> -> memref<32x513xf32, #tpu.memory_space<vmem>>
        tpu.vector_store_idx %scatter3A_599[%iota3A, %broadcast_in_dim3A_588], %get3A_595 : memref<32x513xf32, #tpu.memory_space<vmem>>[vector<16xi32>, vector<16xi32>], vector<16xf32>,
        %get3A_600 = arith.constant 0 : i32
        %get3A_601 = arith.constant 0 : i32
        %get3A_602 = tpu.memref_slice %arg6[%scan3A_292, %get3A_600, %get3A_601] : memref<2x512x32xf32, #tpu.memory_space<vmem>> -> memref<1x512x32xf32, #tpu.memory_space<vmem>>
        %get3A_603 = tpu.memref_squeeze %get3A_602 : memref<1x512x32xf32, #tpu.memory_space<vmem>> -> memref<512x32xf32, #tpu.memory_space<vmem>>
        %get3A_604 = arith.index_cast %add3A_587 : i32 to index
        %get3A_605 = arith.constant 16 : index
        %get3A_606 = tpu.vector_load %get3A_603[%get3A_604, %get3A_605] {strides = array<i32>} : memref<512x32xf32, #tpu.memory_space<vmem>>, vector<16xf32>,
        %scatter3A_607 = arith.constant 0 : i32
        %scatter3A_608 = arith.constant 0 : i32
        %scatter3A_609 = tpu.memref_slice %arg7[%scan3A_293, %scatter3A_607, %scatter3A_608] : memref<2x32x513xf32, #tpu.memory_space<vmem>> -> memref<1x32x513xf32, #tpu.memory_space<vmem>>
        %scatter3A_610 = tpu.memref_squeeze %scatter3A_609 : memref<1x32x513xf32, #tpu.memory_space<vmem>> -> memref<32x513xf32, #tpu.memory_space<vmem>>
        tpu.vector_store_idx %scatter3A_610[%add3A_290, %broadcast_in_dim3A_588], %get3A_606 : memref<32x513xf32, #tpu.memory_space<vmem>>[vector<16xi32>, vector<16xi32>], vector<16xf32>,
        %mul3A_611 = arith.constant 16 : i32
        %mul3A_612 = arith.muli %scan3A_397, %mul3A_611 : i32
        %add3A_613 = arith.constant 8 : i32
        %add3A_614 = arith.addi %mul3A_612, %add3A_613 : i32
        %broadcast_in_dim3A_615 = vector.broadcast %add3A_614 : i32 to vector<16xi32>
        %get3A_616 = arith.constant 0 : i32
        %get3A_617 = arith.constant 0 : i32
        %get3A_618 = tpu.memref_slice %arg6[%scan3A_292, %get3A_616, %get3A_617] : memref<2x512x32xf32, #tpu.memory_space<vmem>> -> memref<1x512x32xf32, #tpu.memory_space<vmem>>
        %get3A_619 = tpu.memref_squeeze %get3A_618 : memref<1x512x32xf32, #tpu.memory_space<vmem>> -> memref<512x32xf32, #tpu.memory_space<vmem>>
        %get3A_620 = arith.index_cast %add3A_614 : i32 to index
        %get3A_621 = arith.constant 0 : index
        %get3A_622 = tpu.vector_load %get3A_619[%get3A_620, %get3A_621] {strides = array<i32>} : memref<512x32xf32, #tpu.memory_space<vmem>>, vector<16xf32>,
        %scatter3A_623 = arith.constant 0 : i32
        %scatter3A_624 = arith.constant 0 : i32
        %scatter3A_625 = tpu.memref_slice %arg7[%scan3A_293, %scatter3A_623, %scatter3A_624] : memref<2x32x513xf32, #tpu.memory_space<vmem>> -> memref<1x32x513xf32, #tpu.memory_space<vmem>>
        %scatter3A_626 = tpu.memref_squeeze %scatter3A_625 : memref<1x32x513xf32, #tpu.memory_space<vmem>> -> memref<32x513xf32, #tpu.memory_space<vmem>>
        tpu.vector_store_idx %scatter3A_626[%iota3A, %broadcast_in_dim3A_615], %get3A_622 : memref<32x513xf32, #tpu.memory_space<vmem>>[vector<16xi32>, vector<16xi32>], vector<16xf32>,
        %get3A_627 = arith.constant 0 : i32
        %get3A_628 = arith.constant 0 : i32
        %get3A_629 = tpu.memref_slice %arg6[%scan3A_292, %get3A_627, %get3A_628] : memref<2x512x32xf32, #tpu.memory_space<vmem>> -> memref<1x512x32xf32, #tpu.memory_space<vmem>>
        %get3A_630 = tpu.memref_squeeze %get3A_629 : memref<1x512x32xf32, #tpu.memory_space<vmem>> -> memref<512x32xf32, #tpu.memory_space<vmem>>
        %get3A_631 = arith.index_cast %add3A_614 : i32 to index
        %get3A_632 = arith.constant 16 : index
        %get3A_633 = tpu.vector_load %get3A_630[%get3A_631, %get3A_632] {strides = array<i32>} : memref<512x32xf32, #tpu.memory_space<vmem>>, vector<16xf32>,
        %scatter3A_634 = arith.constant 0 : i32
        %scatter3A_635 = arith.constant 0 : i32
        %scatter3A_636 = tpu.memref_slice %arg7[%scan3A_293, %scatter3A_634, %scatter3A_635] : memref<2x32x513xf32, #tpu.memory_space<vmem>> -> memref<1x32x513xf32, #tpu.memory_space<vmem>>
        %scatter3A_637 = tpu.memref_squeeze %scatter3A_636 : memref<1x32x513xf32, #tpu.memory_space<vmem>> -> memref<32x513xf32, #tpu.memory_space<vmem>>
        tpu.vector_store_idx %scatter3A_637[%add3A_290, %broadcast_in_dim3A_615], %get3A_633 : memref<32x513xf32, #tpu.memory_space<vmem>>[vector<16xi32>, vector<16xi32>], vector<16xf32>,
        %mul3A_638 = arith.constant 16 : i32
        %mul3A_639 = arith.muli %scan3A_397, %mul3A_638 : i32
        %add3A_640 = arith.constant 9 : i32
        %add3A_641 = arith.addi %mul3A_639, %add3A_640 : i32
        %broadcast_in_dim3A_642 = vector.broadcast %add3A_641 : i32 to vector<16xi32>
        %get3A_643 = arith.constant 0 : i32
        %get3A_644 = arith.constant 0 : i32
        %get3A_645 = tpu.memref_slice %arg6[%scan3A_292, %get3A_643, %get3A_644] : memref<2x512x32xf32, #tpu.memory_space<vmem>> -> memref<1x512x32xf32, #tpu.memory_space<vmem>>
        %get3A_646 = tpu.memref_squeeze %get3A_645 : memref<1x512x32xf32, #tpu.memory_space<vmem>> -> memref<512x32xf32, #tpu.memory_space<vmem>>
        %get3A_647 = arith.index_cast %add3A_641 : i32 to index
        %get3A_648 = arith.constant 0 : index
        %get3A_649 = tpu.vector_load %get3A_646[%get3A_647, %get3A_648] {strides = array<i32>} : memref<512x32xf32, #tpu.memory_space<vmem>>, vector<16xf32>,
        %scatter3A_650 = arith.constant 0 : i32
        %scatter3A_651 = arith.constant 0 : i32
        %scatter3A_652 = tpu.memref_slice %arg7[%scan3A_293, %scatter3A_650, %scatter3A_651] : memref<2x32x513xf32, #tpu.memory_space<vmem>> -> memref<1x32x513xf32, #tpu.memory_space<vmem>>
        %scatter3A_653 = tpu.memref_squeeze %scatter3A_652 : memref<1x32x513xf32, #tpu.memory_space<vmem>> -> memref<32x513xf32, #tpu.memory_space<vmem>>
        tpu.vector_store_idx %scatter3A_653[%iota3A, %broadcast_in_dim3A_642], %get3A_649 : memref<32x513xf32, #tpu.memory_space<vmem>>[vector<16xi32>, vector<16xi32>], vector<16xf32>,
        %get3A_654 = arith.constant 0 : i32
        %get3A_655 = arith.constant 0 : i32
        %get3A_656 = tpu.memref_slice %arg6[%scan3A_292, %get3A_654, %get3A_655] : memref<2x512x32xf32, #tpu.memory_space<vmem>> -> memref<1x512x32xf32, #tpu.memory_space<vmem>>
        %get3A_657 = tpu.memref_squeeze %get3A_656 : memref<1x512x32xf32, #tpu.memory_space<vmem>> -> memref<512x32xf32, #tpu.memory_space<vmem>>
        %get3A_658 = arith.index_cast %add3A_641 : i32 to index
        %get3A_659 = arith.constant 16 : index
        %get3A_660 = tpu.vector_load %get3A_657[%get3A_658, %get3A_659] {strides = array<i32>} : memref<512x32xf32, #tpu.memory_space<vmem>>, vector<16xf32>,
        %scatter3A_661 = arith.constant 0 : i32
        %scatter3A_662 = arith.constant 0 : i32
        %scatter3A_663 = tpu.memref_slice %arg7[%scan3A_293, %scatter3A_661, %scatter3A_662] : memref<2x32x513xf32, #tpu.memory_space<vmem>> -> memref<1x32x513xf32, #tpu.memory_space<vmem>>
        %scatter3A_664 = tpu.memref_squeeze %scatter3A_663 : memref<1x32x513xf32, #tpu.memory_space<vmem>> -> memref<32x513xf32, #tpu.memory_space<vmem>>
        tpu.vector_store_idx %scatter3A_664[%add3A_290, %broadcast_in_dim3A_642], %get3A_660 : memref<32x513xf32, #tpu.memory_space<vmem>>[vector<16xi32>, vector<16xi32>], vector<16xf32>,
        %mul3A_665 = arith.constant 16 : i32
        %mul3A_666 = arith.muli %scan3A_397, %mul3A_665 : i32
        %add3A_667 = arith.constant 10 : i32
        %add3A_668 = arith.addi %mul3A_666, %add3A_667 : i32
        %broadcast_in_dim3A_669 = vector.broadcast %add3A_668 : i32 to vector<16xi32>
        %get3A_670 = arith.constant 0 : i32
        %get3A_671 = arith.constant 0 : i32
        %get3A_672 = tpu.memref_slice %arg6[%scan3A_292, %get3A_670, %get3A_671] : memref<2x512x32xf32, #tpu.memory_space<vmem>> -> memref<1x512x32xf32, #tpu.memory_space<vmem>>
        %get3A_673 = tpu.memref_squeeze %get3A_672 : memref<1x512x32xf32, #tpu.memory_space<vmem>> -> memref<512x32xf32, #tpu.memory_space<vmem>>
        %get3A_674 = arith.index_cast %add3A_668 : i32 to index
        %get3A_675 = arith.constant 0 : index
        %get3A_676 = tpu.vector_load %get3A_673[%get3A_674, %get3A_675] {strides = array<i32>} : memref<512x32xf32, #tpu.memory_space<vmem>>, vector<16xf32>,
        %scatter3A_677 = arith.constant 0 : i32
        %scatter3A_678 = arith.constant 0 : i32
        %scatter3A_679 = tpu.memref_slice %arg7[%scan3A_293, %scatter3A_677, %scatter3A_678] : memref<2x32x513xf32, #tpu.memory_space<vmem>> -> memref<1x32x513xf32, #tpu.memory_space<vmem>>
        %scatter3A_680 = tpu.memref_squeeze %scatter3A_679 : memref<1x32x513xf32, #tpu.memory_space<vmem>> -> memref<32x513xf32, #tpu.memory_space<vmem>>
        tpu.vector_store_idx %scatter3A_680[%iota3A, %broadcast_in_dim3A_669], %get3A_676 : memref<32x513xf32, #tpu.memory_space<vmem>>[vector<16xi32>, vector<16xi32>], vector<16xf32>,
        %get3A_681 = arith.constant 0 : i32
        %get3A_682 = arith.constant 0 : i32
        %get3A_683 = tpu.memref_slice %arg6[%scan3A_292, %get3A_681, %get3A_682] : memref<2x512x32xf32, #tpu.memory_space<vmem>> -> memref<1x512x32xf32, #tpu.memory_space<vmem>>
        %get3A_684 = tpu.memref_squeeze %get3A_683 : memref<1x512x32xf32, #tpu.memory_space<vmem>> -> memref<512x32xf32, #tpu.memory_space<vmem>>
        %get3A_685 = arith.index_cast %add3A_668 : i32 to index
        %get3A_686 = arith.constant 16 : index
        %get3A_687 = tpu.vector_load %get3A_684[%get3A_685, %get3A_686] {strides = array<i32>} : memref<512x32xf32, #tpu.memory_space<vmem>>, vector<16xf32>,
        %scatter3A_688 = arith.constant 0 : i32
        %scatter3A_689 = arith.constant 0 : i32
        %scatter3A_690 = tpu.memref_slice %arg7[%scan3A_293, %scatter3A_688, %scatter3A_689] : memref<2x32x513xf32, #tpu.memory_space<vmem>> -> memref<1x32x513xf32, #tpu.memory_space<vmem>>
        %scatter3A_691 = tpu.memref_squeeze %scatter3A_690 : memref<1x32x513xf32, #tpu.memory_space<vmem>> -> memref<32x513xf32, #tpu.memory_space<vmem>>
        tpu.vector_store_idx %scatter3A_691[%add3A_290, %broadcast_in_dim3A_669], %get3A_687 : memref<32x513xf32, #tpu.memory_space<vmem>>[vector<16xi32>, vector<16xi32>], vector<16xf32>,
        %mul3A_692 = arith.constant 16 : i32
        %mul3A_693 = arith.muli %scan3A_397, %mul3A_692 : i32
        %add3A_694 = arith.constant 11 : i32
        %add3A_695 = arith.addi %mul3A_693, %add3A_694 : i32
        %broadcast_in_dim3A_696 = vector.broadcast %add3A_695 : i32 to vector<16xi32>
        %get3A_697 = arith.constant 0 : i32
        %get3A_698 = arith.constant 0 : i32
        %get3A_699 = tpu.memref_slice %arg6[%scan3A_292, %get3A_697, %get3A_698] : memref<2x512x32xf32, #tpu.memory_space<vmem>> -> memref<1x512x32xf32, #tpu.memory_space<vmem>>
        %get3A_700 = tpu.memref_squeeze %get3A_699 : memref<1x512x32xf32, #tpu.memory_space<vmem>> -> memref<512x32xf32, #tpu.memory_space<vmem>>
        %get3A_701 = arith.index_cast %add3A_695 : i32 to index
        %get3A_702 = arith.constant 0 : index
        %get3A_703 = tpu.vector_load %get3A_700[%get3A_701, %get3A_702] {strides = array<i32>} : memref<512x32xf32, #tpu.memory_space<vmem>>, vector<16xf32>,
        %scatter3A_704 = arith.constant 0 : i32
        %scatter3A_705 = arith.constant 0 : i32
        %scatter3A_706 = tpu.memref_slice %arg7[%scan3A_293, %scatter3A_704, %scatter3A_705] : memref<2x32x513xf32, #tpu.memory_space<vmem>> -> memref<1x32x513xf32, #tpu.memory_space<vmem>>
        %scatter3A_707 = tpu.memref_squeeze %scatter3A_706 : memref<1x32x513xf32, #tpu.memory_space<vmem>> -> memref<32x513xf32, #tpu.memory_space<vmem>>
        tpu.vector_store_idx %scatter3A_707[%iota3A, %broadcast_in_dim3A_696], %get3A_703 : memref<32x513xf32, #tpu.memory_space<vmem>>[vector<16xi32>, vector<16xi32>], vector<16xf32>,
        %get3A_708 = arith.constant 0 : i32
        %get3A_709 = arith.constant 0 : i32
        %get3A_710 = tpu.memref_slice %arg6[%scan3A_292, %get3A_708, %get3A_709] : memref<2x512x32xf32, #tpu.memory_space<vmem>> -> memref<1x512x32xf32, #tpu.memory_space<vmem>>
        %get3A_711 = tpu.memref_squeeze %get3A_710 : memref<1x512x32xf32, #tpu.memory_space<vmem>> -> memref<512x32xf32, #tpu.memory_space<vmem>>
        %get3A_712 = arith.index_cast %add3A_695 : i32 to index
        %get3A_713 = arith.constant 16 : index
        %get3A_714 = tpu.vector_load %get3A_711[%get3A_712, %get3A_713] {strides = array<i32>} : memref<512x32xf32, #tpu.memory_space<vmem>>, vector<16xf32>,
        %scatter3A_715 = arith.constant 0 : i32
        %scatter3A_716 = arith.constant 0 : i32
        %scatter3A_717 = tpu.memref_slice %arg7[%scan3A_293, %scatter3A_715, %scatter3A_716] : memref<2x32x513xf32, #tpu.memory_space<vmem>> -> memref<1x32x513xf32, #tpu.memory_space<vmem>>
        %scatter3A_718 = tpu.memref_squeeze %scatter3A_717 : memref<1x32x513xf32, #tpu.memory_space<vmem>> -> memref<32x513xf32, #tpu.memory_space<vmem>>
        tpu.vector_store_idx %scatter3A_718[%add3A_290, %broadcast_in_dim3A_696], %get3A_714 : memref<32x513xf32, #tpu.memory_space<vmem>>[vector<16xi32>, vector<16xi32>], vector<16xf32>,
        %mul3A_719 = arith.constant 16 : i32
        %mul3A_720 = arith.muli %scan3A_397, %mul3A_719 : i32
        %add3A_721 = arith.constant 12 : i32
        %add3A_722 = arith.addi %mul3A_720, %add3A_721 : i32
        %broadcast_in_dim3A_723 = vector.broadcast %add3A_722 : i32 to vector<16xi32>
        %get3A_724 = arith.constant 0 : i32
        %get3A_725 = arith.constant 0 : i32
        %get3A_726 = tpu.memref_slice %arg6[%scan3A_292, %get3A_724, %get3A_725] : memref<2x512x32xf32, #tpu.memory_space<vmem>> -> memref<1x512x32xf32, #tpu.memory_space<vmem>>
        %get3A_727 = tpu.memref_squeeze %get3A_726 : memref<1x512x32xf32, #tpu.memory_space<vmem>> -> memref<512x32xf32, #tpu.memory_space<vmem>>
        %get3A_728 = arith.index_cast %add3A_722 : i32 to index
        %get3A_729 = arith.constant 0 : index
        %get3A_730 = tpu.vector_load %get3A_727[%get3A_728, %get3A_729] {strides = array<i32>} : memref<512x32xf32, #tpu.memory_space<vmem>>, vector<16xf32>,
        %scatter3A_731 = arith.constant 0 : i32
        %scatter3A_732 = arith.constant 0 : i32
        %scatter3A_733 = tpu.memref_slice %arg7[%scan3A_293, %scatter3A_731, %scatter3A_732] : memref<2x32x513xf32, #tpu.memory_space<vmem>> -> memref<1x32x513xf32, #tpu.memory_space<vmem>>
        %scatter3A_734 = tpu.memref_squeeze %scatter3A_733 : memref<1x32x513xf32, #tpu.memory_space<vmem>> -> memref<32x513xf32, #tpu.memory_space<vmem>>
        tpu.vector_store_idx %scatter3A_734[%iota3A, %broadcast_in_dim3A_723], %get3A_730 : memref<32x513xf32, #tpu.memory_space<vmem>>[vector<16xi32>, vector<16xi32>], vector<16xf32>,
        %get3A_735 = arith.constant 0 : i32
        %get3A_736 = arith.constant 0 : i32
        %get3A_737 = tpu.memref_slice %arg6[%scan3A_292, %get3A_735, %get3A_736] : memref<2x512x32xf32, #tpu.memory_space<vmem>> -> memref<1x512x32xf32, #tpu.memory_space<vmem>>
        %get3A_738 = tpu.memref_squeeze %get3A_737 : memref<1x512x32xf32, #tpu.memory_space<vmem>> -> memref<512x32xf32, #tpu.memory_space<vmem>>
        %get3A_739 = arith.index_cast %add3A_722 : i32 to index
        %get3A_740 = arith.constant 16 : index
        %get3A_741 = tpu.vector_load %get3A_738[%get3A_739, %get3A_740] {strides = array<i32>} : memref<512x32xf32, #tpu.memory_space<vmem>>, vector<16xf32>,
        %scatter3A_742 = arith.constant 0 : i32
        %scatter3A_743 = arith.constant 0 : i32
        %scatter3A_744 = tpu.memref_slice %arg7[%scan3A_293, %scatter3A_742, %scatter3A_743] : memref<2x32x513xf32, #tpu.memory_space<vmem>> -> memref<1x32x513xf32, #tpu.memory_space<vmem>>
        %scatter3A_745 = tpu.memref_squeeze %scatter3A_744 : memref<1x32x513xf32, #tpu.memory_space<vmem>> -> memref<32x513xf32, #tpu.memory_space<vmem>>
        tpu.vector_store_idx %scatter3A_745[%add3A_290, %broadcast_in_dim3A_723], %get3A_741 : memref<32x513xf32, #tpu.memory_space<vmem>>[vector<16xi32>, vector<16xi32>], vector<16xf32>,
        %mul3A_746 = arith.constant 16 : i32
        %mul3A_747 = arith.muli %scan3A_397, %mul3A_746 : i32
        %add3A_748 = arith.constant 13 : i32
        %add3A_749 = arith.addi %mul3A_747, %add3A_748 : i32
        %broadcast_in_dim3A_750 = vector.broadcast %add3A_749 : i32 to vector<16xi32>
        %get3A_751 = arith.constant 0 : i32
        %get3A_752 = arith.constant 0 : i32
        %get3A_753 = tpu.memref_slice %arg6[%scan3A_292, %get3A_751, %get3A_752] : memref<2x512x32xf32, #tpu.memory_space<vmem>> -> memref<1x512x32xf32, #tpu.memory_space<vmem>>
        %get3A_754 = tpu.memref_squeeze %get3A_753 : memref<1x512x32xf32, #tpu.memory_space<vmem>> -> memref<512x32xf32, #tpu.memory_space<vmem>>
        %get3A_755 = arith.index_cast %add3A_749 : i32 to index
        %get3A_756 = arith.constant 0 : index
        %get3A_757 = tpu.vector_load %get3A_754[%get3A_755, %get3A_756] {strides = array<i32>} : memref<512x32xf32, #tpu.memory_space<vmem>>, vector<16xf32>,
        %scatter3A_758 = arith.constant 0 : i32
        %scatter3A_759 = arith.constant 0 : i32
        %scatter3A_760 = tpu.memref_slice %arg7[%scan3A_293, %scatter3A_758, %scatter3A_759] : memref<2x32x513xf32, #tpu.memory_space<vmem>> -> memref<1x32x513xf32, #tpu.memory_space<vmem>>
        %scatter3A_761 = tpu.memref_squeeze %scatter3A_760 : memref<1x32x513xf32, #tpu.memory_space<vmem>> -> memref<32x513xf32, #tpu.memory_space<vmem>>
        tpu.vector_store_idx %scatter3A_761[%iota3A, %broadcast_in_dim3A_750], %get3A_757 : memref<32x513xf32, #tpu.memory_space<vmem>>[vector<16xi32>, vector<16xi32>], vector<16xf32>,
        %get3A_762 = arith.constant 0 : i32
        %get3A_763 = arith.constant 0 : i32
        %get3A_764 = tpu.memref_slice %arg6[%scan3A_292, %get3A_762, %get3A_763] : memref<2x512x32xf32, #tpu.memory_space<vmem>> -> memref<1x512x32xf32, #tpu.memory_space<vmem>>
        %get3A_765 = tpu.memref_squeeze %get3A_764 : memref<1x512x32xf32, #tpu.memory_space<vmem>> -> memref<512x32xf32, #tpu.memory_space<vmem>>
        %get3A_766 = arith.index_cast %add3A_749 : i32 to index
        %get3A_767 = arith.constant 16 : index
        %get3A_768 = tpu.vector_load %get3A_765[%get3A_766, %get3A_767] {strides = array<i32>} : memref<512x32xf32, #tpu.memory_space<vmem>>, vector<16xf32>,
        %scatter3A_769 = arith.constant 0 : i32
        %scatter3A_770 = arith.constant 0 : i32
        %scatter3A_771 = tpu.memref_slice %arg7[%scan3A_293, %scatter3A_769, %scatter3A_770] : memref<2x32x513xf32, #tpu.memory_space<vmem>> -> memref<1x32x513xf32, #tpu.memory_space<vmem>>
        %scatter3A_772 = tpu.memref_squeeze %scatter3A_771 : memref<1x32x513xf32, #tpu.memory_space<vmem>> -> memref<32x513xf32, #tpu.memory_space<vmem>>
        tpu.vector_store_idx %scatter3A_772[%add3A_290, %broadcast_in_dim3A_750], %get3A_768 : memref<32x513xf32, #tpu.memory_space<vmem>>[vector<16xi32>, vector<16xi32>], vector<16xf32>,
        %mul3A_773 = arith.constant 16 : i32
        %mul3A_774 = arith.muli %scan3A_397, %mul3A_773 : i32
        %add3A_775 = arith.constant 14 : i32
        %add3A_776 = arith.addi %mul3A_774, %add3A_775 : i32
        %broadcast_in_dim3A_777 = vector.broadcast %add3A_776 : i32 to vector<16xi32>
        %get3A_778 = arith.constant 0 : i32
        %get3A_779 = arith.constant 0 : i32
        %get3A_780 = tpu.memref_slice %arg6[%scan3A_292, %get3A_778, %get3A_779] : memref<2x512x32xf32, #tpu.memory_space<vmem>> -> memref<1x512x32xf32, #tpu.memory_space<vmem>>
        %get3A_781 = tpu.memref_squeeze %get3A_780 : memref<1x512x32xf32, #tpu.memory_space<vmem>> -> memref<512x32xf32, #tpu.memory_space<vmem>>
        %get3A_782 = arith.index_cast %add3A_776 : i32 to index
        %get3A_783 = arith.constant 0 : index
        %get3A_784 = tpu.vector_load %get3A_781[%get3A_782, %get3A_783] {strides = array<i32>} : memref<512x32xf32, #tpu.memory_space<vmem>>, vector<16xf32>,
        %scatter3A_785 = arith.constant 0 : i32
        %scatter3A_786 = arith.constant 0 : i32
        %scatter3A_787 = tpu.memref_slice %arg7[%scan3A_293, %scatter3A_785, %scatter3A_786] : memref<2x32x513xf32, #tpu.memory_space<vmem>> -> memref<1x32x513xf32, #tpu.memory_space<vmem>>
        %scatter3A_788 = tpu.memref_squeeze %scatter3A_787 : memref<1x32x513xf32, #tpu.memory_space<vmem>> -> memref<32x513xf32, #tpu.memory_space<vmem>>
        tpu.vector_store_idx %scatter3A_788[%iota3A, %broadcast_in_dim3A_777], %get3A_784 : memref<32x513xf32, #tpu.memory_space<vmem>>[vector<16xi32>, vector<16xi32>], vector<16xf32>,
        %get3A_789 = arith.constant 0 : i32
        %get3A_790 = arith.constant 0 : i32
        %get3A_791 = tpu.memref_slice %arg6[%scan3A_292, %get3A_789, %get3A_790] : memref<2x512x32xf32, #tpu.memory_space<vmem>> -> memref<1x512x32xf32, #tpu.memory_space<vmem>>
        %get3A_792 = tpu.memref_squeeze %get3A_791 : memref<1x512x32xf32, #tpu.memory_space<vmem>> -> memref<512x32xf32, #tpu.memory_space<vmem>>
        %get3A_793 = arith.index_cast %add3A_776 : i32 to index
        %get3A_794 = arith.constant 16 : index
        %get3A_795 = tpu.vector_load %get3A_792[%get3A_793, %get3A_794] {strides = array<i32>} : memref<512x32xf32, #tpu.memory_space<vmem>>, vector<16xf32>,
        %scatter3A_796 = arith.constant 0 : i32
        %scatter3A_797 = arith.constant 0 : i32
        %scatter3A_798 = tpu.memref_slice %arg7[%scan3A_293, %scatter3A_796, %scatter3A_797] : memref<2x32x513xf32, #tpu.memory_space<vmem>> -> memref<1x32x513xf32, #tpu.memory_space<vmem>>
        %scatter3A_799 = tpu.memref_squeeze %scatter3A_798 : memref<1x32x513xf32, #tpu.memory_space<vmem>> -> memref<32x513xf32, #tpu.memory_space<vmem>>
        tpu.vector_store_idx %scatter3A_799[%add3A_290, %broadcast_in_dim3A_777], %get3A_795 : memref<32x513xf32, #tpu.memory_space<vmem>>[vector<16xi32>, vector<16xi32>], vector<16xf32>,
        %mul3A_800 = arith.constant 16 : i32
        %mul3A_801 = arith.muli %scan3A_397, %mul3A_800 : i32
        %add3A_802 = arith.constant 15 : i32
        %add3A_803 = arith.addi %mul3A_801, %add3A_802 : i32
        %broadcast_in_dim3A_804 = vector.broadcast %add3A_803 : i32 to vector<16xi32>
        %get3A_805 = arith.constant 0 : i32
        %get3A_806 = arith.constant 0 : i32
        %get3A_807 = tpu.memref_slice %arg6[%scan3A_292, %get3A_805, %get3A_806] : memref<2x512x32xf32, #tpu.memory_space<vmem>> -> memref<1x512x32xf32, #tpu.memory_space<vmem>>
        %get3A_808 = tpu.memref_squeeze %get3A_807 : memref<1x512x32xf32, #tpu.memory_space<vmem>> -> memref<512x32xf32, #tpu.memory_space<vmem>>
        %get3A_809 = arith.index_cast %add3A_803 : i32 to index
        %get3A_810 = arith.constant 0 : index
        %get3A_811 = tpu.vector_load %get3A_808[%get3A_809, %get3A_810] {strides = array<i32>} : memref<512x32xf32, #tpu.memory_space<vmem>>, vector<16xf32>,
        %scatter3A_812 = arith.constant 0 : i32
        %scatter3A_813 = arith.constant 0 : i32
        %scatter3A_814 = tpu.memref_slice %arg7[%scan3A_293, %scatter3A_812, %scatter3A_813] : memref<2x32x513xf32, #tpu.memory_space<vmem>> -> memref<1x32x513xf32, #tpu.memory_space<vmem>>
        %scatter3A_815 = tpu.memref_squeeze %scatter3A_814 : memref<1x32x513xf32, #tpu.memory_space<vmem>> -> memref<32x513xf32, #tpu.memory_space<vmem>>
        tpu.vector_store_idx %scatter3A_815[%iota3A, %broadcast_in_dim3A_804], %get3A_811 : memref<32x513xf32, #tpu.memory_space<vmem>>[vector<16xi32>, vector<16xi32>], vector<16xf32>,
        %get3A_816 = arith.constant 0 : i32
        %get3A_817 = arith.constant 0 : i32
        %get3A_818 = tpu.memref_slice %arg6[%scan3A_292, %get3A_816, %get3A_817] : memref<2x512x32xf32, #tpu.memory_space<vmem>> -> memref<1x512x32xf32, #tpu.memory_space<vmem>>
        %get3A_819 = tpu.memref_squeeze %get3A_818 : memref<1x512x32xf32, #tpu.memory_space<vmem>> -> memref<512x32xf32, #tpu.memory_space<vmem>>
        %get3A_820 = arith.index_cast %add3A_803 : i32 to index
        %get3A_821 = arith.constant 16 : index
        %get3A_822 = tpu.vector_load %get3A_819[%get3A_820, %get3A_821] {strides = array<i32>} : memref<512x32xf32, #tpu.memory_space<vmem>>, vector<16xf32>,
        %scatter3A_823 = arith.constant 0 : i32
        %scatter3A_824 = arith.constant 0 : i32
        %scatter3A_825 = tpu.memref_slice %arg7[%scan3A_293, %scatter3A_823, %scatter3A_824] : memref<2x32x513xf32, #tpu.memory_space<vmem>> -> memref<1x32x513xf32, #tpu.memory_space<vmem>>
        %scatter3A_826 = tpu.memref_squeeze %scatter3A_825 : memref<1x32x513xf32, #tpu.memory_space<vmem>> -> memref<32x513xf32, #tpu.memory_space<vmem>>
        tpu.vector_store_idx %scatter3A_826[%add3A_290, %broadcast_in_dim3A_804], %get3A_822 : memref<32x513xf32, #tpu.memory_space<vmem>>[vector<16xi32>, vector<16xi32>], vector<16xf32>,
      }
      %scan3A_298 = arith.constant 32 : i32
      %dma_start3A_299 = arith.constant 0 : i32
      %dma_start3A_300 = arith.constant 0 : i32
      %dma_start3A_301 = arith.constant 0 : i32
      %dma_start3A_302 = tpu.memref_slice %arg7[%dma_start3A_299, %dma_start3A_300, %dma_start3A_301] : memref<2x32x513xf32, #tpu.memory_space<vmem>> -> memref<1x32x512xf32, #tpu.memory_space<vmem>>
      %dma_start3A_303 = tpu.memref_squeeze %dma_start3A_302 : memref<1x32x512xf32, #tpu.memory_space<vmem>> -> memref<32x512xf32, #tpu.memory_space<vmem>>
      %dma_start3A_304 = arith.constant 0 : i32
      %dma_start3A_305 = tpu.memref_slice %arg4[%add3A_258, %dma_start3A_304, %mul3A_2] : memref<200x32x16384xf32, #tpu.memory_space<hbm>> -> memref<1x32x512xf32, #tpu.memory_space<hbm>>
      %dma_start3A_306 = tpu.memref_squeeze %dma_start3A_305 : memref<1x32x512xf32, #tpu.memory_space<hbm>> -> memref<32x512xf32, #tpu.memory_space<hbm>>
      %dma_start3A_307 = arith.constant 0 : i32
      %dma_start3A_308 = tpu.memref_slice %arg4[%add3A_258, %dma_start3A_307, %mul3A_2] : memref<200x32x16384xf32, #tpu.memory_space<hbm>> -> memref<1x32x512xf32, #tpu.memory_space<hbm>>
      %dma_start3A_309 = tpu.memref_squeeze %dma_start3A_308 : memref<1x32x512xf32, #tpu.memory_space<hbm>> -> memref<32x512xf32, #tpu.memory_space<hbm>>
      %dma_start3A_310 = arith.constant 0 : i32
      %dma_start3A_311 = arith.constant 0 : i32
      %dma_start3A_312 = tpu.memref_slice %arg7[%dma_start3A_299, %dma_start3A_310, %dma_start3A_311] : memref<2x32x513xf32, #tpu.memory_space<vmem>> -> memref<1x32x512xf32, #tpu.memory_space<vmem>>
      %dma_start3A_313 = tpu.memref_squeeze %dma_start3A_312 : memref<1x32x512xf32, #tpu.memory_space<vmem>> -> memref<32x512xf32, #tpu.memory_space<vmem>>
      tpu.enqueue_dma source(%dma_start3A_313 : memref<32x512xf32, #tpu.memory_space<vmem>>) target(%dma_start3A_309 : memref<32x512xf32, #tpu.memory_space<hbm>>) target_semaphore(%arg10 : memref<!tpu.dma_semaphore, #tpu.memory_space<semaphore_mem>>)
      %add3A_314 = arith.constant 8 : i32
      %add3A_315 = arith.addi %add3A_258, %add3A_314 : i32
      %lt3A_316 = arith.constant 200 : i32
      %lt3A_317 = arith.cmpi slt, %add3A_315, %lt3A_316 : i32
      %convert_element_type3A_318 = arith.extui %lt3A_317 : i1 to i32
      %cond3A_319 = arith.constant 0 : i32
      %cond3A_320 = arith.cmpi ne, %convert_element_type3A_318, %cond3A_319 : i32
      scf.if %cond3A_320 {
        %add3A_397 = arith.constant 8 : i32
        %add3A_398 = arith.addi %add3A_258, %add3A_397 : i32
        %jit3A_399 = arith.constant 8 : i32
        %eq3A_400 = arith.constant 0 : i32
        %eq3A_401 = arith.cmpi eq, %jit3A_399, %eq3A_400 : i32
        %jit3A_402 = arith.constant 1 : i32
        %select_n3A_403 = arith.select %eq3A_401, %jit3A_402, %jit3A_399 : i32
        %rem3A_404 = arith.remsi %add3A_398, %select_n3A_403 : i32
        %ne3A_405 = arith.constant 0 : i32
        %ne3A_406 = arith.cmpi ne, %rem3A_404, %ne3A_405 : i32
        %lt3A_407 = arith.constant 0 : i32
        %lt3A_408 = arith.cmpi slt, %rem3A_404, %lt3A_407 : i32
        %lt3A_409 = arith.constant 0 : i32
        %lt3A_410 = arith.cmpi slt, %select_n3A_403, %lt3A_409 : i32
        %ne3A_411 = arith.xori %lt3A_408, %lt3A_410 : i1
        %and3A_412 = arith.andi %ne3A_411, %ne3A_406 : i1
        %add3A_413 = arith.addi %rem3A_404, %select_n3A_403 : i32
        %select_n3A_414 = arith.select %and3A_412, %add3A_413, %rem3A_404 : i32
        %dma_start3A_415 = arith.constant 0 : i32
        %dma_start3A_416 = tpu.memref_slice %arg5[%select_n3A_414, %dma_start3A_415] : memref<8x512xi32, #tpu.memory_space<vmem>> -> memref<1x512xi32, #tpu.memory_space<vmem>>
        %dma_start3A_417 = tpu.memref_squeeze %dma_start3A_416 : memref<1x512xi32, #tpu.memory_space<vmem>> -> memref<512xi32, #tpu.memory_space<vmem>>
        %dma_start3A_418 = tpu.memref_slice %arg2[%add3A_398, %mul3A_2] : memref<200x16384xi32, #tpu.memory_space<hbm>> -> memref<1x512xi32, #tpu.memory_space<hbm>>
        %dma_start3A_419 = tpu.memref_squeeze %dma_start3A_418 : memref<1x512xi32, #tpu.memory_space<hbm>> -> memref<512xi32, #tpu.memory_space<hbm>>
        %dma_start3A_420 = arith.constant 0 : i32
        %dma_start3A_421 = tpu.memref_slice %arg5[%select_n3A_414, %dma_start3A_420] : memref<8x512xi32, #tpu.memory_space<vmem>> -> memref<1x512xi32, #tpu.memory_space<vmem>>
        %dma_start3A_422 = tpu.memref_squeeze %dma_start3A_421 : memref<1x512xi32, #tpu.memory_space<vmem>> -> memref<512xi32, #tpu.memory_space<vmem>>
        %dma_start3A_423 = tpu.memref_slice %arg2[%add3A_398, %mul3A_2] : memref<200x16384xi32, #tpu.memory_space<hbm>> -> memref<1x512xi32, #tpu.memory_space<hbm>>
        %dma_start3A_424 = tpu.memref_squeeze %dma_start3A_423 : memref<1x512xi32, #tpu.memory_space<hbm>> -> memref<512xi32, #tpu.memory_space<hbm>>
        tpu.enqueue_dma source(%dma_start3A_424 : memref<512xi32, #tpu.memory_space<hbm>>) target(%dma_start3A_422 : memref<512xi32, #tpu.memory_space<vmem>>) target_semaphore(%arg8 : memref<!tpu.dma_semaphore, #tpu.memory_space<semaphore_mem>>)
      } else {
      }
      %mul3A_321 = arith.constant 2 : i32
      %mul3A_322 = arith.muli %mul3A_321, %scan3A_254 : i32
      %add3A_323 = arith.constant 1 : i32
      %add3A_324 = arith.addi %mul3A_322, %add3A_323 : i32
      %jit3A_325 = arith.constant 8 : i32
      %eq3A_326 = arith.constant 0 : i32
      %eq3A_327 = arith.cmpi eq, %jit3A_325, %eq3A_326 : i32
      %jit3A_328 = arith.constant 1 : i32
      %select_n3A_329 = arith.select %eq3A_327, %jit3A_328, %jit3A_325 : i32
      %rem3A_330 = arith.remsi %add3A_324, %select_n3A_329 : i32
      %ne3A_331 = arith.constant 0 : i32
      %ne3A_332 = arith.cmpi ne, %rem3A_330, %ne3A_331 : i32
      %lt3A_333 = arith.constant 0 : i32
      %lt3A_334 = arith.cmpi slt, %rem3A_330, %lt3A_333 : i32
      %lt3A_335 = arith.constant 0 : i32
      %lt3A_336 = arith.cmpi slt, %select_n3A_329, %lt3A_335 : i32
      %ne3A_337 = arith.xori %lt3A_334, %lt3A_336 : i1
      %and3A_338 = arith.andi %ne3A_337, %ne3A_332 : i1
      %add3A_339 = arith.addi %rem3A_330, %select_n3A_329 : i32
      %select_n3A_340 = arith.select %and3A_338, %add3A_339, %rem3A_330 : i32
      %dma_wait3A_341 = arith.constant 1 : i32
      %dma_wait3A_342 = arith.constant 0 : i32
      %dma_wait3A_343 = arith.constant 0 : i32
      %dma_wait3A_344 = tpu.memref_slice %arg6[%dma_wait3A_341, %dma_wait3A_342, %dma_wait3A_343] : memref<2x512x32xf32, #tpu.memory_space<vmem>> -> memref<1x512x32xf32, #tpu.memory_space<vmem>>
      %dma_wait3A_345 = tpu.memref_squeeze %dma_wait3A_344 : memref<1x512x32xf32, #tpu.memory_space<vmem>> -> memref<512x32xf32, #tpu.memory_space<vmem>>
      %dma_wait3A_346 = arith.constant 0 : i32
      %dma_wait3A_347 = tpu.memref_slice %arg5[%select_n3A_340, %dma_wait3A_346] : memref<8x512xi32, #tpu.memory_space<vmem>> -> memref<1x512xi32, #tpu.memory_space<vmem>>
      %dma_wait3A_348 = tpu.memref_squeeze %dma_wait3A_347 : memref<1x512xi32, #tpu.memory_space<vmem>> -> memref<512xi32, #tpu.memory_space<vmem>>
      %dma_wait3A_349 = arith.constant 0 : i32
      %dma_wait3A_350 = arith.constant 0 : i32
      %dma_wait3A_351 = tpu.memref_slice %arg3[%dma_wait3A_349, %dma_wait3A_350] : memref<100000x32xf32, #tpu.memory_space<hbm>> -> memref<100000x32xf32, #tpu.memory_space<hbm>>
      tpu.wait_indirect_dma semaphore(%arg9 : memref<!tpu.dma_semaphore, #tpu.memory_space<semaphore_mem>>) src(%dma_wait3A_351 : memref<100000x32xf32, #tpu.memory_space<hbm>>) dst(%dma_wait3A_345 : memref<512x32xf32, #tpu.memory_space<vmem>>)
      %add3A_352 = arith.constant 1 : i32
      %add3A_353 = arith.addi %add3A_324, %add3A_352 : i32
      %lt3A_354 = arith.constant 200 : i32
      %lt3A_355 = arith.cmpi slt, %add3A_353, %lt3A_354 : i32
      %convert_element_type3A_356 = arith.extui %lt3A_355 : i1 to i32
      %cond3A_357 = arith.constant 0 : i32
      %cond3A_358 = arith.cmpi ne, %convert_element_type3A_356, %cond3A_357 : i32
      scf.if %cond3A_358 {
        %add3A_397 = arith.constant 1 : i32
        %add3A_398 = arith.addi %add3A_324, %add3A_397 : i32
        %jit3A_399 = arith.constant 8 : i32
        %eq3A_400 = arith.constant 0 : i32
        %eq3A_401 = arith.cmpi eq, %jit3A_399, %eq3A_400 : i32
        %jit3A_402 = arith.constant 1 : i32
        %select_n3A_403 = arith.select %eq3A_401, %jit3A_402, %jit3A_399 : i32
        %rem3A_404 = arith.remsi %add3A_398, %select_n3A_403 : i32
        %ne3A_405 = arith.constant 0 : i32
        %ne3A_406 = arith.cmpi ne, %rem3A_404, %ne3A_405 : i32
        %lt3A_407 = arith.constant 0 : i32
        %lt3A_408 = arith.cmpi slt, %rem3A_404, %lt3A_407 : i32
        %lt3A_409 = arith.constant 0 : i32
        %lt3A_410 = arith.cmpi slt, %select_n3A_403, %lt3A_409 : i32
        %ne3A_411 = arith.xori %lt3A_408, %lt3A_410 : i1
        %and3A_412 = arith.andi %ne3A_411, %ne3A_406 : i1
        %add3A_413 = arith.addi %rem3A_404, %select_n3A_403 : i32
        %select_n3A_414 = arith.select %and3A_412, %add3A_413, %rem3A_404 : i32
        %dma_wait3A_415 = arith.constant 0 : i32
        %dma_wait3A_416 = tpu.memref_slice %arg5[%select_n3A_414, %dma_wait3A_415] : memref<8x512xi32, #tpu.memory_space<vmem>> -> memref<1x512xi32, #tpu.memory_space<vmem>>
        %dma_wait3A_417 = tpu.memref_squeeze %dma_wait3A_416 : memref<1x512xi32, #tpu.memory_space<vmem>> -> memref<512xi32, #tpu.memory_space<vmem>>
        %dma_wait3A_418 = tpu.memref_slice %arg2[%add3A_398, %mul3A_2] : memref<200x16384xi32, #tpu.memory_space<hbm>> -> memref<1x512xi32, #tpu.memory_space<hbm>>
        %dma_wait3A_419 = tpu.memref_squeeze %dma_wait3A_418 : memref<1x512xi32, #tpu.memory_space<hbm>> -> memref<512xi32, #tpu.memory_space<hbm>>
        %dma_wait3A_420 = arith.constant 0 : i32
        %dma_wait3A_421 = tpu.memref_slice %arg5[%select_n3A_414, %dma_wait3A_420] : memref<8x512xi32, #tpu.memory_space<vmem>> -> memref<1x512xi32, #tpu.memory_space<vmem>>
        %dma_wait3A_422 = tpu.memref_squeeze %dma_wait3A_421 : memref<1x512xi32, #tpu.memory_space<vmem>> -> memref<512xi32, #tpu.memory_space<vmem>>
        %dma_wait3A_423 = tpu.memref_slice %arg2[%add3A_398, %mul3A_2] : memref<200x16384xi32, #tpu.memory_space<hbm>> -> memref<1x512xi32, #tpu.memory_space<hbm>>
        %dma_wait3A_424 = tpu.memref_squeeze %dma_wait3A_423 : memref<1x512xi32, #tpu.memory_space<hbm>> -> memref<512xi32, #tpu.memory_space<hbm>>
        tpu.wait_dma2 semaphore(%arg8 : memref<!tpu.dma_semaphore, #tpu.memory_space<semaphore_mem>>) src(%dma_wait3A_424 : memref<512xi32, #tpu.memory_space<hbm>>) dst(%dma_wait3A_422 : memref<512xi32, #tpu.memory_space<vmem>>)
        %add3A_425 = arith.constant 1 : i32
        %add3A_426 = arith.addi %add3A_324, %add3A_425 : i32
        %jit3A_427 = arith.constant 8 : i32
        %eq3A_428 = arith.constant 0 : i32
        %eq3A_429 = arith.cmpi eq, %jit3A_427, %eq3A_428 : i32
        %jit3A_430 = arith.constant 1 : i32
        %select_n3A_431 = arith.select %eq3A_429, %jit3A_430, %jit3A_427 : i32
        %rem3A_432 = arith.remsi %add3A_426, %select_n3A_431 : i32
        %ne3A_433 = arith.constant 0 : i32
        %ne3A_434 = arith.cmpi ne, %rem3A_432, %ne3A_433 : i32
        %lt3A_435 = arith.constant 0 : i32
        %lt3A_436 = arith.cmpi slt, %rem3A_432, %lt3A_435 : i32
        %lt3A_437 = arith.constant 0 : i32
        %lt3A_438 = arith.cmpi slt, %select_n3A_431, %lt3A_437 : i32
        %ne3A_439 = arith.xori %lt3A_436, %lt3A_438 : i1
        %and3A_440 = arith.andi %ne3A_439, %ne3A_434 : i1
        %add3A_441 = arith.addi %rem3A_432, %select_n3A_431 : i32
        %select_n3A_442 = arith.select %and3A_440, %add3A_441, %rem3A_432 : i32
        %dma_start3A_443 = arith.constant 0 : i32
        %dma_start3A_444 = arith.constant 0 : i32
        %dma_start3A_445 = arith.constant 0 : i32
        %dma_start3A_446 = tpu.memref_slice %arg6[%dma_start3A_443, %dma_start3A_444, %dma_start3A_445] : memref<2x512x32xf32, #tpu.memory_space<vmem>> -> memref<1x512x32xf32, #tpu.memory_space<vmem>>
        %dma_start3A_447 = tpu.memref_squeeze %dma_start3A_446 : memref<1x512x32xf32, #tpu.memory_space<vmem>> -> memref<512x32xf32, #tpu.memory_space<vmem>>
        %dma_start3A_448 = arith.constant 0 : i32
        %dma_start3A_449 = tpu.memref_slice %arg5[%select_n3A_442, %dma_start3A_448] : memref<8x512xi32, #tpu.memory_space<vmem>> -> memref<1x512xi32, #tpu.memory_space<vmem>>
        %dma_start3A_450 = tpu.memref_squeeze %dma_start3A_449 : memref<1x512xi32, #tpu.memory_space<vmem>> -> memref<512xi32, #tpu.memory_space<vmem>>
        %dma_start3A_451 = arith.constant 0 : i32
        %dma_start3A_452 = arith.constant 0 : i32
        %dma_start3A_453 = tpu.memref_slice %arg3[%dma_start3A_451, %dma_start3A_452] : memref<100000x32xf32, #tpu.memory_space<hbm>> -> memref<100000x32xf32, #tpu.memory_space<hbm>>
        tpu.enqueue_indirect_dma source(%dma_start3A_453 : memref<100000x32xf32, #tpu.memory_space<hbm>>) target(%dma_start3A_447 : memref<512x32xf32, #tpu.memory_space<vmem>>) offsets(%dma_start3A_450 : memref<512xi32, #tpu.memory_space<vmem>>) semaphore(%arg9 : memref<!tpu.dma_semaphore, #tpu.memory_space<semaphore_mem>>)
      } else {
      }
      %ge3A_359 = arith.constant 2 : i32
      %ge3A_360 = arith.cmpi sge, %add3A_324, %ge3A_359 : i32
      %convert_element_type3A_361 = arith.extui %ge3A_360 : i1 to i32
      %cond3A_362 = arith.constant 0 : i32
      %cond3A_363 = arith.cmpi ne, %convert_element_type3A_361, %cond3A_362 : i32
      scf.if %cond3A_363 {
        %sub3A = arith.constant 2 : i32
        %sub3A_397 = arith.subi %add3A_324, %sub3A : i32
        %dma_wait3A_398 = arith.constant 1 : i32
        %dma_wait3A_399 = arith.constant 0 : i32
        %dma_wait3A_400 = arith.constant 0 : i32
        %dma_wait3A_401 = tpu.memref_slice %arg7[%dma_wait3A_398, %dma_wait3A_399, %dma_wait3A_400] : memref<2x32x513xf32, #tpu.memory_space<vmem>> -> memref<1x32x512xf32, #tpu.memory_space<vmem>>
        %dma_wait3A_402 = tpu.memref_squeeze %dma_wait3A_401 : memref<1x32x512xf32, #tpu.memory_space<vmem>> -> memref<32x512xf32, #tpu.memory_space<vmem>>
        %dma_wait3A_403 = arith.constant 0 : i32
        %dma_wait3A_404 = tpu.memref_slice %arg4[%sub3A_397, %dma_wait3A_403, %mul3A_2] : memref<200x32x16384xf32, #tpu.memory_space<hbm>> -> memref<1x32x512xf32, #tpu.memory_space<hbm>>
        %dma_wait3A_405 = tpu.memref_squeeze %dma_wait3A_404 : memref<1x32x512xf32, #tpu.memory_space<hbm>> -> memref<32x512xf32, #tpu.memory_space<hbm>>
        %dma_wait3A_406 = arith.constant 0 : i32
        %dma_wait3A_407 = tpu.memref_slice %arg4[%sub3A_397, %dma_wait3A_406, %mul3A_2] : memref<200x32x16384xf32, #tpu.memory_space<hbm>> -> memref<1x32x512xf32, #tpu.memory_space<hbm>>
        %dma_wait3A_408 = tpu.memref_squeeze %dma_wait3A_407 : memref<1x32x512xf32, #tpu.memory_space<hbm>> -> memref<32x512xf32, #tpu.memory_space<hbm>>
        %dma_wait3A_409 = arith.constant 0 : i32
        %dma_wait3A_410 = arith.constant 0 : i32
        %dma_wait3A_411 = tpu.memref_slice %arg7[%dma_wait3A_398, %dma_wait3A_409, %dma_wait3A_410] : memref<2x32x513xf32, #tpu.memory_space<vmem>> -> memref<1x32x512xf32, #tpu.memory_space<vmem>>
        %dma_wait3A_412 = tpu.memref_squeeze %dma_wait3A_411 : memref<1x32x512xf32, #tpu.memory_space<vmem>> -> memref<32x512xf32, #tpu.memory_space<vmem>>
        tpu.wait_dma2 semaphore(%arg10 : memref<!tpu.dma_semaphore, #tpu.memory_space<semaphore_mem>>) src(%dma_wait3A_412 : memref<32x512xf32, #tpu.memory_space<vmem>>) dst(%dma_wait3A_408 : memref<32x512xf32, #tpu.memory_space<hbm>>)
      } else {
      }
      %add3A_364 = arith.constant 16 : i32
      %add3A_365 = vector.broadcast %add3A_364 : i32 to vector<16xi32>
      %add3A_366 = arith.addi %iota3A, %add3A_365 : vector<16xi32>
      %scan3A_367 = arith.constant 0 : i32
      %scan3A_368 = arith.constant 1 : i32
      %scan3A_369 = arith.constant 1 : i32
      %scan3A_370 = arith.constant 0 : i32
      %scan3A_371 = arith.constant 32 : i32
      %scan3A_372 = arith.addi %scan3A_370, %scan3A_371 : i32
      %scan3A_373 = arith.constant 1 : i32
      scf.for %scan3A_397 = %scan3A_370 to %scan3A_372 step %scan3A_373  : i32 {
        %mul3A_398 = arith.constant 16 : i32
        %mul3A_399 = arith.muli %scan3A_397, %mul3A_398 : i32
        %add3A_400 = arith.constant 0 : i32
        %add3A_401 = arith.addi %mul3A_399, %add3A_400 : i32
        %broadcast_in_dim3A = vector.broadcast %add3A_401 : i32 to vector<16xi32>
        %get3A = arith.constant 0 : i32
        %get3A_402 = arith.constant 0 : i32
        %get3A_403 = tpu.memref_slice %arg6[%scan3A_368, %get3A, %get3A_402] : memref<2x512x32xf32, #tpu.memory_space<vmem>> -> memref<1x512x32xf32, #tpu.memory_space<vmem>>
        %get3A_404 = tpu.memref_squeeze %get3A_403 : memref<1x512x32xf32, #tpu.memory_space<vmem>> -> memref<512x32xf32, #tpu.memory_space<vmem>>
        %get3A_405 = arith.index_cast %add3A_401 : i32 to index
        %get3A_406 = arith.constant 0 : index
        %get3A_407 = tpu.vector_load %get3A_404[%get3A_405, %get3A_406] {strides = array<i32>} : memref<512x32xf32, #tpu.memory_space<vmem>>, vector<16xf32>,
        %scatter3A = arith.constant 0 : i32
        %scatter3A_408 = arith.constant 0 : i32
        %scatter3A_409 = tpu.memref_slice %arg7[%scan3A_369, %scatter3A, %scatter3A_408] : memref<2x32x513xf32, #tpu.memory_space<vmem>> -> memref<1x32x513xf32, #tpu.memory_space<vmem>>
        %scatter3A_410 = tpu.memref_squeeze %scatter3A_409 : memref<1x32x513xf32, #tpu.memory_space<vmem>> -> memref<32x513xf32, #tpu.memory_space<vmem>>
        tpu.vector_store_idx %scatter3A_410[%iota3A, %broadcast_in_dim3A], %get3A_407 : memref<32x513xf32, #tpu.memory_space<vmem>>[vector<16xi32>, vector<16xi32>], vector<16xf32>,
        %get3A_411 = arith.constant 0 : i32
        %get3A_412 = arith.constant 0 : i32
        %get3A_413 = tpu.memref_slice %arg6[%scan3A_368, %get3A_411, %get3A_412] : memref<2x512x32xf32, #tpu.memory_space<vmem>> -> memref<1x512x32xf32, #tpu.memory_space<vmem>>
        %get3A_414 = tpu.memref_squeeze %get3A_413 : memref<1x512x32xf32, #tpu.memory_space<vmem>> -> memref<512x32xf32, #tpu.memory_space<vmem>>
        %get3A_415 = arith.index_cast %add3A_401 : i32 to index
        %get3A_416 = arith.constant 16 : index
        %get3A_417 = tpu.vector_load %get3A_414[%get3A_415, %get3A_416] {strides = array<i32>} : memref<512x32xf32, #tpu.memory_space<vmem>>, vector<16xf32>,
        %scatter3A_418 = arith.constant 0 : i32
        %scatter3A_419 = arith.constant 0 : i32
        %scatter3A_420 = tpu.memref_slice %arg7[%scan3A_369, %scatter3A_418, %scatter3A_419] : memref<2x32x513xf32, #tpu.memory_space<vmem>> -> memref<1x32x513xf32, #tpu.memory_space<vmem>>
        %scatter3A_421 = tpu.memref_squeeze %scatter3A_420 : memref<1x32x513xf32, #tpu.memory_space<vmem>> -> memref<32x513xf32, #tpu.memory_space<vmem>>
        tpu.vector_store_idx %scatter3A_421[%add3A_366, %broadcast_in_dim3A], %get3A_417 : memref<32x513xf32, #tpu.memory_space<vmem>>[vector<16xi32>, vector<16xi32>], vector<16xf32>,
        %mul3A_422 = arith.constant 16 : i32
        %mul3A_423 = arith.muli %scan3A_397, %mul3A_422 : i32
        %add3A_424 = arith.constant 1 : i32
        %add3A_425 = arith.addi %mul3A_423, %add3A_424 : i32
        %broadcast_in_dim3A_426 = vector.broadcast %add3A_425 : i32 to vector<16xi32>
        %get3A_427 = arith.constant 0 : i32
        %get3A_428 = arith.constant 0 : i32
        %get3A_429 = tpu.memref_slice %arg6[%scan3A_368, %get3A_427, %get3A_428] : memref<2x512x32xf32, #tpu.memory_space<vmem>> -> memref<1x512x32xf32, #tpu.memory_space<vmem>>
        %get3A_430 = tpu.memref_squeeze %get3A_429 : memref<1x512x32xf32, #tpu.memory_space<vmem>> -> memref<512x32xf32, #tpu.memory_space<vmem>>
        %get3A_431 = arith.index_cast %add3A_425 : i32 to index
        %get3A_432 = arith.constant 0 : index
        %get3A_433 = tpu.vector_load %get3A_430[%get3A_431, %get3A_432] {strides = array<i32>} : memref<512x32xf32, #tpu.memory_space<vmem>>, vector<16xf32>,
        %scatter3A_434 = arith.constant 0 : i32
        %scatter3A_435 = arith.constant 0 : i32
        %scatter3A_436 = tpu.memref_slice %arg7[%scan3A_369, %scatter3A_434, %scatter3A_435] : memref<2x32x513xf32, #tpu.memory_space<vmem>> -> memref<1x32x513xf32, #tpu.memory_space<vmem>>
        %scatter3A_437 = tpu.memref_squeeze %scatter3A_436 : memref<1x32x513xf32, #tpu.memory_space<vmem>> -> memref<32x513xf32, #tpu.memory_space<vmem>>
        tpu.vector_store_idx %scatter3A_437[%iota3A, %broadcast_in_dim3A_426], %get3A_433 : memref<32x513xf32, #tpu.memory_space<vmem>>[vector<16xi32>, vector<16xi32>], vector<16xf32>,
        %get3A_438 = arith.constant 0 : i32
        %get3A_439 = arith.constant 0 : i32
        %get3A_440 = tpu.memref_slice %arg6[%scan3A_368, %get3A_438, %get3A_439] : memref<2x512x32xf32, #tpu.memory_space<vmem>> -> memref<1x512x32xf32, #tpu.memory_space<vmem>>
        %get3A_441 = tpu.memref_squeeze %get3A_440 : memref<1x512x32xf32, #tpu.memory_space<vmem>> -> memref<512x32xf32, #tpu.memory_space<vmem>>
        %get3A_442 = arith.index_cast %add3A_425 : i32 to index
        %get3A_443 = arith.constant 16 : index
        %get3A_444 = tpu.vector_load %get3A_441[%get3A_442, %get3A_443] {strides = array<i32>} : memref<512x32xf32, #tpu.memory_space<vmem>>, vector<16xf32>,
        %scatter3A_445 = arith.constant 0 : i32
        %scatter3A_446 = arith.constant 0 : i32
        %scatter3A_447 = tpu.memref_slice %arg7[%scan3A_369, %scatter3A_445, %scatter3A_446] : memref<2x32x513xf32, #tpu.memory_space<vmem>> -> memref<1x32x513xf32, #tpu.memory_space<vmem>>
        %scatter3A_448 = tpu.memref_squeeze %scatter3A_447 : memref<1x32x513xf32, #tpu.memory_space<vmem>> -> memref<32x513xf32, #tpu.memory_space<vmem>>
        tpu.vector_store_idx %scatter3A_448[%add3A_366, %broadcast_in_dim3A_426], %get3A_444 : memref<32x513xf32, #tpu.memory_space<vmem>>[vector<16xi32>, vector<16xi32>], vector<16xf32>,
        %mul3A_449 = arith.constant 16 : i32
        %mul3A_450 = arith.muli %scan3A_397, %mul3A_449 : i32
        %add3A_451 = arith.constant 2 : i32
        %add3A_452 = arith.addi %mul3A_450, %add3A_451 : i32
        %broadcast_in_dim3A_453 = vector.broadcast %add3A_452 : i32 to vector<16xi32>
        %get3A_454 = arith.constant 0 : i32
        %get3A_455 = arith.constant 0 : i32
        %get3A_456 = tpu.memref_slice %arg6[%scan3A_368, %get3A_454, %get3A_455] : memref<2x512x32xf32, #tpu.memory_space<vmem>> -> memref<1x512x32xf32, #tpu.memory_space<vmem>>
        %get3A_457 = tpu.memref_squeeze %get3A_456 : memref<1x512x32xf32, #tpu.memory_space<vmem>> -> memref<512x32xf32, #tpu.memory_space<vmem>>
        %get3A_458 = arith.index_cast %add3A_452 : i32 to index
        %get3A_459 = arith.constant 0 : index
        %get3A_460 = tpu.vector_load %get3A_457[%get3A_458, %get3A_459] {strides = array<i32>} : memref<512x32xf32, #tpu.memory_space<vmem>>, vector<16xf32>,
        %scatter3A_461 = arith.constant 0 : i32
        %scatter3A_462 = arith.constant 0 : i32
        %scatter3A_463 = tpu.memref_slice %arg7[%scan3A_369, %scatter3A_461, %scatter3A_462] : memref<2x32x513xf32, #tpu.memory_space<vmem>> -> memref<1x32x513xf32, #tpu.memory_space<vmem>>
        %scatter3A_464 = tpu.memref_squeeze %scatter3A_463 : memref<1x32x513xf32, #tpu.memory_space<vmem>> -> memref<32x513xf32, #tpu.memory_space<vmem>>
        tpu.vector_store_idx %scatter3A_464[%iota3A, %broadcast_in_dim3A_453], %get3A_460 : memref<32x513xf32, #tpu.memory_space<vmem>>[vector<16xi32>, vector<16xi32>], vector<16xf32>,
        %get3A_465 = arith.constant 0 : i32
        %get3A_466 = arith.constant 0 : i32
        %get3A_467 = tpu.memref_slice %arg6[%scan3A_368, %get3A_465, %get3A_466] : memref<2x512x32xf32, #tpu.memory_space<vmem>> -> memref<1x512x32xf32, #tpu.memory_space<vmem>>
        %get3A_468 = tpu.memref_squeeze %get3A_467 : memref<1x512x32xf32, #tpu.memory_space<vmem>> -> memref<512x32xf32, #tpu.memory_space<vmem>>
        %get3A_469 = arith.index_cast %add3A_452 : i32 to index
        %get3A_470 = arith.constant 16 : index
        %get3A_471 = tpu.vector_load %get3A_468[%get3A_469, %get3A_470] {strides = array<i32>} : memref<512x32xf32, #tpu.memory_space<vmem>>, vector<16xf32>,
        %scatter3A_472 = arith.constant 0 : i32
        %scatter3A_473 = arith.constant 0 : i32
        %scatter3A_474 = tpu.memref_slice %arg7[%scan3A_369, %scatter3A_472, %scatter3A_473] : memref<2x32x513xf32, #tpu.memory_space<vmem>> -> memref<1x32x513xf32, #tpu.memory_space<vmem>>
        %scatter3A_475 = tpu.memref_squeeze %scatter3A_474 : memref<1x32x513xf32, #tpu.memory_space<vmem>> -> memref<32x513xf32, #tpu.memory_space<vmem>>
        tpu.vector_store_idx %scatter3A_475[%add3A_366, %broadcast_in_dim3A_453], %get3A_471 : memref<32x513xf32, #tpu.memory_space<vmem>>[vector<16xi32>, vector<16xi32>], vector<16xf32>,
        %mul3A_476 = arith.constant 16 : i32
        %mul3A_477 = arith.muli %scan3A_397, %mul3A_476 : i32
        %add3A_478 = arith.constant 3 : i32
        %add3A_479 = arith.addi %mul3A_477, %add3A_478 : i32
        %broadcast_in_dim3A_480 = vector.broadcast %add3A_479 : i32 to vector<16xi32>
        %get3A_481 = arith.constant 0 : i32
        %get3A_482 = arith.constant 0 : i32
        %get3A_483 = tpu.memref_slice %arg6[%scan3A_368, %get3A_481, %get3A_482] : memref<2x512x32xf32, #tpu.memory_space<vmem>> -> memref<1x512x32xf32, #tpu.memory_space<vmem>>
        %get3A_484 = tpu.memref_squeeze %get3A_483 : memref<1x512x32xf32, #tpu.memory_space<vmem>> -> memref<512x32xf32, #tpu.memory_space<vmem>>
        %get3A_485 = arith.index_cast %add3A_479 : i32 to index
        %get3A_486 = arith.constant 0 : index
        %get3A_487 = tpu.vector_load %get3A_484[%get3A_485, %get3A_486] {strides = array<i32>} : memref<512x32xf32, #tpu.memory_space<vmem>>, vector<16xf32>,
        %scatter3A_488 = arith.constant 0 : i32
        %scatter3A_489 = arith.constant 0 : i32
        %scatter3A_490 = tpu.memref_slice %arg7[%scan3A_369, %scatter3A_488, %scatter3A_489] : memref<2x32x513xf32, #tpu.memory_space<vmem>> -> memref<1x32x513xf32, #tpu.memory_space<vmem>>
        %scatter3A_491 = tpu.memref_squeeze %scatter3A_490 : memref<1x32x513xf32, #tpu.memory_space<vmem>> -> memref<32x513xf32, #tpu.memory_space<vmem>>
        tpu.vector_store_idx %scatter3A_491[%iota3A, %broadcast_in_dim3A_480], %get3A_487 : memref<32x513xf32, #tpu.memory_space<vmem>>[vector<16xi32>, vector<16xi32>], vector<16xf32>,
        %get3A_492 = arith.constant 0 : i32
        %get3A_493 = arith.constant 0 : i32
        %get3A_494 = tpu.memref_slice %arg6[%scan3A_368, %get3A_492, %get3A_493] : memref<2x512x32xf32, #tpu.memory_space<vmem>> -> memref<1x512x32xf32, #tpu.memory_space<vmem>>
        %get3A_495 = tpu.memref_squeeze %get3A_494 : memref<1x512x32xf32, #tpu.memory_space<vmem>> -> memref<512x32xf32, #tpu.memory_space<vmem>>
        %get3A_496 = arith.index_cast %add3A_479 : i32 to index
        %get3A_497 = arith.constant 16 : index
        %get3A_498 = tpu.vector_load %get3A_495[%get3A_496, %get3A_497] {strides = array<i32>} : memref<512x32xf32, #tpu.memory_space<vmem>>, vector<16xf32>,
        %scatter3A_499 = arith.constant 0 : i32
        %scatter3A_500 = arith.constant 0 : i32
        %scatter3A_501 = tpu.memref_slice %arg7[%scan3A_369, %scatter3A_499, %scatter3A_500] : memref<2x32x513xf32, #tpu.memory_space<vmem>> -> memref<1x32x513xf32, #tpu.memory_space<vmem>>
        %scatter3A_502 = tpu.memref_squeeze %scatter3A_501 : memref<1x32x513xf32, #tpu.memory_space<vmem>> -> memref<32x513xf32, #tpu.memory_space<vmem>>
        tpu.vector_store_idx %scatter3A_502[%add3A_366, %broadcast_in_dim3A_480], %get3A_498 : memref<32x513xf32, #tpu.memory_space<vmem>>[vector<16xi32>, vector<16xi32>], vector<16xf32>,
        %mul3A_503 = arith.constant 16 : i32
        %mul3A_504 = arith.muli %scan3A_397, %mul3A_503 : i32
        %add3A_505 = arith.constant 4 : i32
        %add3A_506 = arith.addi %mul3A_504, %add3A_505 : i32
        %broadcast_in_dim3A_507 = vector.broadcast %add3A_506 : i32 to vector<16xi32>
        %get3A_508 = arith.constant 0 : i32
        %get3A_509 = arith.constant 0 : i32
        %get3A_510 = tpu.memref_slice %arg6[%scan3A_368, %get3A_508, %get3A_509] : memref<2x512x32xf32, #tpu.memory_space<vmem>> -> memref<1x512x32xf32, #tpu.memory_space<vmem>>
        %get3A_511 = tpu.memref_squeeze %get3A_510 : memref<1x512x32xf32, #tpu.memory_space<vmem>> -> memref<512x32xf32, #tpu.memory_space<vmem>>
        %get3A_512 = arith.index_cast %add3A_506 : i32 to index
        %get3A_513 = arith.constant 0 : index
        %get3A_514 = tpu.vector_load %get3A_511[%get3A_512, %get3A_513] {strides = array<i32>} : memref<512x32xf32, #tpu.memory_space<vmem>>, vector<16xf32>,
        %scatter3A_515 = arith.constant 0 : i32
        %scatter3A_516 = arith.constant 0 : i32
        %scatter3A_517 = tpu.memref_slice %arg7[%scan3A_369, %scatter3A_515, %scatter3A_516] : memref<2x32x513xf32, #tpu.memory_space<vmem>> -> memref<1x32x513xf32, #tpu.memory_space<vmem>>
        %scatter3A_518 = tpu.memref_squeeze %scatter3A_517 : memref<1x32x513xf32, #tpu.memory_space<vmem>> -> memref<32x513xf32, #tpu.memory_space<vmem>>
        tpu.vector_store_idx %scatter3A_518[%iota3A, %broadcast_in_dim3A_507], %get3A_514 : memref<32x513xf32, #tpu.memory_space<vmem>>[vector<16xi32>, vector<16xi32>], vector<16xf32>,
        %get3A_519 = arith.constant 0 : i32
        %get3A_520 = arith.constant 0 : i32
        %get3A_521 = tpu.memref_slice %arg6[%scan3A_368, %get3A_519, %get3A_520] : memref<2x512x32xf32, #tpu.memory_space<vmem>> -> memref<1x512x32xf32, #tpu.memory_space<vmem>>
        %get3A_522 = tpu.memref_squeeze %get3A_521 : memref<1x512x32xf32, #tpu.memory_space<vmem>> -> memref<512x32xf32, #tpu.memory_space<vmem>>
        %get3A_523 = arith.index_cast %add3A_506 : i32 to index
        %get3A_524 = arith.constant 16 : index
        %get3A_525 = tpu.vector_load %get3A_522[%get3A_523, %get3A_524] {strides = array<i32>} : memref<512x32xf32, #tpu.memory_space<vmem>>, vector<16xf32>,
        %scatter3A_526 = arith.constant 0 : i32
        %scatter3A_527 = arith.constant 0 : i32
        %scatter3A_528 = tpu.memref_slice %arg7[%scan3A_369, %scatter3A_526, %scatter3A_527] : memref<2x32x513xf32, #tpu.memory_space<vmem>> -> memref<1x32x513xf32, #tpu.memory_space<vmem>>
        %scatter3A_529 = tpu.memref_squeeze %scatter3A_528 : memref<1x32x513xf32, #tpu.memory_space<vmem>> -> memref<32x513xf32, #tpu.memory_space<vmem>>
        tpu.vector_store_idx %scatter3A_529[%add3A_366, %broadcast_in_dim3A_507], %get3A_525 : memref<32x513xf32, #tpu.memory_space<vmem>>[vector<16xi32>, vector<16xi32>], vector<16xf32>,
        %mul3A_530 = arith.constant 16 : i32
        %mul3A_531 = arith.muli %scan3A_397, %mul3A_530 : i32
        %add3A_532 = arith.constant 5 : i32
        %add3A_533 = arith.addi %mul3A_531, %add3A_532 : i32
        %broadcast_in_dim3A_534 = vector.broadcast %add3A_533 : i32 to vector<16xi32>
        %get3A_535 = arith.constant 0 : i32
        %get3A_536 = arith.constant 0 : i32
        %get3A_537 = tpu.memref_slice %arg6[%scan3A_368, %get3A_535, %get3A_536] : memref<2x512x32xf32, #tpu.memory_space<vmem>> -> memref<1x512x32xf32, #tpu.memory_space<vmem>>
        %get3A_538 = tpu.memref_squeeze %get3A_537 : memref<1x512x32xf32, #tpu.memory_space<vmem>> -> memref<512x32xf32, #tpu.memory_space<vmem>>
        %get3A_539 = arith.index_cast %add3A_533 : i32 to index
        %get3A_540 = arith.constant 0 : index
        %get3A_541 = tpu.vector_load %get3A_538[%get3A_539, %get3A_540] {strides = array<i32>} : memref<512x32xf32, #tpu.memory_space<vmem>>, vector<16xf32>,
        %scatter3A_542 = arith.constant 0 : i32
        %scatter3A_543 = arith.constant 0 : i32
        %scatter3A_544 = tpu.memref_slice %arg7[%scan3A_369, %scatter3A_542, %scatter3A_543] : memref<2x32x513xf32, #tpu.memory_space<vmem>> -> memref<1x32x513xf32, #tpu.memory_space<vmem>>
        %scatter3A_545 = tpu.memref_squeeze %scatter3A_544 : memref<1x32x513xf32, #tpu.memory_space<vmem>> -> memref<32x513xf32, #tpu.memory_space<vmem>>
        tpu.vector_store_idx %scatter3A_545[%iota3A, %broadcast_in_dim3A_534], %get3A_541 : memref<32x513xf32, #tpu.memory_space<vmem>>[vector<16xi32>, vector<16xi32>], vector<16xf32>,
        %get3A_546 = arith.constant 0 : i32
        %get3A_547 = arith.constant 0 : i32
        %get3A_548 = tpu.memref_slice %arg6[%scan3A_368, %get3A_546, %get3A_547] : memref<2x512x32xf32, #tpu.memory_space<vmem>> -> memref<1x512x32xf32, #tpu.memory_space<vmem>>
        %get3A_549 = tpu.memref_squeeze %get3A_548 : memref<1x512x32xf32, #tpu.memory_space<vmem>> -> memref<512x32xf32, #tpu.memory_space<vmem>>
        %get3A_550 = arith.index_cast %add3A_533 : i32 to index
        %get3A_551 = arith.constant 16 : index
        %get3A_552 = tpu.vector_load %get3A_549[%get3A_550, %get3A_551] {strides = array<i32>} : memref<512x32xf32, #tpu.memory_space<vmem>>, vector<16xf32>,
        %scatter3A_553 = arith.constant 0 : i32
        %scatter3A_554 = arith.constant 0 : i32
        %scatter3A_555 = tpu.memref_slice %arg7[%scan3A_369, %scatter3A_553, %scatter3A_554] : memref<2x32x513xf32, #tpu.memory_space<vmem>> -> memref<1x32x513xf32, #tpu.memory_space<vmem>>
        %scatter3A_556 = tpu.memref_squeeze %scatter3A_555 : memref<1x32x513xf32, #tpu.memory_space<vmem>> -> memref<32x513xf32, #tpu.memory_space<vmem>>
        tpu.vector_store_idx %scatter3A_556[%add3A_366, %broadcast_in_dim3A_534], %get3A_552 : memref<32x513xf32, #tpu.memory_space<vmem>>[vector<16xi32>, vector<16xi32>], vector<16xf32>,
        %mul3A_557 = arith.constant 16 : i32
        %mul3A_558 = arith.muli %scan3A_397, %mul3A_557 : i32
        %add3A_559 = arith.constant 6 : i32
        %add3A_560 = arith.addi %mul3A_558, %add3A_559 : i32
        %broadcast_in_dim3A_561 = vector.broadcast %add3A_560 : i32 to vector<16xi32>
        %get3A_562 = arith.constant 0 : i32
        %get3A_563 = arith.constant 0 : i32
        %get3A_564 = tpu.memref_slice %arg6[%scan3A_368, %get3A_562, %get3A_563] : memref<2x512x32xf32, #tpu.memory_space<vmem>> -> memref<1x512x32xf32, #tpu.memory_space<vmem>>
        %get3A_565 = tpu.memref_squeeze %get3A_564 : memref<1x512x32xf32, #tpu.memory_space<vmem>> -> memref<512x32xf32, #tpu.memory_space<vmem>>
        %get3A_566 = arith.index_cast %add3A_560 : i32 to index
        %get3A_567 = arith.constant 0 : index
        %get3A_568 = tpu.vector_load %get3A_565[%get3A_566, %get3A_567] {strides = array<i32>} : memref<512x32xf32, #tpu.memory_space<vmem>>, vector<16xf32>,
        %scatter3A_569 = arith.constant 0 : i32
        %scatter3A_570 = arith.constant 0 : i32
        %scatter3A_571 = tpu.memref_slice %arg7[%scan3A_369, %scatter3A_569, %scatter3A_570] : memref<2x32x513xf32, #tpu.memory_space<vmem>> -> memref<1x32x513xf32, #tpu.memory_space<vmem>>
        %scatter3A_572 = tpu.memref_squeeze %scatter3A_571 : memref<1x32x513xf32, #tpu.memory_space<vmem>> -> memref<32x513xf32, #tpu.memory_space<vmem>>
        tpu.vector_store_idx %scatter3A_572[%iota3A, %broadcast_in_dim3A_561], %get3A_568 : memref<32x513xf32, #tpu.memory_space<vmem>>[vector<16xi32>, vector<16xi32>], vector<16xf32>,
        %get3A_573 = arith.constant 0 : i32
        %get3A_574 = arith.constant 0 : i32
        %get3A_575 = tpu.memref_slice %arg6[%scan3A_368, %get3A_573, %get3A_574] : memref<2x512x32xf32, #tpu.memory_space<vmem>> -> memref<1x512x32xf32, #tpu.memory_space<vmem>>
        %get3A_576 = tpu.memref_squeeze %get3A_575 : memref<1x512x32xf32, #tpu.memory_space<vmem>> -> memref<512x32xf32, #tpu.memory_space<vmem>>
        %get3A_577 = arith.index_cast %add3A_560 : i32 to index
        %get3A_578 = arith.constant 16 : index
        %get3A_579 = tpu.vector_load %get3A_576[%get3A_577, %get3A_578] {strides = array<i32>} : memref<512x32xf32, #tpu.memory_space<vmem>>, vector<16xf32>,
        %scatter3A_580 = arith.constant 0 : i32
        %scatter3A_581 = arith.constant 0 : i32
        %scatter3A_582 = tpu.memref_slice %arg7[%scan3A_369, %scatter3A_580, %scatter3A_581] : memref<2x32x513xf32, #tpu.memory_space<vmem>> -> memref<1x32x513xf32, #tpu.memory_space<vmem>>
        %scatter3A_583 = tpu.memref_squeeze %scatter3A_582 : memref<1x32x513xf32, #tpu.memory_space<vmem>> -> memref<32x513xf32, #tpu.memory_space<vmem>>
        tpu.vector_store_idx %scatter3A_583[%add3A_366, %broadcast_in_dim3A_561], %get3A_579 : memref<32x513xf32, #tpu.memory_space<vmem>>[vector<16xi32>, vector<16xi32>], vector<16xf32>,
        %mul3A_584 = arith.constant 16 : i32
        %mul3A_585 = arith.muli %scan3A_397, %mul3A_584 : i32
        %add3A_586 = arith.constant 7 : i32
        %add3A_587 = arith.addi %mul3A_585, %add3A_586 : i32
        %broadcast_in_dim3A_588 = vector.broadcast %add3A_587 : i32 to vector<16xi32>
        %get3A_589 = arith.constant 0 : i32
        %get3A_590 = arith.constant 0 : i32
        %get3A_591 = tpu.memref_slice %arg6[%scan3A_368, %get3A_589, %get3A_590] : memref<2x512x32xf32, #tpu.memory_space<vmem>> -> memref<1x512x32xf32, #tpu.memory_space<vmem>>
        %get3A_592 = tpu.memref_squeeze %get3A_591 : memref<1x512x32xf32, #tpu.memory_space<vmem>> -> memref<512x32xf32, #tpu.memory_space<vmem>>
        %get3A_593 = arith.index_cast %add3A_587 : i32 to index
        %get3A_594 = arith.constant 0 : index
        %get3A_595 = tpu.vector_load %get3A_592[%get3A_593, %get3A_594] {strides = array<i32>} : memref<512x32xf32, #tpu.memory_space<vmem>>, vector<16xf32>,
        %scatter3A_596 = arith.constant 0 : i32
        %scatter3A_597 = arith.constant 0 : i32
        %scatter3A_598 = tpu.memref_slice %arg7[%scan3A_369, %scatter3A_596, %scatter3A_597] : memref<2x32x513xf32, #tpu.memory_space<vmem>> -> memref<1x32x513xf32, #tpu.memory_space<vmem>>
        %scatter3A_599 = tpu.memref_squeeze %scatter3A_598 : memref<1x32x513xf32, #tpu.memory_space<vmem>> -> memref<32x513xf32, #tpu.memory_space<vmem>>
        tpu.vector_store_idx %scatter3A_599[%iota3A, %broadcast_in_dim3A_588], %get3A_595 : memref<32x513xf32, #tpu.memory_space<vmem>>[vector<16xi32>, vector<16xi32>], vector<16xf32>,
        %get3A_600 = arith.constant 0 : i32
        %get3A_601 = arith.constant 0 : i32
        %get3A_602 = tpu.memref_slice %arg6[%scan3A_368, %get3A_600, %get3A_601] : memref<2x512x32xf32, #tpu.memory_space<vmem>> -> memref<1x512x32xf32, #tpu.memory_space<vmem>>
        %get3A_603 = tpu.memref_squeeze %get3A_602 : memref<1x512x32xf32, #tpu.memory_space<vmem>> -> memref<512x32xf32, #tpu.memory_space<vmem>>
        %get3A_604 = arith.index_cast %add3A_587 : i32 to index
        %get3A_605 = arith.constant 16 : index
        %get3A_606 = tpu.vector_load %get3A_603[%get3A_604, %get3A_605] {strides = array<i32>} : memref<512x32xf32, #tpu.memory_space<vmem>>, vector<16xf32>,
        %scatter3A_607 = arith.constant 0 : i32
        %scatter3A_608 = arith.constant 0 : i32
        %scatter3A_609 = tpu.memref_slice %arg7[%scan3A_369, %scatter3A_607, %scatter3A_608] : memref<2x32x513xf32, #tpu.memory_space<vmem>> -> memref<1x32x513xf32, #tpu.memory_space<vmem>>
        %scatter3A_610 = tpu.memref_squeeze %scatter3A_609 : memref<1x32x513xf32, #tpu.memory_space<vmem>> -> memref<32x513xf32, #tpu.memory_space<vmem>>
        tpu.vector_store_idx %scatter3A_610[%add3A_366, %broadcast_in_dim3A_588], %get3A_606 : memref<32x513xf32, #tpu.memory_space<vmem>>[vector<16xi32>, vector<16xi32>], vector<16xf32>,
        %mul3A_611 = arith.constant 16 : i32
        %mul3A_612 = arith.muli %scan3A_397, %mul3A_611 : i32
        %add3A_613 = arith.constant 8 : i32
        %add3A_614 = arith.addi %mul3A_612, %add3A_613 : i32
        %broadcast_in_dim3A_615 = vector.broadcast %add3A_614 : i32 to vector<16xi32>
        %get3A_616 = arith.constant 0 : i32
        %get3A_617 = arith.constant 0 : i32
        %get3A_618 = tpu.memref_slice %arg6[%scan3A_368, %get3A_616, %get3A_617] : memref<2x512x32xf32, #tpu.memory_space<vmem>> -> memref<1x512x32xf32, #tpu.memory_space<vmem>>
        %get3A_619 = tpu.memref_squeeze %get3A_618 : memref<1x512x32xf32, #tpu.memory_space<vmem>> -> memref<512x32xf32, #tpu.memory_space<vmem>>
        %get3A_620 = arith.index_cast %add3A_614 : i32 to index
        %get3A_621 = arith.constant 0 : index
        %get3A_622 = tpu.vector_load %get3A_619[%get3A_620, %get3A_621] {strides = array<i32>} : memref<512x32xf32, #tpu.memory_space<vmem>>, vector<16xf32>,
        %scatter3A_623 = arith.constant 0 : i32
        %scatter3A_624 = arith.constant 0 : i32
        %scatter3A_625 = tpu.memref_slice %arg7[%scan3A_369, %scatter3A_623, %scatter3A_624] : memref<2x32x513xf32, #tpu.memory_space<vmem>> -> memref<1x32x513xf32, #tpu.memory_space<vmem>>
        %scatter3A_626 = tpu.memref_squeeze %scatter3A_625 : memref<1x32x513xf32, #tpu.memory_space<vmem>> -> memref<32x513xf32, #tpu.memory_space<vmem>>
        tpu.vector_store_idx %scatter3A_626[%iota3A, %broadcast_in_dim3A_615], %get3A_622 : memref<32x513xf32, #tpu.memory_space<vmem>>[vector<16xi32>, vector<16xi32>], vector<16xf32>,
        %get3A_627 = arith.constant 0 : i32
        %get3A_628 = arith.constant 0 : i32
        %get3A_629 = tpu.memref_slice %arg6[%scan3A_368, %get3A_627, %get3A_628] : memref<2x512x32xf32, #tpu.memory_space<vmem>> -> memref<1x512x32xf32, #tpu.memory_space<vmem>>
        %get3A_630 = tpu.memref_squeeze %get3A_629 : memref<1x512x32xf32, #tpu.memory_space<vmem>> -> memref<512x32xf32, #tpu.memory_space<vmem>>
        %get3A_631 = arith.index_cast %add3A_614 : i32 to index
        %get3A_632 = arith.constant 16 : index
        %get3A_633 = tpu.vector_load %get3A_630[%get3A_631, %get3A_632] {strides = array<i32>} : memref<512x32xf32, #tpu.memory_space<vmem>>, vector<16xf32>,
        %scatter3A_634 = arith.constant 0 : i32
        %scatter3A_635 = arith.constant 0 : i32
        %scatter3A_636 = tpu.memref_slice %arg7[%scan3A_369, %scatter3A_634, %scatter3A_635] : memref<2x32x513xf32, #tpu.memory_space<vmem>> -> memref<1x32x513xf32, #tpu.memory_space<vmem>>
        %scatter3A_637 = tpu.memref_squeeze %scatter3A_636 : memref<1x32x513xf32, #tpu.memory_space<vmem>> -> memref<32x513xf32, #tpu.memory_space<vmem>>
        tpu.vector_store_idx %scatter3A_637[%add3A_366, %broadcast_in_dim3A_615], %get3A_633 : memref<32x513xf32, #tpu.memory_space<vmem>>[vector<16xi32>, vector<16xi32>], vector<16xf32>,
        %mul3A_638 = arith.constant 16 : i32
        %mul3A_639 = arith.muli %scan3A_397, %mul3A_638 : i32
        %add3A_640 = arith.constant 9 : i32
        %add3A_641 = arith.addi %mul3A_639, %add3A_640 : i32
        %broadcast_in_dim3A_642 = vector.broadcast %add3A_641 : i32 to vector<16xi32>
        %get3A_643 = arith.constant 0 : i32
        %get3A_644 = arith.constant 0 : i32
        %get3A_645 = tpu.memref_slice %arg6[%scan3A_368, %get3A_643, %get3A_644] : memref<2x512x32xf32, #tpu.memory_space<vmem>> -> memref<1x512x32xf32, #tpu.memory_space<vmem>>
        %get3A_646 = tpu.memref_squeeze %get3A_645 : memref<1x512x32xf32, #tpu.memory_space<vmem>> -> memref<512x32xf32, #tpu.memory_space<vmem>>
        %get3A_647 = arith.index_cast %add3A_641 : i32 to index
        %get3A_648 = arith.constant 0 : index
        %get3A_649 = tpu.vector_load %get3A_646[%get3A_647, %get3A_648] {strides = array<i32>} : memref<512x32xf32, #tpu.memory_space<vmem>>, vector<16xf32>,
        %scatter3A_650 = arith.constant 0 : i32
        %scatter3A_651 = arith.constant 0 : i32
        %scatter3A_652 = tpu.memref_slice %arg7[%scan3A_369, %scatter3A_650, %scatter3A_651] : memref<2x32x513xf32, #tpu.memory_space<vmem>> -> memref<1x32x513xf32, #tpu.memory_space<vmem>>
        %scatter3A_653 = tpu.memref_squeeze %scatter3A_652 : memref<1x32x513xf32, #tpu.memory_space<vmem>> -> memref<32x513xf32, #tpu.memory_space<vmem>>
        tpu.vector_store_idx %scatter3A_653[%iota3A, %broadcast_in_dim3A_642], %get3A_649 : memref<32x513xf32, #tpu.memory_space<vmem>>[vector<16xi32>, vector<16xi32>], vector<16xf32>,
        %get3A_654 = arith.constant 0 : i32
        %get3A_655 = arith.constant 0 : i32
        %get3A_656 = tpu.memref_slice %arg6[%scan3A_368, %get3A_654, %get3A_655] : memref<2x512x32xf32, #tpu.memory_space<vmem>> -> memref<1x512x32xf32, #tpu.memory_space<vmem>>
        %get3A_657 = tpu.memref_squeeze %get3A_656 : memref<1x512x32xf32, #tpu.memory_space<vmem>> -> memref<512x32xf32, #tpu.memory_space<vmem>>
        %get3A_658 = arith.index_cast %add3A_641 : i32 to index
        %get3A_659 = arith.constant 16 : index
        %get3A_660 = tpu.vector_load %get3A_657[%get3A_658, %get3A_659] {strides = array<i32>} : memref<512x32xf32, #tpu.memory_space<vmem>>, vector<16xf32>,
        %scatter3A_661 = arith.constant 0 : i32
        %scatter3A_662 = arith.constant 0 : i32
        %scatter3A_663 = tpu.memref_slice %arg7[%scan3A_369, %scatter3A_661, %scatter3A_662] : memref<2x32x513xf32, #tpu.memory_space<vmem>> -> memref<1x32x513xf32, #tpu.memory_space<vmem>>
        %scatter3A_664 = tpu.memref_squeeze %scatter3A_663 : memref<1x32x513xf32, #tpu.memory_space<vmem>> -> memref<32x513xf32, #tpu.memory_space<vmem>>
        tpu.vector_store_idx %scatter3A_664[%add3A_366, %broadcast_in_dim3A_642], %get3A_660 : memref<32x513xf32, #tpu.memory_space<vmem>>[vector<16xi32>, vector<16xi32>], vector<16xf32>,
        %mul3A_665 = arith.constant 16 : i32
        %mul3A_666 = arith.muli %scan3A_397, %mul3A_665 : i32
        %add3A_667 = arith.constant 10 : i32
        %add3A_668 = arith.addi %mul3A_666, %add3A_667 : i32
        %broadcast_in_dim3A_669 = vector.broadcast %add3A_668 : i32 to vector<16xi32>
        %get3A_670 = arith.constant 0 : i32
        %get3A_671 = arith.constant 0 : i32
        %get3A_672 = tpu.memref_slice %arg6[%scan3A_368, %get3A_670, %get3A_671] : memref<2x512x32xf32, #tpu.memory_space<vmem>> -> memref<1x512x32xf32, #tpu.memory_space<vmem>>
        %get3A_673 = tpu.memref_squeeze %get3A_672 : memref<1x512x32xf32, #tpu.memory_space<vmem>> -> memref<512x32xf32, #tpu.memory_space<vmem>>
        %get3A_674 = arith.index_cast %add3A_668 : i32 to index
        %get3A_675 = arith.constant 0 : index
        %get3A_676 = tpu.vector_load %get3A_673[%get3A_674, %get3A_675] {strides = array<i32>} : memref<512x32xf32, #tpu.memory_space<vmem>>, vector<16xf32>,
        %scatter3A_677 = arith.constant 0 : i32
        %scatter3A_678 = arith.constant 0 : i32
        %scatter3A_679 = tpu.memref_slice %arg7[%scan3A_369, %scatter3A_677, %scatter3A_678] : memref<2x32x513xf32, #tpu.memory_space<vmem>> -> memref<1x32x513xf32, #tpu.memory_space<vmem>>
        %scatter3A_680 = tpu.memref_squeeze %scatter3A_679 : memref<1x32x513xf32, #tpu.memory_space<vmem>> -> memref<32x513xf32, #tpu.memory_space<vmem>>
        tpu.vector_store_idx %scatter3A_680[%iota3A, %broadcast_in_dim3A_669], %get3A_676 : memref<32x513xf32, #tpu.memory_space<vmem>>[vector<16xi32>, vector<16xi32>], vector<16xf32>,
        %get3A_681 = arith.constant 0 : i32
        %get3A_682 = arith.constant 0 : i32
        %get3A_683 = tpu.memref_slice %arg6[%scan3A_368, %get3A_681, %get3A_682] : memref<2x512x32xf32, #tpu.memory_space<vmem>> -> memref<1x512x32xf32, #tpu.memory_space<vmem>>
        %get3A_684 = tpu.memref_squeeze %get3A_683 : memref<1x512x32xf32, #tpu.memory_space<vmem>> -> memref<512x32xf32, #tpu.memory_space<vmem>>
        %get3A_685 = arith.index_cast %add3A_668 : i32 to index
        %get3A_686 = arith.constant 16 : index
        %get3A_687 = tpu.vector_load %get3A_684[%get3A_685, %get3A_686] {strides = array<i32>} : memref<512x32xf32, #tpu.memory_space<vmem>>, vector<16xf32>,
        %scatter3A_688 = arith.constant 0 : i32
        %scatter3A_689 = arith.constant 0 : i32
        %scatter3A_690 = tpu.memref_slice %arg7[%scan3A_369, %scatter3A_688, %scatter3A_689] : memref<2x32x513xf32, #tpu.memory_space<vmem>> -> memref<1x32x513xf32, #tpu.memory_space<vmem>>
        %scatter3A_691 = tpu.memref_squeeze %scatter3A_690 : memref<1x32x513xf32, #tpu.memory_space<vmem>> -> memref<32x513xf32, #tpu.memory_space<vmem>>
        tpu.vector_store_idx %scatter3A_691[%add3A_366, %broadcast_in_dim3A_669], %get3A_687 : memref<32x513xf32, #tpu.memory_space<vmem>>[vector<16xi32>, vector<16xi32>], vector<16xf32>,
        %mul3A_692 = arith.constant 16 : i32
        %mul3A_693 = arith.muli %scan3A_397, %mul3A_692 : i32
        %add3A_694 = arith.constant 11 : i32
        %add3A_695 = arith.addi %mul3A_693, %add3A_694 : i32
        %broadcast_in_dim3A_696 = vector.broadcast %add3A_695 : i32 to vector<16xi32>
        %get3A_697 = arith.constant 0 : i32
        %get3A_698 = arith.constant 0 : i32
        %get3A_699 = tpu.memref_slice %arg6[%scan3A_368, %get3A_697, %get3A_698] : memref<2x512x32xf32, #tpu.memory_space<vmem>> -> memref<1x512x32xf32, #tpu.memory_space<vmem>>
        %get3A_700 = tpu.memref_squeeze %get3A_699 : memref<1x512x32xf32, #tpu.memory_space<vmem>> -> memref<512x32xf32, #tpu.memory_space<vmem>>
        %get3A_701 = arith.index_cast %add3A_695 : i32 to index
        %get3A_702 = arith.constant 0 : index
        %get3A_703 = tpu.vector_load %get3A_700[%get3A_701, %get3A_702] {strides = array<i32>} : memref<512x32xf32, #tpu.memory_space<vmem>>, vector<16xf32>,
        %scatter3A_704 = arith.constant 0 : i32
        %scatter3A_705 = arith.constant 0 : i32
        %scatter3A_706 = tpu.memref_slice %arg7[%scan3A_369, %scatter3A_704, %scatter3A_705] : memref<2x32x513xf32, #tpu.memory_space<vmem>> -> memref<1x32x513xf32, #tpu.memory_space<vmem>>
        %scatter3A_707 = tpu.memref_squeeze %scatter3A_706 : memref<1x32x513xf32, #tpu.memory_space<vmem>> -> memref<32x513xf32, #tpu.memory_space<vmem>>
        tpu.vector_store_idx %scatter3A_707[%iota3A, %broadcast_in_dim3A_696], %get3A_703 : memref<32x513xf32, #tpu.memory_space<vmem>>[vector<16xi32>, vector<16xi32>], vector<16xf32>,
        %get3A_708 = arith.constant 0 : i32
        %get3A_709 = arith.constant 0 : i32
        %get3A_710 = tpu.memref_slice %arg6[%scan3A_368, %get3A_708, %get3A_709] : memref<2x512x32xf32, #tpu.memory_space<vmem>> -> memref<1x512x32xf32, #tpu.memory_space<vmem>>
        %get3A_711 = tpu.memref_squeeze %get3A_710 : memref<1x512x32xf32, #tpu.memory_space<vmem>> -> memref<512x32xf32, #tpu.memory_space<vmem>>
        %get3A_712 = arith.index_cast %add3A_695 : i32 to index
        %get3A_713 = arith.constant 16 : index
        %get3A_714 = tpu.vector_load %get3A_711[%get3A_712, %get3A_713] {strides = array<i32>} : memref<512x32xf32, #tpu.memory_space<vmem>>, vector<16xf32>,
        %scatter3A_715 = arith.constant 0 : i32
        %scatter3A_716 = arith.constant 0 : i32
        %scatter3A_717 = tpu.memref_slice %arg7[%scan3A_369, %scatter3A_715, %scatter3A_716] : memref<2x32x513xf32, #tpu.memory_space<vmem>> -> memref<1x32x513xf32, #tpu.memory_space<vmem>>
        %scatter3A_718 = tpu.memref_squeeze %scatter3A_717 : memref<1x32x513xf32, #tpu.memory_space<vmem>> -> memref<32x513xf32, #tpu.memory_space<vmem>>
        tpu.vector_store_idx %scatter3A_718[%add3A_366, %broadcast_in_dim3A_696], %get3A_714 : memref<32x513xf32, #tpu.memory_space<vmem>>[vector<16xi32>, vector<16xi32>], vector<16xf32>,
        %mul3A_719 = arith.constant 16 : i32
        %mul3A_720 = arith.muli %scan3A_397, %mul3A_719 : i32
        %add3A_721 = arith.constant 12 : i32
        %add3A_722 = arith.addi %mul3A_720, %add3A_721 : i32
        %broadcast_in_dim3A_723 = vector.broadcast %add3A_722 : i32 to vector<16xi32>
        %get3A_724 = arith.constant 0 : i32
        %get3A_725 = arith.constant 0 : i32
        %get3A_726 = tpu.memref_slice %arg6[%scan3A_368, %get3A_724, %get3A_725] : memref<2x512x32xf32, #tpu.memory_space<vmem>> -> memref<1x512x32xf32, #tpu.memory_space<vmem>>
        %get3A_727 = tpu.memref_squeeze %get3A_726 : memref<1x512x32xf32, #tpu.memory_space<vmem>> -> memref<512x32xf32, #tpu.memory_space<vmem>>
        %get3A_728 = arith.index_cast %add3A_722 : i32 to index
        %get3A_729 = arith.constant 0 : index
        %get3A_730 = tpu.vector_load %get3A_727[%get3A_728, %get3A_729] {strides = array<i32>} : memref<512x32xf32, #tpu.memory_space<vmem>>, vector<16xf32>,
        %scatter3A_731 = arith.constant 0 : i32
        %scatter3A_732 = arith.constant 0 : i32
        %scatter3A_733 = tpu.memref_slice %arg7[%scan3A_369, %scatter3A_731, %scatter3A_732] : memref<2x32x513xf32, #tpu.memory_space<vmem>> -> memref<1x32x513xf32, #tpu.memory_space<vmem>>
        %scatter3A_734 = tpu.memref_squeeze %scatter3A_733 : memref<1x32x513xf32, #tpu.memory_space<vmem>> -> memref<32x513xf32, #tpu.memory_space<vmem>>
        tpu.vector_store_idx %scatter3A_734[%iota3A, %broadcast_in_dim3A_723], %get3A_730 : memref<32x513xf32, #tpu.memory_space<vmem>>[vector<16xi32>, vector<16xi32>], vector<16xf32>,
        %get3A_735 = arith.constant 0 : i32
        %get3A_736 = arith.constant 0 : i32
        %get3A_737 = tpu.memref_slice %arg6[%scan3A_368, %get3A_735, %get3A_736] : memref<2x512x32xf32, #tpu.memory_space<vmem>> -> memref<1x512x32xf32, #tpu.memory_space<vmem>>
        %get3A_738 = tpu.memref_squeeze %get3A_737 : memref<1x512x32xf32, #tpu.memory_space<vmem>> -> memref<512x32xf32, #tpu.memory_space<vmem>>
        %get3A_739 = arith.index_cast %add3A_722 : i32 to index
        %get3A_740 = arith.constant 16 : index
        %get3A_741 = tpu.vector_load %get3A_738[%get3A_739, %get3A_740] {strides = array<i32>} : memref<512x32xf32, #tpu.memory_space<vmem>>, vector<16xf32>,
        %scatter3A_742 = arith.constant 0 : i32
        %scatter3A_743 = arith.constant 0 : i32
        %scatter3A_744 = tpu.memref_slice %arg7[%scan3A_369, %scatter3A_742, %scatter3A_743] : memref<2x32x513xf32, #tpu.memory_space<vmem>> -> memref<1x32x513xf32, #tpu.memory_space<vmem>>
        %scatter3A_745 = tpu.memref_squeeze %scatter3A_744 : memref<1x32x513xf32, #tpu.memory_space<vmem>> -> memref<32x513xf32, #tpu.memory_space<vmem>>
        tpu.vector_store_idx %scatter3A_745[%add3A_366, %broadcast_in_dim3A_723], %get3A_741 : memref<32x513xf32, #tpu.memory_space<vmem>>[vector<16xi32>, vector<16xi32>], vector<16xf32>,
        %mul3A_746 = arith.constant 16 : i32
        %mul3A_747 = arith.muli %scan3A_397, %mul3A_746 : i32
        %add3A_748 = arith.constant 13 : i32
        %add3A_749 = arith.addi %mul3A_747, %add3A_748 : i32
        %broadcast_in_dim3A_750 = vector.broadcast %add3A_749 : i32 to vector<16xi32>
        %get3A_751 = arith.constant 0 : i32
        %get3A_752 = arith.constant 0 : i32
        %get3A_753 = tpu.memref_slice %arg6[%scan3A_368, %get3A_751, %get3A_752] : memref<2x512x32xf32, #tpu.memory_space<vmem>> -> memref<1x512x32xf32, #tpu.memory_space<vmem>>
        %get3A_754 = tpu.memref_squeeze %get3A_753 : memref<1x512x32xf32, #tpu.memory_space<vmem>> -> memref<512x32xf32, #tpu.memory_space<vmem>>
        %get3A_755 = arith.index_cast %add3A_749 : i32 to index
        %get3A_756 = arith.constant 0 : index
        %get3A_757 = tpu.vector_load %get3A_754[%get3A_755, %get3A_756] {strides = array<i32>} : memref<512x32xf32, #tpu.memory_space<vmem>>, vector<16xf32>,
        %scatter3A_758 = arith.constant 0 : i32
        %scatter3A_759 = arith.constant 0 : i32
        %scatter3A_760 = tpu.memref_slice %arg7[%scan3A_369, %scatter3A_758, %scatter3A_759] : memref<2x32x513xf32, #tpu.memory_space<vmem>> -> memref<1x32x513xf32, #tpu.memory_space<vmem>>
        %scatter3A_761 = tpu.memref_squeeze %scatter3A_760 : memref<1x32x513xf32, #tpu.memory_space<vmem>> -> memref<32x513xf32, #tpu.memory_space<vmem>>
        tpu.vector_store_idx %scatter3A_761[%iota3A, %broadcast_in_dim3A_750], %get3A_757 : memref<32x513xf32, #tpu.memory_space<vmem>>[vector<16xi32>, vector<16xi32>], vector<16xf32>,
        %get3A_762 = arith.constant 0 : i32
        %get3A_763 = arith.constant 0 : i32
        %get3A_764 = tpu.memref_slice %arg6[%scan3A_368, %get3A_762, %get3A_763] : memref<2x512x32xf32, #tpu.memory_space<vmem>> -> memref<1x512x32xf32, #tpu.memory_space<vmem>>
        %get3A_765 = tpu.memref_squeeze %get3A_764 : memref<1x512x32xf32, #tpu.memory_space<vmem>> -> memref<512x32xf32, #tpu.memory_space<vmem>>
        %get3A_766 = arith.index_cast %add3A_749 : i32 to index
        %get3A_767 = arith.constant 16 : index
        %get3A_768 = tpu.vector_load %get3A_765[%get3A_766, %get3A_767] {strides = array<i32>} : memref<512x32xf32, #tpu.memory_space<vmem>>, vector<16xf32>,
        %scatter3A_769 = arith.constant 0 : i32
        %scatter3A_770 = arith.constant 0 : i32
        %scatter3A_771 = tpu.memref_slice %arg7[%scan3A_369, %scatter3A_769, %scatter3A_770] : memref<2x32x513xf32, #tpu.memory_space<vmem>> -> memref<1x32x513xf32, #tpu.memory_space<vmem>>
        %scatter3A_772 = tpu.memref_squeeze %scatter3A_771 : memref<1x32x513xf32, #tpu.memory_space<vmem>> -> memref<32x513xf32, #tpu.memory_space<vmem>>
        tpu.vector_store_idx %scatter3A_772[%add3A_366, %broadcast_in_dim3A_750], %get3A_768 : memref<32x513xf32, #tpu.memory_space<vmem>>[vector<16xi32>, vector<16xi32>], vector<16xf32>,
        %mul3A_773 = arith.constant 16 : i32
        %mul3A_774 = arith.muli %scan3A_397, %mul3A_773 : i32
        %add3A_775 = arith.constant 14 : i32
        %add3A_776 = arith.addi %mul3A_774, %add3A_775 : i32
        %broadcast_in_dim3A_777 = vector.broadcast %add3A_776 : i32 to vector<16xi32>
        %get3A_778 = arith.constant 0 : i32
        %get3A_779 = arith.constant 0 : i32
        %get3A_780 = tpu.memref_slice %arg6[%scan3A_368, %get3A_778, %get3A_779] : memref<2x512x32xf32, #tpu.memory_space<vmem>> -> memref<1x512x32xf32, #tpu.memory_space<vmem>>
        %get3A_781 = tpu.memref_squeeze %get3A_780 : memref<1x512x32xf32, #tpu.memory_space<vmem>> -> memref<512x32xf32, #tpu.memory_space<vmem>>
        %get3A_782 = arith.index_cast %add3A_776 : i32 to index
        %get3A_783 = arith.constant 0 : index
        %get3A_784 = tpu.vector_load %get3A_781[%get3A_782, %get3A_783] {strides = array<i32>} : memref<512x32xf32, #tpu.memory_space<vmem>>, vector<16xf32>,
        %scatter3A_785 = arith.constant 0 : i32
        %scatter3A_786 = arith.constant 0 : i32
        %scatter3A_787 = tpu.memref_slice %arg7[%scan3A_369, %scatter3A_785, %scatter3A_786] : memref<2x32x513xf32, #tpu.memory_space<vmem>> -> memref<1x32x513xf32, #tpu.memory_space<vmem>>
        %scatter3A_788 = tpu.memref_squeeze %scatter3A_787 : memref<1x32x513xf32, #tpu.memory_space<vmem>> -> memref<32x513xf32, #tpu.memory_space<vmem>>
        tpu.vector_store_idx %scatter3A_788[%iota3A, %broadcast_in_dim3A_777], %get3A_784 : memref<32x513xf32, #tpu.memory_space<vmem>>[vector<16xi32>, vector<16xi32>], vector<16xf32>,
        %get3A_789 = arith.constant 0 : i32
        %get3A_790 = arith.constant 0 : i32
        %get3A_791 = tpu.memref_slice %arg6[%scan3A_368, %get3A_789, %get3A_790] : memref<2x512x32xf32, #tpu.memory_space<vmem>> -> memref<1x512x32xf32, #tpu.memory_space<vmem>>
        %get3A_792 = tpu.memref_squeeze %get3A_791 : memref<1x512x32xf32, #tpu.memory_space<vmem>> -> memref<512x32xf32, #tpu.memory_space<vmem>>
        %get3A_793 = arith.index_cast %add3A_776 : i32 to index
        %get3A_794 = arith.constant 16 : index
        %get3A_795 = tpu.vector_load %get3A_792[%get3A_793, %get3A_794] {strides = array<i32>} : memref<512x32xf32, #tpu.memory_space<vmem>>, vector<16xf32>,
        %scatter3A_796 = arith.constant 0 : i32
        %scatter3A_797 = arith.constant 0 : i32
        %scatter3A_798 = tpu.memref_slice %arg7[%scan3A_369, %scatter3A_796, %scatter3A_797] : memref<2x32x513xf32, #tpu.memory_space<vmem>> -> memref<1x32x513xf32, #tpu.memory_space<vmem>>
        %scatter3A_799 = tpu.memref_squeeze %scatter3A_798 : memref<1x32x513xf32, #tpu.memory_space<vmem>> -> memref<32x513xf32, #tpu.memory_space<vmem>>
        tpu.vector_store_idx %scatter3A_799[%add3A_366, %broadcast_in_dim3A_777], %get3A_795 : memref<32x513xf32, #tpu.memory_space<vmem>>[vector<16xi32>, vector<16xi32>], vector<16xf32>,
        %mul3A_800 = arith.constant 16 : i32
        %mul3A_801 = arith.muli %scan3A_397, %mul3A_800 : i32
        %add3A_802 = arith.constant 15 : i32
        %add3A_803 = arith.addi %mul3A_801, %add3A_802 : i32
        %broadcast_in_dim3A_804 = vector.broadcast %add3A_803 : i32 to vector<16xi32>
        %get3A_805 = arith.constant 0 : i32
        %get3A_806 = arith.constant 0 : i32
        %get3A_807 = tpu.memref_slice %arg6[%scan3A_368, %get3A_805, %get3A_806] : memref<2x512x32xf32, #tpu.memory_space<vmem>> -> memref<1x512x32xf32, #tpu.memory_space<vmem>>
        %get3A_808 = tpu.memref_squeeze %get3A_807 : memref<1x512x32xf32, #tpu.memory_space<vmem>> -> memref<512x32xf32, #tpu.memory_space<vmem>>
        %get3A_809 = arith.index_cast %add3A_803 : i32 to index
        %get3A_810 = arith.constant 0 : index
        %get3A_811 = tpu.vector_load %get3A_808[%get3A_809, %get3A_810] {strides = array<i32>} : memref<512x32xf32, #tpu.memory_space<vmem>>, vector<16xf32>,
        %scatter3A_812 = arith.constant 0 : i32
        %scatter3A_813 = arith.constant 0 : i32
        %scatter3A_814 = tpu.memref_slice %arg7[%scan3A_369, %scatter3A_812, %scatter3A_813] : memref<2x32x513xf32, #tpu.memory_space<vmem>> -> memref<1x32x513xf32, #tpu.memory_space<vmem>>
        %scatter3A_815 = tpu.memref_squeeze %scatter3A_814 : memref<1x32x513xf32, #tpu.memory_space<vmem>> -> memref<32x513xf32, #tpu.memory_space<vmem>>
        tpu.vector_store_idx %scatter3A_815[%iota3A, %broadcast_in_dim3A_804], %get3A_811 : memref<32x513xf32, #tpu.memory_space<vmem>>[vector<16xi32>, vector<16xi32>], vector<16xf32>,
        %get3A_816 = arith.constant 0 : i32
        %get3A_817 = arith.constant 0 : i32
        %get3A_818 = tpu.memref_slice %arg6[%scan3A_368, %get3A_816, %get3A_817] : memref<2x512x32xf32, #tpu.memory_space<vmem>> -> memref<1x512x32xf32, #tpu.memory_space<vmem>>
        %get3A_819 = tpu.memref_squeeze %get3A_818 : memref<1x512x32xf32, #tpu.memory_space<vmem>> -> memref<512x32xf32, #tpu.memory_space<vmem>>
        %get3A_820 = arith.index_cast %add3A_803 : i32 to index
        %get3A_821 = arith.constant 16 : index
        %get3A_822 = tpu.vector_load %get3A_819[%get3A_820, %get3A_821] {strides = array<i32>} : memref<512x32xf32, #tpu.memory_space<vmem>>, vector<16xf32>,
        %scatter3A_823 = arith.constant 0 : i32
        %scatter3A_824 = arith.constant 0 : i32
        %scatter3A_825 = tpu.memref_slice %arg7[%scan3A_369, %scatter3A_823, %scatter3A_824] : memref<2x32x513xf32, #tpu.memory_space<vmem>> -> memref<1x32x513xf32, #tpu.memory_space<vmem>>
        %scatter3A_826 = tpu.memref_squeeze %scatter3A_825 : memref<1x32x513xf32, #tpu.memory_space<vmem>> -> memref<32x513xf32, #tpu.memory_space<vmem>>
        tpu.vector_store_idx %scatter3A_826[%add3A_366, %broadcast_in_dim3A_804], %get3A_822 : memref<32x513xf32, #tpu.memory_space<vmem>>[vector<16xi32>, vector<16xi32>], vector<16xf32>,
      }
      %scan3A_374 = arith.constant 32 : i32
      %dma_start3A_375 = arith.constant 1 : i32
      %dma_start3A_376 = arith.constant 0 : i32
      %dma_start3A_377 = arith.constant 0 : i32
      %dma_start3A_378 = tpu.memref_slice %arg7[%dma_start3A_375, %dma_start3A_376, %dma_start3A_377] : memref<2x32x513xf32, #tpu.memory_space<vmem>> -> memref<1x32x512xf32, #tpu.memory_space<vmem>>
      %dma_start3A_379 = tpu.memref_squeeze %dma_start3A_378 : memref<1x32x512xf32, #tpu.memory_space<vmem>> -> memref<32x512xf32, #tpu.memory_space<vmem>>
      %dma_start3A_380 = arith.constant 0 : i32
      %dma_start3A_381 = tpu.memref_slice %arg4[%add3A_324, %dma_start3A_380, %mul3A_2] : memref<200x32x16384xf32, #tpu.memory_space<hbm>> -> memref<1x32x512xf32, #tpu.memory_space<hbm>>
      %dma_start3A_382 = tpu.memref_squeeze %dma_start3A_381 : memref<1x32x512xf32, #tpu.memory_space<hbm>> -> memref<32x512xf32, #tpu.memory_space<hbm>>
      %dma_start3A_383 = arith.constant 0 : i32
      %dma_start3A_384 = tpu.memref_slice %arg4[%add3A_324, %dma_start3A_383, %mul3A_2] : memref<200x32x16384xf32, #tpu.memory_space<hbm>> -> memref<1x32x512xf32, #tpu.memory_space<hbm>>
      %dma_start3A_385 = tpu.memref_squeeze %dma_start3A_384 : memref<1x32x512xf32, #tpu.memory_space<hbm>> -> memref<32x512xf32, #tpu.memory_space<hbm>>
      %dma_start3A_386 = arith.constant 0 : i32
      %dma_start3A_387 = arith.constant 0 : i32
      %dma_start3A_388 = tpu.memref_slice %arg7[%dma_start3A_375, %dma_start3A_386, %dma_start3A_387] : memref<2x32x513xf32, #tpu.memory_space<vmem>> -> memref<1x32x512xf32, #tpu.memory_space<vmem>>
      %dma_start3A_389 = tpu.memref_squeeze %dma_start3A_388 : memref<1x32x512xf32, #tpu.memory_space<vmem>> -> memref<32x512xf32, #tpu.memory_space<vmem>>
      tpu.enqueue_dma source(%dma_start3A_389 : memref<32x512xf32, #tpu.memory_space<vmem>>) target(%dma_start3A_385 : memref<32x512xf32, #tpu.memory_space<hbm>>) target_semaphore(%arg10 : memref<!tpu.dma_semaphore, #tpu.memory_space<semaphore_mem>>)
      %add3A_390 = arith.constant 8 : i32
      %add3A_391 = arith.addi %add3A_324, %add3A_390 : i32
      %lt3A_392 = arith.constant 200 : i32
      %lt3A_393 = arith.cmpi slt, %add3A_391, %lt3A_392 : i32
      %convert_element_type3A_394 = arith.extui %lt3A_393 : i1 to i32
      %cond3A_395 = arith.constant 0 : i32
      %cond3A_396 = arith.cmpi ne, %convert_element_type3A_394, %cond3A_395 : i32
      scf.if %cond3A_396 {
        %add3A_397 = arith.constant 8 : i32
        %add3A_398 = arith.addi %add3A_324, %add3A_397 : i32
        %jit3A_399 = arith.constant 8 : i32
        %eq3A_400 = arith.constant 0 : i32
        %eq3A_401 = arith.cmpi eq, %jit3A_399, %eq3A_400 : i32
        %jit3A_402 = arith.constant 1 : i32
        %select_n3A_403 = arith.select %eq3A_401, %jit3A_402, %jit3A_399 : i32
        %rem3A_404 = arith.remsi %add3A_398, %select_n3A_403 : i32
        %ne3A_405 = arith.constant 0 : i32
        %ne3A_406 = arith.cmpi ne, %rem3A_404, %ne3A_405 : i32
        %lt3A_407 = arith.constant 0 : i32
        %lt3A_408 = arith.cmpi slt, %rem3A_404, %lt3A_407 : i32
        %lt3A_409 = arith.constant 0 : i32
        %lt3A_410 = arith.cmpi slt, %select_n3A_403, %lt3A_409 : i32
        %ne3A_411 = arith.xori %lt3A_408, %lt3A_410 : i1
        %and3A_412 = arith.andi %ne3A_411, %ne3A_406 : i1
        %add3A_413 = arith.addi %rem3A_404, %select_n3A_403 : i32
        %select_n3A_414 = arith.select %and3A_412, %add3A_413, %rem3A_404 : i32
        %dma_start3A_415 = arith.constant 0 : i32
        %dma_start3A_416 = tpu.memref_slice %arg5[%select_n3A_414, %dma_start3A_415] : memref<8x512xi32, #tpu.memory_space<vmem>> -> memref<1x512xi32, #tpu.memory_space<vmem>>
        %dma_start3A_417 = tpu.memref_squeeze %dma_start3A_416 : memref<1x512xi32, #tpu.memory_space<vmem>> -> memref<512xi32, #tpu.memory_space<vmem>>
        %dma_start3A_418 = tpu.memref_slice %arg2[%add3A_398, %mul3A_2] : memref<200x16384xi32, #tpu.memory_space<hbm>> -> memref<1x512xi32, #tpu.memory_space<hbm>>
        %dma_start3A_419 = tpu.memref_squeeze %dma_start3A_418 : memref<1x512xi32, #tpu.memory_space<hbm>> -> memref<512xi32, #tpu.memory_space<hbm>>
        %dma_start3A_420 = arith.constant 0 : i32
        %dma_start3A_421 = tpu.memref_slice %arg5[%select_n3A_414, %dma_start3A_420] : memref<8x512xi32, #tpu.memory_space<vmem>> -> memref<1x512xi32, #tpu.memory_space<vmem>>
        %dma_start3A_422 = tpu.memref_squeeze %dma_start3A_421 : memref<1x512xi32, #tpu.memory_space<vmem>> -> memref<512xi32, #tpu.memory_space<vmem>>
        %dma_start3A_423 = tpu.memref_slice %arg2[%add3A_398, %mul3A_2] : memref<200x16384xi32, #tpu.memory_space<hbm>> -> memref<1x512xi32, #tpu.memory_space<hbm>>
        %dma_start3A_424 = tpu.memref_squeeze %dma_start3A_423 : memref<1x512xi32, #tpu.memory_space<hbm>> -> memref<512xi32, #tpu.memory_space<hbm>>
        tpu.enqueue_dma source(%dma_start3A_424 : memref<512xi32, #tpu.memory_space<hbm>>) target(%dma_start3A_422 : memref<512xi32, #tpu.memory_space<vmem>>) target_semaphore(%arg8 : memref<!tpu.dma_semaphore, #tpu.memory_space<semaphore_mem>>)
      } else {
      }
    }
    %scan3A_221 = arith.constant 100 : i32
    %dma_wait3A_222 = arith.constant 0 : i32
    %dma_wait3A_223 = arith.constant 198 : i32
    %dma_wait3A_224 = arith.constant 0 : i32
    %dma_wait3A_225 = arith.constant 0 : i32
    %dma_wait3A_226 = tpu.memref_slice %arg7[%dma_wait3A_222, %dma_wait3A_224, %dma_wait3A_225] : memref<2x32x513xf32, #tpu.memory_space<vmem>> -> memref<1x32x512xf32, #tpu.memory_space<vmem>>
    %dma_wait3A_227 = tpu.memref_squeeze %dma_wait3A_226 : memref<1x32x512xf32, #tpu.memory_space<vmem>> -> memref<32x512xf32, #tpu.memory_space<vmem>>
    %dma_wait3A_228 = arith.constant 0 : i32
    %dma_wait3A_229 = tpu.memref_slice %arg4[%dma_wait3A_223, %dma_wait3A_228, %mul3A_2] : memref<200x32x16384xf32, #tpu.memory_space<hbm>> -> memref<1x32x512xf32, #tpu.memory_space<hbm>>
    %dma_wait3A_230 = tpu.memref_squeeze %dma_wait3A_229 : memref<1x32x512xf32, #tpu.memory_space<hbm>> -> memref<32x512xf32, #tpu.memory_space<hbm>>
    %dma_wait3A_231 = arith.constant 0 : i32
    %dma_wait3A_232 = tpu.memref_slice %arg4[%dma_wait3A_223, %dma_wait3A_231, %mul3A_2] : memref<200x32x16384xf32, #tpu.memory_space<hbm>> -> memref<1x32x512xf32, #tpu.memory_space<hbm>>
    %dma_wait3A_233 = tpu.memref_squeeze %dma_wait3A_232 : memref<1x32x512xf32, #tpu.memory_space<hbm>> -> memref<32x512xf32, #tpu.memory_space<hbm>>
    %dma_wait3A_234 = arith.constant 0 : i32
    %dma_wait3A_235 = arith.constant 0 : i32
    %dma_wait3A_236 = tpu.memref_slice %arg7[%dma_wait3A_222, %dma_wait3A_234, %dma_wait3A_235] : memref<2x32x513xf32, #tpu.memory_space<vmem>> -> memref<1x32x512xf32, #tpu.memory_space<vmem>>
    %dma_wait3A_237 = tpu.memref_squeeze %dma_wait3A_236 : memref<1x32x512xf32, #tpu.memory_space<vmem>> -> memref<32x512xf32, #tpu.memory_space<vmem>>
    tpu.wait_dma2 semaphore(%arg10 : memref<!tpu.dma_semaphore, #tpu.memory_space<semaphore_mem>>) src(%dma_wait3A_237 : memref<32x512xf32, #tpu.memory_space<vmem>>) dst(%dma_wait3A_233 : memref<32x512xf32, #tpu.memory_space<hbm>>)
    %dma_wait3A_238 = arith.constant 1 : i32
    %dma_wait3A_239 = arith.constant 199 : i32
    %dma_wait3A_240 = arith.constant 0 : i32
    %dma_wait3A_241 = arith.constant 0 : i32
    %dma_wait3A_242 = tpu.memref_slice %arg7[%dma_wait3A_238, %dma_wait3A_240, %dma_wait3A_241] : memref<2x32x513xf32, #tpu.memory_space<vmem>> -> memref<1x32x512xf32, #tpu.memory_space<vmem>>
    %dma_wait3A_243 = tpu.memref_squeeze %dma_wait3A_242 : memref<1x32x512xf32, #tpu.memory_space<vmem>> -> memref<32x512xf32, #tpu.memory_space<vmem>>
    %dma_wait3A_244 = arith.constant 0 : i32
    %dma_wait3A_245 = tpu.memref_slice %arg4[%dma_wait3A_239, %dma_wait3A_244, %mul3A_2] : memref<200x32x16384xf32, #tpu.memory_space<hbm>> -> memref<1x32x512xf32, #tpu.memory_space<hbm>>
    %dma_wait3A_246 = tpu.memref_squeeze %dma_wait3A_245 : memref<1x32x512xf32, #tpu.memory_space<hbm>> -> memref<32x512xf32, #tpu.memory_space<hbm>>
    %dma_wait3A_247 = arith.constant 0 : i32
    %dma_wait3A_248 = tpu.memref_slice %arg4[%dma_wait3A_239, %dma_wait3A_247, %mul3A_2] : memref<200x32x16384xf32, #tpu.memory_space<hbm>> -> memref<1x32x512xf32, #tpu.memory_space<hbm>>
    %dma_wait3A_249 = tpu.memref_squeeze %dma_wait3A_248 : memref<1x32x512xf32, #tpu.memory_space<hbm>> -> memref<32x512xf32, #tpu.memory_space<hbm>>
    %dma_wait3A_250 = arith.constant 0 : i32
    %dma_wait3A_251 = arith.constant 0 : i32
    %dma_wait3A_252 = tpu.memref_slice %arg7[%dma_wait3A_238, %dma_wait3A_250, %dma_wait3A_251] : memref<2x32x513xf32, #tpu.memory_space<vmem>> -> memref<1x32x512xf32, #tpu.memory_space<vmem>>
    %dma_wait3A_253 = tpu.memref_squeeze %dma_wait3A_252 : memref<1x32x512xf32, #tpu.memory_space<vmem>> -> memref<32x512xf32, #tpu.memory_space<vmem>>
    tpu.wait_dma2 semaphore(%arg10 : memref<!tpu.dma_semaphore, #tpu.memory_space<semaphore_mem>>) src(%dma_wait3A_253 : memref<32x512xf32, #tpu.memory_space<vmem>>) dst(%dma_wait3A_249 : memref<32x512xf32, #tpu.memory_space<hbm>>)
    return
  }
}

</mosaic_0001>

<sc_bundles>
// kernel: kernel.3.cloned.1.call-start
scs
__scs_entry_jumppad:
0x0: {  	(pc) =	sbr.rel $0x88, $3  }
0x1: {  	(tag) =	ssettag $0x0;
	lr =	simm.s32 $0x1  }
0x2: {  	[smem:$0x3F9F] =	sst lr;
	_ =	strace $0xD0000000  }
0x3: {  	_ = 	snop  }
0x4: {  	_ = 	snop  }
0x5: {  	_ = 	snop  }
0x6: {  	_ = 	snop  }
0x7: {  	_ = 	snop  }
__scs_overlays_trampoline_lowered:
0x8: {  	[smem:$0x3FAE] =	sst s0  }
0x9: {  	[smem:$0x3FAF] =	sst s1  }
0xa: {  	[smem:$0x3FB0] =	sst s2  }
0xb: {  	[smem:$0x3FB1] =	sst s3  }
0xc: {  	[smem:$0x3FB2] =	sst s4  }
0xd: {  	[smem:$0x3FB3] =	sst s5  }
0xe: {  	[smem:$0x3FB4] =	sst s6  }
0xf: {  	[smem:$0x3FB5] =	sst s7  }
0x10: {  	[smem:$0x3FB6] =	sst s8  }
0x11: {  	[smem:$0x3FB7] =	sst s9;
	s0 =	simm.s32 @!p0 $0x0  }
0x12: {  	s1 =	sld [smem:$0x3F9D];
	s0 =	simm.s32 @p0 $0x1  }
0x13: {  	[smem:$0x3FB8] =	sst s0;
	s0 =	simm.s32 @!p1 $0x0  }
0x14: {  	s2 =	sld [smem:$0x3F9C];
	s0 =	simm.s32 @p1 $0x1  }
0x15: {  	[smem:$0x3FB9] =	sst s0;
	s0 =	simm.s32 @!p2 $0x0  }
0x16: {  	s3 =	sld [smem:$0x3FDB];
	s0 =	simm.s32 @p2 $0x1  }
0x17: {  	s4 =	simm.s32 $0x1BF5;
	[smem:$0x3FBB] =	sst s0  }
0x18: {  	s0 =	sld [smem:$0x3F9E];
	_ =	swait.ge [sflag:s4], $0x0  }
0x19: {  	s7 =	sld [smem:$0x3F9F]  }
0x1a: {  	s8 =	sadd.s32 $0xFFFFE003, lr  }
0x1b: {  	s9 =	sadd.s32 $0xFFFFFEF7, lr;
	s5 =	simm.s32 $0xFFFFFFFF;
	p2 =	slt.u32 s8, $0xFFFFF086  }
0x1c: {  	p1 =	slt.u32 s9, $0xF7A;
	s5 =	simm.s32 @!p2 $0x0  }
0x1d: {  	s5 =	simm.s32 @p1 $0x1;
	p0 =	seq.s32 s7, s2  }
0x1e: {  	s7 =	smul.u32 @!p0 $0xF7A, s2;
	p2 =	seq.s32 @!p0 s5, $0x0  }
0x1f: {  	s9 =	smul.u32 $0xF7A, s1;
	s8 =	simm.s32 @!p0 $0x1BF5;
	p2 =	por !p2, p0  }
0x20: {  	[sflag:s8] =	ssyncset.s32 @!p0 $0xFFFFF086;
	s6 =	sadd.s32 @!p0 s3, s7;
	s7 =	simm.s32 @!p0 $0x108  }
0x21: {  	s3 =	sadd.s32 s3, s9;
	s6 =	sadd.s32 @!p0 $0x88, s6;
	s7 =	simm.s32 @p2 $0x1082  }
0x22: {  	[simem:s7], [sflag:s8] =	dma.local @!p0 [hbm:s6], $0xF7A  }
0x23: {  	s9 =	sor.u32 $0xD0000000, s2;
	s6 =	simm.s32 $0x108;
	_ =	swait.ge @!p0 [sflag:s8], $0x0  }
0x24: {  	s3 =	sadd.s32 $0x88, s3;
	s6 =	simm.s32 @!p1 $0x1082;
	[sflag:s4] =	ssyncset.s32 $0xFFFFF086  }
0x25: {  	[simem:s6], [sflag:s4] =	dma.local [hbm:s3], $0xF7A  }
0x26: {  	[smem:$0x3F9F] =	sst s1;
	(tag) =	ssettag s2;
	_ =	strace s9  }
0x27: {  	s1 =	sld [smem:$0x3FAF]  }
0x28: {  	s2 =	sld [smem:$0x3FB0]  }
0x29: {  	s4 =	sld [smem:$0x3FB2]  }
0x2a: {  	p0 =	seq.s32 s5, $0x0;
	s5 =	sld [smem:$0x3FB3]  }
0x2b: {  	s6 =	sld [smem:$0x3FB4]  }
0x2c: {  	s7 =	sld [smem:$0x3FB5]  }
0x2d: {  	s3 =	simm.s32 $0x108;
	s8 =	sld [smem:$0x3FB6]  }
0x2e: {  	s3 =	simm.s32 @!p0 $0x1082;
	s9 =	sld [smem:$0x3FB7]  }
0x2f: {  	lr =	sadd.s32 s0, s3;
	s0 =	sld [smem:$0x3FAE]  }
0x30: {  	s3 =	sld [smem:$0x3FB1]  }
0x31: {  	[smem:$0x3FBA] =	sst s10  }
0x32: {  	s10 =	sld [smem:$0x3FB8];
	_ =	sdelay $0x3  }
0x33: {  	p0 =	seq.s32 s10, $0x1;
	s10 =	sld [smem:$0x3FBA];
	_ =	sdelay $0x3  }
0x34: {  	[smem:$0x3FBA] =	sst s10  }
0x35: {  	s10 =	sld [smem:$0x3FB9];
	_ =	sdelay $0x3  }
0x36: {  	p1 =	seq.s32 s10, $0x1;
	s10 =	sld [smem:$0x3FBA];
	_ =	sdelay $0x3  }
0x37: {  	[smem:$0x3FBA] =	sst s10  }
0x38: {  	s10 =	sld [smem:$0x3FBB]  }
0x39: {  	_ = 	snop;
	(pc) =	sbr.ind lr, $3  }
0x3a: {  	_ = 	snop  }
0x3b: {  	_ = 	snop  }
0x3c: {  	p2 =	seq.s32 s10, $0x1;
	s10 =	sld [smem:$0x3FBA]  }
0x3d: {  	_ =	shalt  }
0x3e: {  	_ =	shalt  }
0x3f: {  	_ =	shalt  }
0x40: {  	_ =	shalt  }
0x41: {  	_ =	shalt  }
0x42: {  	_ =	shalt  }
0x43: {  	_ =	shalt  }
0x44: {  	_ =	shalt  }
0x45: {  	_ =	shalt  }
0x46: {  	_ =	shalt  }
0x47: {  	_ =	shalt  }
0x48: {  	_ =	shalt  }
0x49: {  	_ =	shalt  }
0x4a: {  	_ =	shalt  }
0x4b: {  	_ =	shalt  }
0x4c: {  	_ =	shalt  }
0x4d: {  	_ =	shalt  }
0x4e: {  	_ =	shalt  }
0x4f: {  	_ =	shalt  }
0x50: {  	_ =	shalt  }
0x51: {  	_ =	shalt  }
0x52: {  	_ =	shalt  }
0x53: {  	_ =	shalt  }
0x54: {  	_ =	shalt  }
0x55: {  	_ =	shalt  }
0x56: {  	_ =	shalt  }
0x57: {  	_ =	shalt  }
0x58: {  	_ =	shalt  }
0x59: {  	_ =	shalt  }
0x5a: {  	_ =	shalt  }
0x5b: {  	_ =	shalt  }
0x5c: {  	_ =	shalt  }
0x5d: {  	_ =	shalt  }
0x5e: {  	_ =	shalt  }
0x5f: {  	_ =	shalt  }
0x60: {  	_ =	shalt  }
0x61: {  	_ =	shalt  }
0x62: {  	_ =	shalt  }
0x63: {  	_ =	shalt  }
0x64: {  	_ =	shalt  }
0x65: {  	_ =	shalt  }
0x66: {  	_ =	shalt  }
0x67: {  	_ =	shalt  }
0x68: {  	_ =	shalt  }
0x69: {  	_ =	shalt  }
0x6a: {  	_ =	shalt  }
0x6b: {  	_ =	shalt  }
0x6c: {  	_ =	shalt  }
0x6d: {  	_ =	shalt  }
0x6e: {  	_ =	shalt  }
0x6f: {  	_ =	shalt  }
0x70: {  	_ =	shalt  }
0x71: {  	_ =	shalt  }
0x72: {  	_ =	shalt  }
0x73: {  	_ =	shalt  }
0x74: {  	_ =	shalt  }
0x75: {  	_ =	shalt  }
0x76: {  	_ =	shalt  }
0x77: {  	_ =	shalt  }
0x78: {  	_ =	shalt  }
0x79: {  	_ =	shalt  }
0x7a: {  	_ =	shalt  }
0x7b: {  	_ =	shalt  }
0x7c: {  	_ =	shalt  }
0x7d: {  	_ =	shalt  }
0x7e: {  	_ =	shalt  }
0x7f: {  	_ =	shalt  }
0x80: {  	_ =	shalt  }
0x81: {  	_ =	shalt  }
0x82: {  	_ =	shalt  }
0x83: {  	_ =	shalt  }
0x84: {  	_ =	shalt  }
0x85: {  	_ =	shalt  }
0x86: {  	_ =	shalt  }
0x87: {  	_ =	shalt  }
.Lfunc_end0:
.L_simem_size_0:
called_computation_lowered:
.L_overlay_start_0:
0x88: {  	s2 =	sld [smem:$0x3FD9]  }
0x89: {  	s3 =	sld [smem:$0x3FFE];
	_ =	sdelay $0x1  }
0x8a: {  	s1 =	srdreg.scid  }
0x8b: {  	s0 =	sand.u32 $0x1, s1  }
0x8c: {  	s16 =	sshll.u32 s0, $0xA;
	s2 =	sadd.s32 s3, s2  }
0x8d: {  	s2 =	sadd.s32 s2, s16  }
0x8e: {  	[smem:$0x3FC6] =	sst s2  }
0x8f: {  	_ = 	snop  }
0x90: {  	(tm) =	ssettm $0x1  }
0x91: {  	s17 =	sld [smem:$0x3FFB];
	_ =	sdelay $0x3  }
0x92: {  	_ =	strace s17  }
0x93: {  	s2 =	sld [smem:$0x3FFC];
	_ =	sdelay $0x3  }
0x94: {  	_ =	strace s2  }
0x95: {  	s2 =	sld [smem:$0x3FFD];
	_ =	sdelay $0x3  }
0x96: {  	_ =	strace s2  }
0x97: {  	_ =	strace $0x8FFFFFFF  }
0x98: {  	s18 =	sld [smem:$0x3FDB];
	_ =	sdelay $0x1  }
0x99: {  	s19 =	simm.s32 $_scs_section_size  }
0x9a: {  	s4 =	simm.s32 $_size__tile_overlayer_lowered;
	s5 =	simm.s32 $_tile_overlayer_lowered  }
0x9b: {  	s22 =	simm.s32 $0x1BFF;
	s21 =	sshll.u32 s5, $0x1;
	s2 =	sadd.s32 s19, s18  }
0x9c: {  	s6 =	simm.s32 $0x0;
	s20 =	sshll.u32 s4, $0x1;
	s4 =	sadd.s32 s21, s2  }
0x9d: {  	[timem:s6], [sflag:s22] =	dma.local [hbm:s4], s20  }
0x9e: {  	_ =	swait.ge [sflag:s22], s20  }
0x9f: {  	s3 =	ssub.s32 $0x0, s20;
	[sflag:s22] =	ssyncset.done $0x0  }
0xa0: {  	[sflag:s22] =	ssyncadd.s32 s3;
	_ =	sdelay $0x1  }
0xa1: {  	s23 =	simm.s32 $0x1B8B  }
0xa2: {  	_ =	swait.ge [sflag:s23], $0x1  }
0xa3: {  	[sflag:s23] =	ssyncset.done $0x0  }
0xa4: {  	s25 =	simm.s32 $0x1B8E;
	s24 =	sld [smem:$0x3FFE];
	[sflag:s23] =	ssyncadd.s32 $0xFFFFFFFF  }
0xa5: {  	s26 =	simm.s32 $execute0_lowered;
	[smem:$0x3FD2] =	sst s25  }
0xa6: {  	s4 =	sshll.u32 s26, $0x1;
	_ =	strace $0x80000046;
	[dreg:$0x1] =	wrdreg $0xFFFFFFFF  }
0xa7: {  	s28 =	simm.s32 $_size_execute0_lowered;
	s2 =	sadd.s32 s2, s4;
	[dreg:$0x0] =	wrdreg $0x0  }
0xa8: {  	s4 =	sshll.u32 s28, $0x1;
	[dreg:$0x2] =	wrdreg s2  }
0xa9: {  	[dreg:$0x3] =	wrdreg s4  }
0xaa: {  	[dreg:$0x4] =	wrdreg $0xC0  }
0xab: {  	_ =	task [dreg:s6], $0x5FFFF  }
0xac: {  	[dreg:$0x1] =	wrdreg $0xFFFFFFFF  }
0xad: {  	[dreg:$0x0] =	wrdreg $0x60  }
0xae: {  	[dreg:$0x2] =	wrdreg s24  }
0xaf: {  	[dreg:$0x3] =	wrdreg $0x9  }
0xb0: {  	_ =	task.clear_ibuf [dreg:s6], $0x4FFFF;
	_ =	strace $0x90000046  }
0xb1: {  	s29 =	simm.s32 $0x9;
	_ =	strace $0x80000048  }
0xb2: {  	_ =	swait.ge [sflag:s29], $0x1  }
0xb3: {  	[sflag:s29] =	ssyncadd.s32 $0xFFFFFFFF  }
0xb4: {  	_ =	strace $0x90000048  }
0xb5: {  	_ =	sfence  }
0xb6: {  	s30 =	sld [smem:$0x0];
	_ =	sdelay $0x2  }
0xb7: {  	s31 =	sshll.u32 s1, $0xD;
	s1 =	sshrl.u32 s1, $0x2  }
0xb8: {  	s3 =	sand.u32 $0x4000, s31;
	s1 =	sadd.s32 s1, s30  }
0xb9: {  	s0 =	sor.u32 s3, s0;
	s1 =	sshll.u32 s1, $0x11  }
0xba: {  	s0 =	sor.u32 s1, s0  }
0xbb: {  	s0 =	sadd.s32 $0x8F2B, s0  }
0xbc: {  	[sflag:s0] =	ssyncadd.remote.s32 $0x1  }
0xbd: {  	_ =	sfence.sel $0xFFFF  }
0xbe: {  	[dreg:$0x0] =	wrdreg $0xFFFFFFFF;
	(pc) =	sbr.abs _section_cstart, $3  }
0xbf: {  	[dreg:$0x1] =	wrdreg $0xFFFFFFFF  }
0xc0: {  	_ =	task.clear_ibuf [dreg:s6], $0x2FFFF;
	_ =	strace $0x9FFFFFFF  }
0xc1: {  	(tm) =	ssettm $0x7FFFFFFF  }
tec
execute0_lowered:
.L_overlay_start_1:
0x0: {  	(tag) =	ssettag $0x1  }
0x1: {  	s0 =	rddreg [dreg:$0x0];
	s2 =	simm.s32 $0x0  }
0x2: {  	s1 =	srdreg.scid;
	s3 =	stileid.u32;
	s17 =	simm.s32 $0x200  }
0x3: {  	s24 =	simm.s32 $0x1;
	s28 =	simm.s32 $0x5000;
	s29 =	simm.s32 $0x9000  }
0x4: {  	s30 =	simm.s32 $0xD100;
	s31 =	simm.s32 $0x3;
	[smem:$0x7FF] =	sst s2  }
0x5: {  	v0 =	vlaneseq.u32;
	s1 =	sand.u32 $0x1, s1;
	s4 =	sshll.u32 s3, $0xA;
	s3 =	sadd.s32 $0x600, s0  }
0x6: {  	v1 =	vimm.s32 $0x0;
	vm0 =	vcmask $0x300;
	s6 =	sadd.s32 $0xC6200, s0;
	v0 =	vmul.u32 $0x208, v0;
	_ =	strace $0x80000047;
	s5 =	sshll.u32 s1, $0x9  }
0x7: {  	v1 =	vsel vm0, $0x3, v1;
	s1 =	ssub.s32 $0x2, s1;
	s4 =	sor.u32 s5, s4;
	s5 =	sadd.s32 $0x64600, s0  }
0x8: {  	s7 =	sshrl.u32 s1, $0x1;
	v2 =	vadd.s32 $0x2080, v0;
	v3 =	vor.u32 $0x1, v0;
	v4 =	vadd.s32 $0x2081, v0;
	s0 =	simm.s32 $0x0;
	s8 =	sshrl.u32 s4, $0x3  }
0x9: {  	v5 =	vor.u32 $0x2, v0;
	v6 =	vadd.s32 $0x2082, v0;
	v7 =	vor.u32 $0x3, v0;
	s26 =	ssub.s32 s1, s7;
	s15 =	sor.u32 $0x20000, s4;
	s7 =	sadd.s32 s3, s8  }
0xa: {  	v8 =	vadd.s32 $0x2083, v0;
	v9 =	vor.u32 $0x4, v0;
	v10 =	vadd.s32 $0x2084, v0;
	s16 =	smax.u32 s26, $0x1;
	s26 =	simm.s32 $0x2;
	s8 =	sadd.s32 $0x800, s7  }
0xb: {  	v11 =	vor.u32 $0x5, v0;
	v12 =	vadd.s32 $0x2085, v0;
	v13 =	vor.u32 $0x6, v0;
	s9 =	sadd.s32 $0x1000, s7;
	s10 =	sadd.s32 $0x1800, s7;
	s11 =	sadd.s32 $0x2000, s7  }
0xc: {  	v14 =	vadd.s32 $0x2086, v0;
	v15 =	vor.u32 $0x7, v0;
	v16 =	vadd.s32 $0x2087, v0;
	s12 =	sadd.s32 $0x2800, s7;
	s13 =	sadd.s32 $0x3000, s7;
	s14 =	sadd.s32 $0x3800, s7  }
.LBB2_1:
0xd: {  	[tilespmem:s2], [sflag:$0x1] =	stream.linear.gather [hbm4b:s7+s2], $0x200, $0x38;
	[tilespmem:$0x11200] =	vst v63  }
0xe: {  	_ = 	snop  }
0xf: {  	[tilespmem:s17], [sflag:$0x1] =	stream.linear.gather [hbm4b:s8+s2], $0x200, $0x38;
	[tilespmem:$0x11200] =	vst v63  }
0x10: {  	s1 =	simm.s32 $0x400  }
0x11: {  	[tilespmem:s1], [sflag:$0x1] =	stream.linear.gather [hbm4b:s9+s2], $0x200, $0x38;
	[tilespmem:$0x11200] =	vst v63  }
0x12: {  	s19 =	simm.s32 $0x600  }
0x13: {  	[tilespmem:s19], [sflag:$0x1] =	stream.linear.gather [hbm4b:s10+s2], $0x200, $0x38;
	[tilespmem:$0x11200] =	vst v63  }
0x14: {  	s20 =	simm.s32 $0x800  }
0x15: {  	[tilespmem:s20], [sflag:$0x1] =	stream.linear.gather [hbm4b:s11+s2], $0x200, $0x38;
	[tilespmem:$0x11200] =	vst v63  }
0x16: {  	s21 =	simm.s32 $0xA00  }
0x17: {  	[tilespmem:s21], [sflag:$0x1] =	stream.linear.gather [hbm4b:s12+s2], $0x200, $0x38;
	[tilespmem:$0x11200] =	vst v63  }
0x18: {  	s22 =	simm.s32 $0xC00  }
0x19: {  	[tilespmem:s22], [sflag:$0x1] =	stream.linear.gather [hbm4b:s13+s2], $0x200, $0x38;
	[tilespmem:$0x11200] =	vst v63  }
0x1a: {  	s23 =	simm.s32 $0xE00  }
0x1b: {  	[tilespmem:s23], [sflag:$0x1] =	stream.linear.gather [hbm4b:s14+s2], $0x200, $0x38;
	[tilespmem:$0x11200] =	vst v63  }
0x1c: {  	_ =	swait.ge [sflag:s24], $0x200  }
0x1d: {  	[sflag:s24] =	ssyncset.done $0x0  }
0x1e: {  	s25 =	simm.s32 $0x1000;
	s1 =	simm.s32 $0x0;
	[sflag:s24] =	ssyncadd.s32 $0xFFFFFE00  }
0x1f: {  	[tilespmem:s25], [sflag:$0x2] =	stream.indirect.gather [hbm4b:s5+s17], $0x20, s2, s17, $0xb8;
	[tilespmem:$0x11200] =	vst v63  }
.LBB2_2:
0x20: {  	_ =	swait.ge [sflag:s26], $0x4000  }
0x21: {  	[sflag:s26] =	ssyncset.done $0x0  }
0x22: {  	[sflag:s26] =	ssyncadd.s32 $0xFFFFC000  }
0x23: {  	s18 =	sshllo.u32 s1, $0x1;
	_ =	swait.ge [sflag:s24], $0x200  }
0x24: {  	s21 =	simm.s32 $0x0;
	s19 =	sshll.u32 s18, $0x9;
	[sflag:s24] =	ssyncset.done $0x0  }
0x25: {  	p0 =	seq.s32 s1, $0x0;
	s19 =	sand.u32 $0xE00, s19;
	[sflag:s24] =	ssyncadd.s32 $0xFFFFFE00  }
0x26: {  	v17 =	vmov s21;
	[tilespmem:s28], [sflag:$0x2] =	stream.indirect.gather [hbm4b:s5+s17], $0x20, s19, s17, $0xb8;
	[tilespmem:$0x11200] =	vst v63  }
0x27: {  	v17 =	vshrl.u32 v17, $0x3;
	s19 =	simm.s32 @!p0 $0x3  }
0x28: {  	v17 =	vshll.u32 v17, v1;
	_ =	swait.ge @!p0 [sflag:s19], $0x4000  }
0x29: {  	v17 =	vbroadcast v17, $0x0;
	[sflag:s19] =	ssyncset.done @!p0 $0x0  }
0x2a: {  	s20 =	simm.s32 $0x1100;
	[sflag:s19] =	ssyncadd.s32 @!p0 $0xFFFFC000  }
0x2b: {  	v19 =	vadd.s32 v0, v17;
	v18 =	vld [tilespmem:s20+$0xFFFFFF00];
	_ =	sdelay $0x4  }
0x2c: {  	[tilespmem:v19+s29+$0x0] =	vst.idx.msk $0xffff, v18  }
0x2d: {  	s22 =	simm.s32 $0x1;
	v17 =	vadd.s32 v2, v17;
	v18 =	vld [tilespmem:s20+$0xFFFFFF10]  }
0x2e: {  	v19 =	vmov s22  }
0x2f: {  	v19 =	vshrl.u32 v19, $0x3  }
0x30: {  	v19 =	vshll.u32 v19, v1  }
0x31: {  	v19 =	vbroadcast v19, $0x0  }
0x32: {  	[tilespmem:v17+s29+$0x0] =	vst.idx.msk $0xffff, v18  }
0x33: {  	v18 =	vadd.s32 v3, v19;
	v17 =	vld [tilespmem:s20+$0xFFFFFF20];
	_ =	sdelay $0x4  }
0x34: {  	[tilespmem:v18+s29+$0x0] =	vst.idx.msk $0xffff, v17  }
0x35: {  	s23 =	simm.s32 $0x2;
	v18 =	vadd.s32 v4, v19;
	v17 =	vld [tilespmem:s20+$0xFFFFFF30]  }
0x36: {  	v19 =	vmov s23  }
0x37: {  	v19 =	vshrl.u32 v19, $0x3  }
0x38: {  	v19 =	vshll.u32 v19, v1  }
0x39: {  	v19 =	vbroadcast v19, $0x0  }
0x3a: {  	[tilespmem:v18+s29+$0x0] =	vst.idx.msk $0xffff, v17  }
0x3b: {  	v18 =	vadd.s32 v5, v19;
	v17 =	vld [tilespmem:s20+$0xFFFFFF40];
	_ =	sdelay $0x4  }
0x3c: {  	[tilespmem:v18+s29+$0x0] =	vst.idx.msk $0xffff, v17  }
0x3d: {  	s25 =	simm.s32 $0x3;
	v18 =	vadd.s32 v6, v19;
	v17 =	vld [tilespmem:s20+$0xFFFFFF50]  }
0x3e: {  	v19 =	vmov s25  }
0x3f: {  	v19 =	vshrl.u32 v19, $0x3  }
0x40: {  	v19 =	vshll.u32 v19, v1  }
0x41: {  	v19 =	vbroadcast v19, $0x0  }
0x42: {  	[tilespmem:v18+s29+$0x0] =	vst.idx.msk $0xffff, v17  }
0x43: {  	v18 =	vadd.s32 v7, v19;
	v17 =	vld [tilespmem:s20+$0xFFFFFF60];
	_ =	sdelay $0x4  }
0x44: {  	[tilespmem:v18+s29+$0x0] =	vst.idx.msk $0xffff, v17  }
0x45: {  	s21 =	simm.s32 $0x4;
	v18 =	vadd.s32 v8, v19;
	v17 =	vld [tilespmem:s20+$0xFFFFFF70]  }
0x46: {  	v19 =	vmov s21  }
0x47: {  	v19 =	vshrl.u32 v19, $0x3  }
0x48: {  	v19 =	vshll.u32 v19, v1  }
0x49: {  	v19 =	vbroadcast v19, $0x0  }
0x4a: {  	[tilespmem:v18+s29+$0x0] =	vst.idx.msk $0xffff, v17  }
0x4b: {  	v18 =	vadd.s32 v9, v19;
	v17 =	vld [tilespmem:s20+$0xFFFFFF80];
	_ =	sdelay $0x4  }
0x4c: {  	[tilespmem:v18+s29+$0x0] =	vst.idx.msk $0xffff, v17  }
0x4d: {  	s22 =	simm.s32 $0x5;
	v18 =	vadd.s32 v10, v19;
	v17 =	vld [tilespmem:s20+$0xFFFFFF90]  }
0x4e: {  	v19 =	vmov s22  }
0x4f: {  	v19 =	vshrl.u32 v19, $0x3  }
0x50: {  	v19 =	vshll.u32 v19, v1  }
0x51: {  	v19 =	vbroadcast v19, $0x0  }
0x52: {  	[tilespmem:v18+s29+$0x0] =	vst.idx.msk $0xffff, v17  }
0x53: {  	v18 =	vadd.s32 v11, v19;
	v17 =	vld [tilespmem:s20+$0xFFFFFFA0];
	_ =	sdelay $0x4  }
0x54: {  	[tilespmem:v18+s29+$0x0] =	vst.idx.msk $0xffff, v17  }
0x55: {  	s23 =	simm.s32 $0x6;
	v18 =	vadd.s32 v12, v19;
	v17 =	vld [tilespmem:s20+$0xFFFFFFB0]  }
0x56: {  	v19 =	vmov s23  }
0x57: {  	v19 =	vshrl.u32 v19, $0x3  }
0x58: {  	v19 =	vshll.u32 v19, v1  }
0x59: {  	v19 =	vbroadcast v19, $0x0  }
0x5a: {  	[tilespmem:v18+s29+$0x0] =	vst.idx.msk $0xffff, v17  }
0x5b: {  	v18 =	vadd.s32 v13, v19;
	v17 =	vld [tilespmem:s20+$0xFFFFFFC0];
	_ =	sdelay $0x4  }
0x5c: {  	[tilespmem:v18+s29+$0x0] =	vst.idx.msk $0xffff, v17  }
0x5d: {  	s25 =	simm.s32 $0x7;
	v18 =	vadd.s32 v14, v19;
	v17 =	vld [tilespmem:s20+$0xFFFFFFD0]  }
0x5e: {  	v19 =	vmov s25  }
0x5f: {  	v19 =	vshrl.u32 v19, $0x3  }
0x60: {  	v19 =	vshll.u32 v19, v1  }
0x61: {  	v19 =	vbroadcast v19, $0x0  }
0x62: {  	[tilespmem:v18+s29+$0x0] =	vst.idx.msk $0xffff, v17  }
0x63: {  	v18 =	vadd.s32 v15, v19;
	v17 =	vld [tilespmem:s20+$0xFFFFFFE0];
	_ =	sdelay $0x4  }
0x64: {  	[tilespmem:v18+s29+$0x0] =	vst.idx.msk $0xffff, v17  }
0x65: {  	s21 =	simm.s32 $0x8;
	v18 =	vadd.s32 v16, v19;
	v17 =	vld [tilespmem:s20+$0xFFFFFFF0]  }
0x66: {  	v19 =	vmov s21  }
0x67: {  	v19 =	vshrl.u32 v19, $0x3  }
0x68: {  	v19 =	vshll.u32 v19, v1  }
0x69: {  	v19 =	vbroadcast v19, $0x0  }
0x6a: {  	[tilespmem:v18+s29+$0x0] =	vst.idx.msk $0xffff, v17  }
0x6b: {  	v18 =	vadd.s32 v0, v19;
	v17 =	vld [tilespmem:s20+$0x0];
	_ =	sdelay $0x4  }
0x6c: {  	[tilespmem:v18+s29+$0x0] =	vst.idx.msk $0xffff, v17  }
0x6d: {  	s22 =	simm.s32 $0x9;
	v18 =	vadd.s32 v2, v19;
	v17 =	vld [tilespmem:s20+$0x10]  }
0x6e: {  	v19 =	vmov s22  }
0x6f: {  	v19 =	vshrl.u32 v19, $0x3  }
0x70: {  	v19 =	vshll.u32 v19, v1  }
0x71: {  	v19 =	vbroadcast v19, $0x0  }
0x72: {  	[tilespmem:v18+s29+$0x0] =	vst.idx.msk $0xffff, v17  }
0x73: {  	v18 =	vadd.s32 v3, v19;
	v17 =	vld [tilespmem:s20+$0x20];
	_ =	sdelay $0x4  }
0x74: {  	[tilespmem:v18+s29+$0x0] =	vst.idx.msk $0xffff, v17  }
0x75: {  	s23 =	simm.s32 $0xA;
	v18 =	vadd.s32 v4, v19;
	v17 =	vld [tilespmem:s20+$0x30]  }
0x76: {  	v19 =	vmov s23  }
0x77: {  	v19 =	vshrl.u32 v19, $0x3  }
0x78: {  	v19 =	vshll.u32 v19, v1  }
0x79: {  	v19 =	vbroadcast v19, $0x0  }
0x7a: {  	[tilespmem:v18+s29+$0x0] =	vst.idx.msk $0xffff, v17  }
0x7b: {  	v18 =	vadd.s32 v5, v19;
	v17 =	vld [tilespmem:s20+$0x40];
	_ =	sdelay $0x4  }
0x7c: {  	[tilespmem:v18+s29+$0x0] =	vst.idx.msk $0xffff, v17  }
0x7d: {  	s25 =	simm.s32 $0xB;
	v18 =	vadd.s32 v6, v19;
	v17 =	vld [tilespmem:s20+$0x50]  }
0x7e: {  	v19 =	vmov s25  }
0x7f: {  	v19 =	vshrl.u32 v19, $0x3  }
0x80: {  	v19 =	vshll.u32 v19, v1  }
0x81: {  	v19 =	vbroadcast v19, $0x0  }
0x82: {  	[tilespmem:v18+s29+$0x0] =	vst.idx.msk $0xffff, v17  }
0x83: {  	v18 =	vadd.s32 v7, v19;
	v17 =	vld [tilespmem:s20+$0x60];
	_ =	sdelay $0x4  }
0x84: {  	[tilespmem:v18+s29+$0x0] =	vst.idx.msk $0xffff, v17  }
0x85: {  	s21 =	simm.s32 $0xC;
	v18 =	vadd.s32 v8, v19;
	v17 =	vld [tilespmem:s20+$0x70]  }
0x86: {  	v19 =	vmov s21  }
0x87: {  	v19 =	vshrl.u32 v19, $0x3  }
0x88: {  	v19 =	vshll.u32 v19, v1  }
0x89: {  	v19 =	vbroadcast v19, $0x0  }
0x8a: {  	[tilespmem:v18+s29+$0x0] =	vst.idx.msk $0xffff, v17  }
0x8b: {  	v18 =	vadd.s32 v9, v19;
	v17 =	vld [tilespmem:s20+$0x80];
	_ =	sdelay $0x4  }
0x8c: {  	[tilespmem:v18+s29+$0x0] =	vst.idx.msk $0xffff, v17  }
0x8d: {  	s22 =	simm.s32 $0xD;
	v18 =	vadd.s32 v10, v19;
	v17 =	vld [tilespmem:s20+$0x90]  }
0x8e: {  	v19 =	vmov s22  }
0x8f: {  	v19 =	vshrl.u32 v19, $0x3  }
0x90: {  	v19 =	vshll.u32 v19, v1  }
0x91: {  	v19 =	vbroadcast v19, $0x0  }
0x92: {  	[tilespmem:v18+s29+$0x0] =	vst.idx.msk $0xffff, v17  }
0x93: {  	v18 =	vadd.s32 v11, v19;
	v17 =	vld [tilespmem:s20+$0xA0];
	_ =	sdelay $0x4  }
0x94: {  	[tilespmem:v18+s29+$0x0] =	vst.idx.msk $0xffff, v17  }
0x95: {  	s23 =	simm.s32 $0xE;
	v18 =	vadd.s32 v12, v19;
	v17 =	vld [tilespmem:s20+$0xB0]  }
0x96: {  	v19 =	vmov s23  }
0x97: {  	v19 =	vshrl.u32 v19, $0x3  }
0x98: {  	v19 =	vshll.u32 v19, v1  }
0x99: {  	v19 =	vbroadcast v19, $0x0  }
0x9a: {  	[tilespmem:v18+s29+$0x0] =	vst.idx.msk $0xffff, v17  }
0x9b: {  	v18 =	vadd.s32 v13, v19;
	v17 =	vld [tilespmem:s20+$0xC0];
	_ =	sdelay $0x4  }
0x9c: {  	[tilespmem:v18+s29+$0x0] =	vst.idx.msk $0xffff, v17  }
0x9d: {  	s25 =	simm.s32 $0xF;
	v18 =	vadd.s32 v14, v19;
	v17 =	vld [tilespmem:s20+$0xD0]  }
0x9e: {  	v19 =	vmov s25  }
0x9f: {  	v19 =	vshrl.u32 v19, $0x3  }
0xa0: {  	v19 =	vshll.u32 v19, v1  }
0xa1: {  	v19 =	vbroadcast v19, $0x0  }
0xa2: {  	[tilespmem:v18+s29+$0x0] =	vst.idx.msk $0xffff, v17  }
0xa3: {  	v18 =	vadd.s32 v15, v19;
	v17 =	vld [tilespmem:s20+$0xE0];
	_ =	sdelay $0x4  }
0xa4: {  	s19 =	sshll.u32 s1, $0x1;
	[tilespmem:v18+s29+$0x0] =	vst.idx.msk $0xffff, v17  }
0xa5: {  	s21 =	simm.s32 $0x1F;
	s22 =	simm.s32 $0x2F;
	s23 =	simm.s32 $0x10;
	v18 =	vadd.s32 v16, v19;
	v17 =	vld [tilespmem:s20+$0xF0]  }
.LBB2_3:
0xa6: {  	p0 =	sne.s32 s22, $0x1FF;
	v19 =	vmov s23  }
0xa7: {  	v19 =	vshrl.u32 v19, $0x3  }
0xa8: {  	v19 =	vshll.u32 v19, v1  }
0xa9: {  	v19 =	vbroadcast v19, $0x0  }
0xaa: {  	s20 =	sadd.s32 $0x200, s20;
	[tilespmem:v18+s29+$0x0] =	vst.idx.msk $0xffff, v17  }
0xab: {  	v17 =	vld [tilespmem:s20+$0xFFFFFF00];
	v18 =	vadd.s32 v0, v19;
	_ =	sdelay $0x4  }
0xac: {  	[tilespmem:v18+s29+$0x0] =	vst.idx.msk $0xffff, v17  }
0xad: {  	s23 =	sadd.s32 $0xFFFFFFF2, s21;
	v18 =	vadd.s32 v2, v19;
	v17 =	vld [tilespmem:s20+$0xFFFFFF10]  }
0xae: {  	v19 =	vmov s23  }
0xaf: {  	v19 =	vshrl.u32 v19, $0x3  }
0xb0: {  	v19 =	vshll.u32 v19, v1  }
0xb1: {  	v19 =	vbroadcast v19, $0x0  }
0xb2: {  	[tilespmem:v18+s29+$0x0] =	vst.idx.msk $0xffff, v17  }
0xb3: {  	v18 =	vadd.s32 v3, v19;
	v17 =	vld [tilespmem:s20+$0xFFFFFF20];
	_ =	sdelay $0x4  }
0xb4: {  	[tilespmem:v18+s29+$0x0] =	vst.idx.msk $0xffff, v17  }
0xb5: {  	s23 =	sadd.s32 $0xFFFFFFF3, s21;
	v18 =	vadd.s32 v4, v19;
	v17 =	vld [tilespmem:s20+$0xFFFFFF30]  }
0xb6: {  	v19 =	vmov s23  }
0xb7: {  	v19 =	vshrl.u32 v19, $0x3  }
0xb8: {  	v19 =	vshll.u32 v19, v1  }
0xb9: {  	v19 =	vbroadcast v19, $0x0  }
0xba: {  	[tilespmem:v18+s29+$0x0] =	vst.idx.msk $0xffff, v17  }
0xbb: {  	v18 =	vadd.s32 v5, v19;
	v17 =	vld [tilespmem:s20+$0xFFFFFF40];
	_ =	sdelay $0x4  }
0xbc: {  	[tilespmem:v18+s29+$0x0] =	vst.idx.msk $0xffff, v17  }
0xbd: {  	s23 =	sadd.s32 $0xFFFFFFF4, s21;
	v18 =	vadd.s32 v6, v19;
	v17 =	vld [tilespmem:s20+$0xFFFFFF50]  }
0xbe: {  	v19 =	vmov s23  }
0xbf: {  	v19 =	vshrl.u32 v19, $0x3  }
0xc0: {  	v19 =	vshll.u32 v19, v1  }
0xc1: {  	v19 =	vbroadcast v19, $0x0  }
0xc2: {  	[tilespmem:v18+s29+$0x0] =	vst.idx.msk $0xffff, v17  }
0xc3: {  	v18 =	vadd.s32 v7, v19;
	v17 =	vld [tilespmem:s20+$0xFFFFFF60];
	_ =	sdelay $0x4  }
0xc4: {  	[tilespmem:v18+s29+$0x0] =	vst.idx.msk $0xffff, v17  }
0xc5: {  	s23 =	sadd.s32 $0xFFFFFFF5, s21;
	v18 =	vadd.s32 v8, v19;
	v17 =	vld [tilespmem:s20+$0xFFFFFF70]  }
0xc6: {  	v19 =	vmov s23  }
0xc7: {  	v19 =	vshrl.u32 v19, $0x3  }
0xc8: {  	v19 =	vshll.u32 v19, v1  }
0xc9: {  	v19 =	vbroadcast v19, $0x0  }
0xca: {  	[tilespmem:v18+s29+$0x0] =	vst.idx.msk $0xffff, v17  }
0xcb: {  	v18 =	vadd.s32 v9, v19;
	v17 =	vld [tilespmem:s20+$0xFFFFFF80];
	_ =	sdelay $0x4  }
0xcc: {  	[tilespmem:v18+s29+$0x0] =	vst.idx.msk $0xffff, v17  }
0xcd: {  	s23 =	sadd.s32 $0xFFFFFFF6, s21;
	v18 =	vadd.s32 v10, v19;
	v17 =	vld [tilespmem:s20+$0xFFFFFF90]  }
0xce: {  	v19 =	vmov s23  }
0xcf: {  	v19 =	vshrl.u32 v19, $0x3  }
0xd0: {  	v19 =	vshll.u32 v19, v1  }
0xd1: {  	v19 =	vbroadcast v19, $0x0  }
0xd2: {  	[tilespmem:v18+s29+$0x0] =	vst.idx.msk $0xffff, v17  }
0xd3: {  	v18 =	vadd.s32 v11, v19;
	v17 =	vld [tilespmem:s20+$0xFFFFFFA0];
	_ =	sdelay $0x4  }
0xd4: {  	[tilespmem:v18+s29+$0x0] =	vst.idx.msk $0xffff, v17  }
0xd5: {  	s23 =	sadd.s32 $0xFFFFFFF7, s21;
	v18 =	vadd.s32 v12, v19;
	v17 =	vld [tilespmem:s20+$0xFFFFFFB0]  }
0xd6: {  	v19 =	vmov s23  }
0xd7: {  	v19 =	vshrl.u32 v19, $0x3  }
0xd8: {  	v19 =	vshll.u32 v19, v1  }
0xd9: {  	v19 =	vbroadcast v19, $0x0  }
0xda: {  	[tilespmem:v18+s29+$0x0] =	vst.idx.msk $0xffff, v17  }
0xdb: {  	v18 =	vadd.s32 v13, v19;
	v17 =	vld [tilespmem:s20+$0xFFFFFFC0];
	_ =	sdelay $0x4  }
0xdc: {  	[tilespmem:v18+s29+$0x0] =	vst.idx.msk $0xffff, v17  }
0xdd: {  	s23 =	sadd.s32 $0xFFFFFFF8, s21;
	v18 =	vadd.s32 v14, v19;
	v17 =	vld [tilespmem:s20+$0xFFFFFFD0]  }
0xde: {  	v19 =	vmov s23  }
0xdf: {  	v19 =	vshrl.u32 v19, $0x3  }
0xe0: {  	v19 =	vshll.u32 v19, v1  }
0xe1: {  	v19 =	vbroadcast v19, $0x0  }
0xe2: {  	[tilespmem:v18+s29+$0x0] =	vst.idx.msk $0xffff, v17  }
0xe3: {  	v18 =	vadd.s32 v15, v19;
	v17 =	vld [tilespmem:s20+$0xFFFFFFE0];
	_ =	sdelay $0x4  }
0xe4: {  	[tilespmem:v18+s29+$0x0] =	vst.idx.msk $0xffff, v17  }
0xe5: {  	s23 =	sadd.s32 $0xFFFFFFF9, s21;
	v18 =	vadd.s32 v16, v19;
	v17 =	vld [tilespmem:s20+$0xFFFFFFF0]  }
0xe6: {  	v19 =	vmov s23  }
0xe7: {  	v19 =	vshrl.u32 v19, $0x3  }
0xe8: {  	v19 =	vshll.u32 v19, v1  }
0xe9: {  	v19 =	vbroadcast v19, $0x0  }
0xea: {  	[tilespmem:v18+s29+$0x0] =	vst.idx.msk $0xffff, v17  }
0xeb: {  	v18 =	vadd.s32 v0, v19;
	v17 =	vld [tilespmem:s20+$0x0];
	_ =	sdelay $0x4  }
0xec: {  	[tilespmem:v18+s29+$0x0] =	vst.idx.msk $0xffff, v17  }
0xed: {  	s23 =	sadd.s32 $0xFFFFFFFA, s21;
	v18 =	vadd.s32 v2, v19;
	v17 =	vld [tilespmem:s20+$0x10]  }
0xee: {  	v19 =	vmov s23  }
0xef: {  	v19 =	vshrl.u32 v19, $0x3  }
0xf0: {  	v19 =	vshll.u32 v19, v1  }
0xf1: {  	v19 =	vbroadcast v19, $0x0  }
0xf2: {  	[tilespmem:v18+s29+$0x0] =	vst.idx.msk $0xffff, v17  }
0xf3: {  	v18 =	vadd.s32 v3, v19;
	v17 =	vld [tilespmem:s20+$0x20];
	_ =	sdelay $0x4  }
0xf4: {  	[tilespmem:v18+s29+$0x0] =	vst.idx.msk $0xffff, v17  }
0xf5: {  	s23 =	sadd.s32 $0xFFFFFFFB, s21;
	v18 =	vadd.s32 v4, v19;
	v17 =	vld [tilespmem:s20+$0x30]  }
0xf6: {  	v19 =	vmov s23  }
0xf7: {  	v19 =	vshrl.u32 v19, $0x3  }
0xf8: {  	v19 =	vshll.u32 v19, v1  }
0xf9: {  	v19 =	vbroadcast v19, $0x0  }
0xfa: {  	[tilespmem:v18+s29+$0x0] =	vst.idx.msk $0xffff, v17  }
0xfb: {  	v18 =	vadd.s32 v5, v19;
	v17 =	vld [tilespmem:s20+$0x40];
	_ =	sdelay $0x4  }
0xfc: {  	[tilespmem:v18+s29+$0x0] =	vst.idx.msk $0xffff, v17  }
0xfd: {  	s23 =	sadd.s32 $0xFFFFFFFC, s21;
	v18 =	vadd.s32 v6, v19;
	v17 =	vld [tilespmem:s20+$0x50]  }
0xfe: {  	v19 =	vmov s23  }
0xff: {  	v19 =	vshrl.u32 v19, $0x3  }
0x100: {  	v19 =	vshll.u32 v19, v1  }
0x101: {  	v19 =	vbroadcast v19, $0x0  }
0x102: {  	[tilespmem:v18+s29+$0x0] =	vst.idx.msk $0xffff, v17  }
0x103: {  	v18 =	vadd.s32 v7, v19;
	v17 =	vld [tilespmem:s20+$0x60];
	_ =	sdelay $0x4  }
0x104: {  	[tilespmem:v18+s29+$0x0] =	vst.idx.msk $0xffff, v17  }
0x105: {  	s23 =	sadd.s32 $0xFFFFFFFD, s21;
	v18 =	vadd.s32 v8, v19;
	v17 =	vld [tilespmem:s20+$0x70]  }
0x106: {  	v19 =	vmov s23  }
0x107: {  	v19 =	vshrl.u32 v19, $0x3  }
0x108: {  	v19 =	vshll.u32 v19, v1  }
0x109: {  	v19 =	vbroadcast v19, $0x0  }
0x10a: {  	[tilespmem:v18+s29+$0x0] =	vst.idx.msk $0xffff, v17  }
0x10b: {  	v18 =	vadd.s32 v9, v19;
	v17 =	vld [tilespmem:s20+$0x80];
	_ =	sdelay $0x4  }
0x10c: {  	[tilespmem:v18+s29+$0x0] =	vst.idx.msk $0xffff, v17  }
0x10d: {  	s23 =	sadd.s32 $0xFFFFFFFE, s21;
	v18 =	vadd.s32 v10, v19;
	v17 =	vld [tilespmem:s20+$0x90]  }
0x10e: {  	v19 =	vmov s23  }
0x10f: {  	v19 =	vshrl.u32 v19, $0x3  }
0x110: {  	v19 =	vshll.u32 v19, v1  }
0x111: {  	v19 =	vbroadcast v19, $0x0  }
0x112: {  	[tilespmem:v18+s29+$0x0] =	vst.idx.msk $0xffff, v17  }
0x113: {  	v18 =	vadd.s32 v11, v19;
	v17 =	vld [tilespmem:s20+$0xA0];
	_ =	sdelay $0x4  }
0x114: {  	[tilespmem:v18+s29+$0x0] =	vst.idx.msk $0xffff, v17  }
0x115: {  	s23 =	sadd.s32 $0xFFFFFFFF, s21;
	v18 =	vadd.s32 v12, v19;
	v17 =	vld [tilespmem:s20+$0xB0]  }
0x116: {  	v19 =	vmov s23  }
0x117: {  	v19 =	vshrl.u32 v19, $0x3  }
0x118: {  	v19 =	vshll.u32 v19, v1  }
0x119: {  	v19 =	vbroadcast v19, $0x0  }
0x11a: {  	[tilespmem:v18+s29+$0x0] =	vst.idx.msk $0xffff, v17  }
0x11b: {  	v18 =	vadd.s32 v13, v19;
	v17 =	vld [tilespmem:s20+$0xC0];
	_ =	sdelay $0x4  }
0x11c: {  	[tilespmem:v18+s29+$0x0] =	vst.idx.msk $0xffff, v17  }
0x11d: {  	v18 =	vadd.s32 v14, v19;
	v17 =	vld [tilespmem:s20+$0xD0]  }
0x11e: {  	v19 =	vmov s21;
	s21 =	smov.u32 s22  }
0x11f: {  	v19 =	vshrl.u32 v19, $0x3  }
0x120: {  	v19 =	vshll.u32 v19, v1  }
0x121: {  	v19 =	vbroadcast v19, $0x0  }
0x122: {  	[tilespmem:v18+s29+$0x0] =	vst.idx.msk $0xffff, v17  }
0x123: {  	v18 =	vadd.s32 v15, v19;
	v17 =	vld [tilespmem:s20+$0xE0];
	_ =	sdelay $0x1  }
.Ltmp0:
0x124: {  	(pc) =	sbr.rel @p0 .LBB2_3-.Ltmp0, $3  }
0x125: {  	_ =	sdelay $0x1  }
0x126: {  	[tilespmem:v18+s29+$0x0] =	vst.idx.msk $0xffff, v17  }
0x127: {  	s22 =	sadd.s32 $0x10, s22;
	s23 =	sadd.s32 $0xFFFFFFF1, s21;
	v18 =	vadd.s32 v16, v19;
	v17 =	vld [tilespmem:s20+$0xF0]  }
0x128: {  	v19 =	vmov s23  }
0x129: {  	v19 =	vshrl.u32 v19, $0x3  }
0x12a: {  	v19 =	vshll.u32 v19, v1  }
0x12b: {  	v19 =	vbroadcast v19, $0x0  }
0x12c: {  	s20 =	sadd.s32 $0x200, s20;
	[tilespmem:v18+s29+$0x0] =	vst.idx.msk $0xffff, v17  }
0x12d: {  	v17 =	vld [tilespmem:s20+$0xFFFFFF00];
	v18 =	vadd.s32 v0, v19;
	_ =	sdelay $0x4  }
0x12e: {  	[tilespmem:v18+s29+$0x0] =	vst.idx.msk $0xffff, v17  }
0x12f: {  	s22 =	sadd.s32 $0xFFFFFFF2, s21;
	v18 =	vadd.s32 v2, v19;
	v17 =	vld [tilespmem:s20+$0xFFFFFF10]  }
0x130: {  	v19 =	vmov s22  }
0x131: {  	v19 =	vshrl.u32 v19, $0x3  }
0x132: {  	v19 =	vshll.u32 v19, v1  }
0x133: {  	v19 =	vbroadcast v19, $0x0  }
0x134: {  	[tilespmem:v18+s29+$0x0] =	vst.idx.msk $0xffff, v17  }
0x135: {  	v18 =	vadd.s32 v3, v19;
	v17 =	vld [tilespmem:s20+$0xFFFFFF20];
	_ =	sdelay $0x4  }
0x136: {  	[tilespmem:v18+s29+$0x0] =	vst.idx.msk $0xffff, v17  }
0x137: {  	s23 =	sadd.s32 $0xFFFFFFF3, s21;
	v18 =	vadd.s32 v4, v19;
	v17 =	vld [tilespmem:s20+$0xFFFFFF30]  }
0x138: {  	v19 =	vmov s23  }
0x139: {  	v19 =	vshrl.u32 v19, $0x3  }
0x13a: {  	v19 =	vshll.u32 v19, v1  }
0x13b: {  	v19 =	vbroadcast v19, $0x0  }
0x13c: {  	[tilespmem:v18+s29+$0x0] =	vst.idx.msk $0xffff, v17  }
0x13d: {  	v18 =	vadd.s32 v5, v19;
	v17 =	vld [tilespmem:s20+$0xFFFFFF40];
	_ =	sdelay $0x4  }
0x13e: {  	[tilespmem:v18+s29+$0x0] =	vst.idx.msk $0xffff, v17  }
0x13f: {  	s25 =	sadd.s32 $0xFFFFFFF4, s21;
	v18 =	vadd.s32 v6, v19;
	v17 =	vld [tilespmem:s20+$0xFFFFFF50]  }
0x140: {  	v19 =	vmov s25  }
0x141: {  	v19 =	vshrl.u32 v19, $0x3  }
0x142: {  	v19 =	vshll.u32 v19, v1  }
0x143: {  	v19 =	vbroadcast v19, $0x0  }
0x144: {  	[tilespmem:v18+s29+$0x0] =	vst.idx.msk $0xffff, v17  }
0x145: {  	v18 =	vadd.s32 v7, v19;
	v17 =	vld [tilespmem:s20+$0xFFFFFF60];
	_ =	sdelay $0x4  }
0x146: {  	[tilespmem:v18+s29+$0x0] =	vst.idx.msk $0xffff, v17  }
0x147: {  	s23 =	sadd.s32 $0xFFFFFFF5, s21;
	v18 =	vadd.s32 v8, v19;
	v17 =	vld [tilespmem:s20+$0xFFFFFF70]  }
0x148: {  	v19 =	vmov s23  }
0x149: {  	v19 =	vshrl.u32 v19, $0x3  }
0x14a: {  	v19 =	vshll.u32 v19, v1  }
0x14b: {  	v19 =	vbroadcast v19, $0x0  }
0x14c: {  	[tilespmem:v18+s29+$0x0] =	vst.idx.msk $0xffff, v17  }
0x14d: {  	v18 =	vadd.s32 v9, v19;
	v17 =	vld [tilespmem:s20+$0xFFFFFF80];
	_ =	sdelay $0x4  }
0x14e: {  	[tilespmem:v18+s29+$0x0] =	vst.idx.msk $0xffff, v17  }
0x14f: {  	s25 =	sadd.s32 $0xFFFFFFF6, s21;
	v18 =	vadd.s32 v10, v19;
	v17 =	vld [tilespmem:s20+$0xFFFFFF90]  }
0x150: {  	v19 =	vmov s25  }
0x151: {  	v19 =	vshrl.u32 v19, $0x3  }
0x152: {  	v19 =	vshll.u32 v19, v1  }
0x153: {  	v19 =	vbroadcast v19, $0x0  }
0x154: {  	[tilespmem:v18+s29+$0x0] =	vst.idx.msk $0xffff, v17  }
0x155: {  	v18 =	vadd.s32 v11, v19;
	v17 =	vld [tilespmem:s20+$0xFFFFFFA0];
	_ =	sdelay $0x4  }
0x156: {  	[tilespmem:v18+s29+$0x0] =	vst.idx.msk $0xffff, v17  }
0x157: {  	s23 =	sadd.s32 $0xFFFFFFF7, s21;
	v18 =	vadd.s32 v12, v19;
	v17 =	vld [tilespmem:s20+$0xFFFFFFB0]  }
0x158: {  	v19 =	vmov s23  }
0x159: {  	v19 =	vshrl.u32 v19, $0x3  }
0x15a: {  	v19 =	vshll.u32 v19, v1  }
0x15b: {  	v19 =	vbroadcast v19, $0x0  }
0x15c: {  	[tilespmem:v18+s29+$0x0] =	vst.idx.msk $0xffff, v17  }
0x15d: {  	v18 =	vadd.s32 v13, v19;
	v17 =	vld [tilespmem:s20+$0xFFFFFFC0];
	_ =	sdelay $0x4  }
0x15e: {  	[tilespmem:v18+s29+$0x0] =	vst.idx.msk $0xffff, v17  }
0x15f: {  	s25 =	sadd.s32 $0xFFFFFFF8, s21;
	v18 =	vadd.s32 v14, v19;
	v17 =	vld [tilespmem:s20+$0xFFFFFFD0]  }
0x160: {  	v19 =	vmov s25  }
0x161: {  	v19 =	vshrl.u32 v19, $0x3  }
0x162: {  	v19 =	vshll.u32 v19, v1  }
0x163: {  	v19 =	vbroadcast v19, $0x0  }
0x164: {  	[tilespmem:v18+s29+$0x0] =	vst.idx.msk $0xffff, v17  }
0x165: {  	v18 =	vadd.s32 v15, v19;
	v17 =	vld [tilespmem:s20+$0xFFFFFFE0];
	_ =	sdelay $0x4  }
0x166: {  	[tilespmem:v18+s29+$0x0] =	vst.idx.msk $0xffff, v17  }
0x167: {  	s23 =	sadd.s32 $0xFFFFFFF9, s21;
	v18 =	vadd.s32 v16, v19;
	v17 =	vld [tilespmem:s20+$0xFFFFFFF0]  }
0x168: {  	v19 =	vmov s23  }
0x169: {  	v19 =	vshrl.u32 v19, $0x3  }
0x16a: {  	v19 =	vshll.u32 v19, v1  }
0x16b: {  	v19 =	vbroadcast v19, $0x0  }
0x16c: {  	[tilespmem:v18+s29+$0x0] =	vst.idx.msk $0xffff, v17  }
0x16d: {  	v18 =	vadd.s32 v0, v19;
	v17 =	vld [tilespmem:s20+$0x0];
	_ =	sdelay $0x4  }
0x16e: {  	[tilespmem:v18+s29+$0x0] =	vst.idx.msk $0xffff, v17  }
0x16f: {  	s25 =	sadd.s32 $0xFFFFFFFA, s21;
	v18 =	vadd.s32 v2, v19;
	v17 =	vld [tilespmem:s20+$0x10]  }
0x170: {  	v19 =	vmov s25  }
0x171: {  	v19 =	vshrl.u32 v19, $0x3  }
0x172: {  	v19 =	vshll.u32 v19, v1  }
0x173: {  	v19 =	vbroadcast v19, $0x0  }
0x174: {  	[tilespmem:v18+s29+$0x0] =	vst.idx.msk $0xffff, v17  }
0x175: {  	v18 =	vadd.s32 v3, v19;
	v17 =	vld [tilespmem:s20+$0x20];
	_ =	sdelay $0x4  }
0x176: {  	[tilespmem:v18+s29+$0x0] =	vst.idx.msk $0xffff, v17  }
0x177: {  	s23 =	sadd.s32 $0xFFFFFFFB, s21;
	v18 =	vadd.s32 v4, v19;
	v17 =	vld [tilespmem:s20+$0x30]  }
0x178: {  	v19 =	vmov s23  }
0x179: {  	v19 =	vshrl.u32 v19, $0x3  }
0x17a: {  	v19 =	vshll.u32 v19, v1  }
0x17b: {  	v19 =	vbroadcast v19, $0x0  }
0x17c: {  	[tilespmem:v18+s29+$0x0] =	vst.idx.msk $0xffff, v17  }
0x17d: {  	v18 =	vadd.s32 v5, v19;
	v17 =	vld [tilespmem:s20+$0x40];
	_ =	sdelay $0x4  }
0x17e: {  	[tilespmem:v18+s29+$0x0] =	vst.idx.msk $0xffff, v17  }
0x17f: {  	s25 =	sadd.s32 $0xFFFFFFFC, s21;
	v18 =	vadd.s32 v6, v19;
	v17 =	vld [tilespmem:s20+$0x50]  }
0x180: {  	v19 =	vmov s25  }
0x181: {  	v19 =	vshrl.u32 v19, $0x3  }
0x182: {  	v19 =	vshll.u32 v19, v1  }
0x183: {  	v19 =	vbroadcast v19, $0x0  }
0x184: {  	[tilespmem:v18+s29+$0x0] =	vst.idx.msk $0xffff, v17  }
0x185: {  	v18 =	vadd.s32 v7, v19;
	v17 =	vld [tilespmem:s20+$0x60];
	_ =	sdelay $0x4  }
0x186: {  	[tilespmem:v18+s29+$0x0] =	vst.idx.msk $0xffff, v17  }
0x187: {  	s23 =	sadd.s32 $0xFFFFFFFD, s21;
	v18 =	vadd.s32 v8, v19;
	v17 =	vld [tilespmem:s20+$0x70]  }
0x188: {  	v19 =	vmov s23  }
0x189: {  	v19 =	vshrl.u32 v19, $0x3  }
0x18a: {  	v19 =	vshll.u32 v19, v1  }
0x18b: {  	v19 =	vbroadcast v19, $0x0  }
0x18c: {  	[tilespmem:v18+s29+$0x0] =	vst.idx.msk $0xffff, v17  }
0x18d: {  	v18 =	vadd.s32 v9, v19;
	v17 =	vld [tilespmem:s20+$0x80];
	_ =	sdelay $0x4  }
0x18e: {  	[tilespmem:v18+s29+$0x0] =	vst.idx.msk $0xffff, v17  }
0x18f: {  	s25 =	sadd.s32 $0xFFFFFFFE, s21;
	v18 =	vadd.s32 v10, v19;
	v17 =	vld [tilespmem:s20+$0x90]  }
0x190: {  	v19 =	vmov s25  }
0x191: {  	v19 =	vshrl.u32 v19, $0x3  }
0x192: {  	v19 =	vshll.u32 v19, v1  }
0x193: {  	v19 =	vbroadcast v19, $0x0  }
0x194: {  	[tilespmem:v18+s29+$0x0] =	vst.idx.msk $0xffff, v17  }
0x195: {  	v18 =	vadd.s32 v11, v19;
	v17 =	vld [tilespmem:s20+$0xA0];
	_ =	sdelay $0x4  }
0x196: {  	[tilespmem:v18+s29+$0x0] =	vst.idx.msk $0xffff, v17  }
0x197: {  	s23 =	sadd.s32 $0xFFFFFFFF, s21;
	v18 =	vadd.s32 v12, v19;
	v17 =	vld [tilespmem:s20+$0xB0]  }
0x198: {  	v19 =	vmov s23  }
0x199: {  	v19 =	vshrl.u32 v19, $0x3  }
0x19a: {  	v19 =	vshll.u32 v19, v1  }
0x19b: {  	v19 =	vbroadcast v19, $0x0  }
0x19c: {  	[tilespmem:v18+s29+$0x0] =	vst.idx.msk $0xffff, v17  }
0x19d: {  	v18 =	vadd.s32 v13, v19;
	v17 =	vld [tilespmem:s20+$0xC0];
	_ =	sdelay $0x4  }
0x19e: {  	[tilespmem:v18+s29+$0x0] =	vst.idx.msk $0xffff, v17  }
0x19f: {  	v18 =	vadd.s32 v14, v19;
	v17 =	vld [tilespmem:s20+$0xD0]  }
0x1a0: {  	v19 =	vmov s21  }
0x1a1: {  	v19 =	vshrl.u32 v19, $0x3  }
0x1a2: {  	v19 =	vshll.u32 v19, v1  }
0x1a3: {  	v19 =	vbroadcast v19, $0x0  }
0x1a4: {  	[tilespmem:v18+s29+$0x0] =	vst.idx.msk $0xffff, v17  }
0x1a5: {  	v18 =	vadd.s32 v15, v19;
	v17 =	vld [tilespmem:s20+$0xE0];
	_ =	sdelay $0x4  }
0x1a6: {  	[tilespmem:v18+s29+$0x0] =	vst.idx.msk $0xffff, v17  }
0x1a7: {  	v18 =	vadd.s32 v16, v19;
	v17 =	vld [tilespmem:s20+$0xF0]  }
0x1a8: {  	s25 =	sshll.u32 s1, $0x14  }
0x1a9: {  	s20 =	sor.u32 s4, s25  }
0x1aa: {  	s20 =	sshrl.u32 s20, $0x3  }
0x1ab: {  	s22 =	simm.s32 $0x800;
	s20 =	sadd.s32 s6, s20  }
0x1ac: {  	s23 =	simm.s32 $0x9208;
	s21 =	simm.s32 $0x9000;
	s25 =	sadd.s32 $0x0, s20;
	[tilespmem:v18+s29+$0x0] =	vst.idx.msk $0xffff, v17  }
.LBB2_5:
0x1ad: {  	[hbm4b:s25+s2] =	stream.linear.scatter [tilespmem:s21], [sflag:$0x3], $0x200, $0x38;
	[tilespmem:$0x11200] =	vst v63  }
0x1ae: {  	s25 =	smov.u32 s22;
	s21 =	smov.u32 s23;
	p0 =	sne.s32 s22, $0xF800  }
.Ltmp1:
0x1af: {  	s22 =	sadd.s32 $0x800, s22;
	(pc) =	sbr.rel @p0 .LBB2_5-.Ltmp1, $2  }
0x1b0: {  	_ =	sdelay $0x2  }
0x1b1: {  	s23 =	sadd.s32 $0x208, s23;
	s25 =	sadd.s32 s25, s20  }
0x1b2: {  	[hbm4b:s25+s2] =	stream.linear.scatter [tilespmem:s21], [sflag:$0x3], $0x200, $0x38;
	[tilespmem:$0x11200] =	vst v63  }
0x1b3: {  	p0 =	sgt.u32 s1, $0x5F  }
0x1b4: {  	s20 =	sshll.u32 @!p0 s1, $0xF  }
0x1b5: {  	s20 =	sadd.s32 @!p0 s15, s20  }
0x1b6: {  	s21 =	sshll.u32 @!p0 s1, $0xA;
	s20 =	sshrl.u32 @!p0 s20, $0x3  }
0x1b7: {  	s22 =	simm.s32 @!p0 $0x0;
	s21 =	sand.u32 @!p0 $0xC00, s21;
	s20 =	sadd.s32 @!p0 s3, s20  }
0x1b8: {  	[tilespmem:s21], [sflag:$0x1] =	stream.linear.gather @!p0 [hbm4b:s20+s22], $0x200, $0x38;
	[tilespmem:$0x11200] =	vst v63  }
0x1b9: {  	_ =	swait.ge [sflag:s26], $0x4000  }
0x1ba: {  	p1 =	seq.s32 s1, $0x63;
	[sflag:s26] =	ssyncset.done $0x0  }
0x1bb: {  	s25 =	simm.s32 $0x0;
	s21 =	simm.s32 @!p1 $0x1;
	[sflag:s26] =	ssyncadd.s32 $0xFFFFC000  }
0x1bc: {  	p2 =	seq.s32 @!p1 s1, $0x0;
	s20 =	sshll.u32 @!p1 s1, $0xA;
	_ =	swait.ge @!p1 [sflag:s21], $0x200  }
0x1bd: {  	s22 =	simm.s32 @!p1 $0x1000;
	s20 =	sadd.s32 @!p1 $0x400, s20;
	[sflag:s21] =	ssyncset.done @!p1 $0x0  }
0x1be: {  	s20 =	sand.u32 @!p1 $0xC00, s20;
	[sflag:s21] =	ssyncadd.s32 @!p1 $0xFFFFFE00;
	s21 =	simm.s32 @!p1 $0x200  }
0x1bf: {  	v17 =	vmov s25;
	[tilespmem:s22], [sflag:$0x2] =	stream.indirect.gather @!p1 [hbm4b:s5+s21], $0x20, s20, s21, $0xb8;
	[tilespmem:$0x11200] =	vst v63  }
0x1c0: {  	v17 =	vshrl.u32 v17, $0x3;
	p1 =	por p1, !p2  }
0x1c1: {  	v17 =	vshll.u32 v17, v1;
	_ =	swait.ge @p1 [sflag:s31], $0x4000  }
0x1c2: {  	v17 =	vbroadcast v17, $0x0;
	[sflag:s31] =	ssyncset.done @p1 $0x0  }
0x1c3: {  	s23 =	simm.s32 $0x0;
	[sflag:s31] =	ssyncadd.s32 @p1 $0xFFFFC000  }
0x1c4: {  	v19 =	vadd.s32 v0, v17;
	v18 =	vld [tilespmem:s23+$0x5000];
	_ =	sdelay $0x4  }
0x1c5: {  	[tilespmem:v19+s30+$0x0] =	vst.idx.msk $0xffff, v18  }
0x1c6: {  	v17 =	vadd.s32 v2, v17;
	s21 =	simm.s32 $0x1;
	v18 =	vld [tilespmem:s23+$0x5010]  }
0x1c7: {  	v19 =	vmov s21  }
0x1c8: {  	v19 =	vshrl.u32 v19, $0x3  }
0x1c9: {  	v19 =	vshll.u32 v19, v1  }
0x1ca: {  	v19 =	vbroadcast v19, $0x0  }
0x1cb: {  	[tilespmem:v17+s30+$0x0] =	vst.idx.msk $0xffff, v18  }
0x1cc: {  	v18 =	vadd.s32 v3, v19;
	v17 =	vld [tilespmem:s23+$0x5020];
	_ =	sdelay $0x4  }
0x1cd: {  	[tilespmem:v18+s30+$0x0] =	vst.idx.msk $0xffff, v17  }
0x1ce: {  	s22 =	simm.s32 $0x2;
	v18 =	vadd.s32 v4, v19;
	v17 =	vld [tilespmem:s23+$0x5030]  }
0x1cf: {  	v19 =	vmov s22  }
0x1d0: {  	v19 =	vshrl.u32 v19, $0x3  }
0x1d1: {  	v19 =	vshll.u32 v19, v1  }
0x1d2: {  	v19 =	vbroadcast v19, $0x0  }
0x1d3: {  	[tilespmem:v18+s30+$0x0] =	vst.idx.msk $0xffff, v17  }
0x1d4: {  	v18 =	vadd.s32 v5, v19;
	v17 =	vld [tilespmem:s23+$0x5040];
	_ =	sdelay $0x4  }
0x1d5: {  	[tilespmem:v18+s30+$0x0] =	vst.idx.msk $0xffff, v17  }
0x1d6: {  	s25 =	simm.s32 $0x3;
	v18 =	vadd.s32 v6, v19;
	v17 =	vld [tilespmem:s23+$0x5050]  }
0x1d7: {  	v19 =	vmov s25  }
0x1d8: {  	v19 =	vshrl.u32 v19, $0x3  }
0x1d9: {  	v19 =	vshll.u32 v19, v1  }
0x1da: {  	v19 =	vbroadcast v19, $0x0  }
0x1db: {  	[tilespmem:v18+s30+$0x0] =	vst.idx.msk $0xffff, v17  }
0x1dc: {  	v18 =	vadd.s32 v7, v19;
	v17 =	vld [tilespmem:s23+$0x5060];
	_ =	sdelay $0x4  }
0x1dd: {  	[tilespmem:v18+s30+$0x0] =	vst.idx.msk $0xffff, v17  }
0x1de: {  	s21 =	simm.s32 $0x4;
	v18 =	vadd.s32 v8, v19;
	v17 =	vld [tilespmem:s23+$0x5070]  }
0x1df: {  	v19 =	vmov s21  }
0x1e0: {  	v19 =	vshrl.u32 v19, $0x3  }
0x1e1: {  	v19 =	vshll.u32 v19, v1  }
0x1e2: {  	v19 =	vbroadcast v19, $0x0  }
0x1e3: {  	[tilespmem:v18+s30+$0x0] =	vst.idx.msk $0xffff, v17  }
0x1e4: {  	v18 =	vadd.s32 v9, v19;
	v17 =	vld [tilespmem:s23+$0x5080];
	_ =	sdelay $0x4  }
0x1e5: {  	[tilespmem:v18+s30+$0x0] =	vst.idx.msk $0xffff, v17  }
0x1e6: {  	s22 =	simm.s32 $0x5;
	v18 =	vadd.s32 v10, v19;
	v17 =	vld [tilespmem:s23+$0x5090]  }
0x1e7: {  	v19 =	vmov s22  }
0x1e8: {  	v19 =	vshrl.u32 v19, $0x3  }
0x1e9: {  	v19 =	vshll.u32 v19, v1  }
0x1ea: {  	v19 =	vbroadcast v19, $0x0  }
0x1eb: {  	[tilespmem:v18+s30+$0x0] =	vst.idx.msk $0xffff, v17  }
0x1ec: {  	v18 =	vadd.s32 v11, v19;
	v17 =	vld [tilespmem:s23+$0x50A0];
	_ =	sdelay $0x4  }
0x1ed: {  	[tilespmem:v18+s30+$0x0] =	vst.idx.msk $0xffff, v17  }
0x1ee: {  	s25 =	simm.s32 $0x6;
	v18 =	vadd.s32 v12, v19;
	v17 =	vld [tilespmem:s23+$0x50B0]  }
0x1ef: {  	v19 =	vmov s25  }
0x1f0: {  	v19 =	vshrl.u32 v19, $0x3  }
0x1f1: {  	v19 =	vshll.u32 v19, v1  }
0x1f2: {  	v19 =	vbroadcast v19, $0x0  }
0x1f3: {  	[tilespmem:v18+s30+$0x0] =	vst.idx.msk $0xffff, v17  }
0x1f4: {  	v18 =	vadd.s32 v13, v19;
	v17 =	vld [tilespmem:s23+$0x50C0];
	_ =	sdelay $0x4  }
0x1f5: {  	[tilespmem:v18+s30+$0x0] =	vst.idx.msk $0xffff, v17  }
0x1f6: {  	s21 =	simm.s32 $0x7;
	v18 =	vadd.s32 v14, v19;
	v17 =	vld [tilespmem:s23+$0x50D0]  }
0x1f7: {  	v19 =	vmov s21  }
0x1f8: {  	v19 =	vshrl.u32 v19, $0x3  }
0x1f9: {  	v19 =	vshll.u32 v19, v1  }
0x1fa: {  	v19 =	vbroadcast v19, $0x0  }
0x1fb: {  	[tilespmem:v18+s30+$0x0] =	vst.idx.msk $0xffff, v17  }
0x1fc: {  	v18 =	vadd.s32 v15, v19;
	v17 =	vld [tilespmem:s23+$0x50E0];
	_ =	sdelay $0x4  }
0x1fd: {  	[tilespmem:v18+s30+$0x0] =	vst.idx.msk $0xffff, v17  }
0x1fe: {  	s22 =	simm.s32 $0x8;
	v18 =	vadd.s32 v16, v19;
	v17 =	vld [tilespmem:s23+$0x50F0]  }
0x1ff: {  	v19 =	vmov s22  }
0x200: {  	v19 =	vshrl.u32 v19, $0x3  }
0x201: {  	v19 =	vshll.u32 v19, v1  }
0x202: {  	v19 =	vbroadcast v19, $0x0  }
0x203: {  	[tilespmem:v18+s30+$0x0] =	vst.idx.msk $0xffff, v17  }
0x204: {  	v18 =	vadd.s32 v0, v19;
	v17 =	vld [tilespmem:s23+$0x5100];
	_ =	sdelay $0x4  }
0x205: {  	[tilespmem:v18+s30+$0x0] =	vst.idx.msk $0xffff, v17  }
0x206: {  	s25 =	simm.s32 $0x9;
	v18 =	vadd.s32 v2, v19;
	v17 =	vld [tilespmem:s23+$0x5110]  }
0x207: {  	v19 =	vmov s25  }
0x208: {  	v19 =	vshrl.u32 v19, $0x3  }
0x209: {  	v19 =	vshll.u32 v19, v1  }
0x20a: {  	v19 =	vbroadcast v19, $0x0  }
0x20b: {  	[tilespmem:v18+s30+$0x0] =	vst.idx.msk $0xffff, v17  }
0x20c: {  	v18 =	vadd.s32 v3, v19;
	v17 =	vld [tilespmem:s23+$0x5120];
	_ =	sdelay $0x4  }
0x20d: {  	[tilespmem:v18+s30+$0x0] =	vst.idx.msk $0xffff, v17  }
0x20e: {  	s21 =	simm.s32 $0xA;
	v18 =	vadd.s32 v4, v19;
	v17 =	vld [tilespmem:s23+$0x5130]  }
0x20f: {  	v19 =	vmov s21  }
0x210: {  	v19 =	vshrl.u32 v19, $0x3  }
0x211: {  	v19 =	vshll.u32 v19, v1  }
0x212: {  	v19 =	vbroadcast v19, $0x0  }
0x213: {  	[tilespmem:v18+s30+$0x0] =	vst.idx.msk $0xffff, v17  }
0x214: {  	v18 =	vadd.s32 v5, v19;
	v17 =	vld [tilespmem:s23+$0x5140];
	_ =	sdelay $0x4  }
0x215: {  	[tilespmem:v18+s30+$0x0] =	vst.idx.msk $0xffff, v17  }
0x216: {  	s22 =	simm.s32 $0xB;
	v18 =	vadd.s32 v6, v19;
	v17 =	vld [tilespmem:s23+$0x5150]  }
0x217: {  	v19 =	vmov s22  }
0x218: {  	v19 =	vshrl.u32 v19, $0x3  }
0x219: {  	v19 =	vshll.u32 v19, v1  }
0x21a: {  	v19 =	vbroadcast v19, $0x0  }
0x21b: {  	[tilespmem:v18+s30+$0x0] =	vst.idx.msk $0xffff, v17  }
0x21c: {  	v18 =	vadd.s32 v7, v19;
	v17 =	vld [tilespmem:s23+$0x5160];
	_ =	sdelay $0x4  }
0x21d: {  	[tilespmem:v18+s30+$0x0] =	vst.idx.msk $0xffff, v17  }
0x21e: {  	s25 =	simm.s32 $0xC;
	v18 =	vadd.s32 v8, v19;
	v17 =	vld [tilespmem:s23+$0x5170]  }
0x21f: {  	v19 =	vmov s25  }
0x220: {  	v19 =	vshrl.u32 v19, $0x3  }
0x221: {  	v19 =	vshll.u32 v19, v1  }
0x222: {  	v19 =	vbroadcast v19, $0x0  }
0x223: {  	[tilespmem:v18+s30+$0x0] =	vst.idx.msk $0xffff, v17  }
0x224: {  	v18 =	vadd.s32 v9, v19;
	v17 =	vld [tilespmem:s23+$0x5180];
	_ =	sdelay $0x4  }
0x225: {  	[tilespmem:v18+s30+$0x0] =	vst.idx.msk $0xffff, v17  }
0x226: {  	s21 =	simm.s32 $0xD;
	v18 =	vadd.s32 v10, v19;
	v17 =	vld [tilespmem:s23+$0x5190]  }
0x227: {  	v19 =	vmov s21  }
0x228: {  	v19 =	vshrl.u32 v19, $0x3  }
0x229: {  	v19 =	vshll.u32 v19, v1  }
0x22a: {  	v19 =	vbroadcast v19, $0x0  }
0x22b: {  	[tilespmem:v18+s30+$0x0] =	vst.idx.msk $0xffff, v17  }
0x22c: {  	v18 =	vadd.s32 v11, v19;
	v17 =	vld [tilespmem:s23+$0x51A0];
	_ =	sdelay $0x4  }
0x22d: {  	[tilespmem:v18+s30+$0x0] =	vst.idx.msk $0xffff, v17  }
0x22e: {  	s22 =	simm.s32 $0xE;
	v18 =	vadd.s32 v12, v19;
	v17 =	vld [tilespmem:s23+$0x51B0]  }
0x22f: {  	v19 =	vmov s22  }
0x230: {  	v19 =	vshrl.u32 v19, $0x3  }
0x231: {  	v19 =	vshll.u32 v19, v1  }
0x232: {  	v19 =	vbroadcast v19, $0x0  }
0x233: {  	[tilespmem:v18+s30+$0x0] =	vst.idx.msk $0xffff, v17  }
0x234: {  	v18 =	vadd.s32 v13, v19;
	v17 =	vld [tilespmem:s23+$0x51C0];
	_ =	sdelay $0x4  }
0x235: {  	[tilespmem:v18+s30+$0x0] =	vst.idx.msk $0xffff, v17  }
0x236: {  	s25 =	simm.s32 $0xF;
	v18 =	vadd.s32 v14, v19;
	v17 =	vld [tilespmem:s23+$0x51D0]  }
0x237: {  	v19 =	vmov s25  }
0x238: {  	v19 =	vshrl.u32 v19, $0x3  }
0x239: {  	v19 =	vshll.u32 v19, v1  }
0x23a: {  	v19 =	vbroadcast v19, $0x0  }
0x23b: {  	[tilespmem:v18+s30+$0x0] =	vst.idx.msk $0xffff, v17  }
0x23c: {  	v18 =	vadd.s32 v15, v19;
	v17 =	vld [tilespmem:s23+$0x51E0];
	_ =	sdelay $0x4  }
0x23d: {  	s20 =	simm.s32 $0x1F;
	[tilespmem:v18+s30+$0x0] =	vst.idx.msk $0xffff, v17  }
0x23e: {  	s21 =	simm.s32 $0x800;
	s22 =	simm.s32 $0x1000;
	s25 =	simm.s32 $0x10;
	v18 =	vadd.s32 v16, v19;
	v17 =	vld [tilespmem:s23+$0x51F0]  }
.LBB2_7:
0x23f: {  	p1 =	sne.s32 s22, $0xF800;
	v19 =	vmov s25  }
0x240: {  	v19 =	vshrl.u32 v19, $0x3  }
0x241: {  	v19 =	vshll.u32 v19, v1  }
0x242: {  	v19 =	vbroadcast v19, $0x0  }
0x243: {  	s23 =	sshra.s32 s21, $0x2;
	s21 =	smov.u32 s22;
	[tilespmem:v18+s30+$0x0] =	vst.idx.msk $0xffff, v17  }
0x244: {  	v17 =	vld [tilespmem:s23+$0x5000];
	v18 =	vadd.s32 v0, v19;
	_ =	sdelay $0x4  }
0x245: {  	[tilespmem:v18+s30+$0x0] =	vst.idx.msk $0xffff, v17  }
0x246: {  	s25 =	sadd.s32 $0xFFFFFFF2, s20;
	v18 =	vadd.s32 v2, v19;
	v17 =	vld [tilespmem:s23+$0x5010]  }
0x247: {  	v19 =	vmov s25  }
0x248: {  	v19 =	vshrl.u32 v19, $0x3  }
0x249: {  	v19 =	vshll.u32 v19, v1  }
0x24a: {  	v19 =	vbroadcast v19, $0x0  }
0x24b: {  	[tilespmem:v18+s30+$0x0] =	vst.idx.msk $0xffff, v17  }
0x24c: {  	v18 =	vadd.s32 v3, v19;
	v17 =	vld [tilespmem:s23+$0x5020];
	_ =	sdelay $0x4  }
0x24d: {  	[tilespmem:v18+s30+$0x0] =	vst.idx.msk $0xffff, v17  }
0x24e: {  	s25 =	sadd.s32 $0xFFFFFFF3, s20;
	v18 =	vadd.s32 v4, v19;
	v17 =	vld [tilespmem:s23+$0x5030]  }
0x24f: {  	v19 =	vmov s25  }
0x250: {  	v19 =	vshrl.u32 v19, $0x3  }
0x251: {  	v19 =	vshll.u32 v19, v1  }
0x252: {  	v19 =	vbroadcast v19, $0x0  }
0x253: {  	[tilespmem:v18+s30+$0x0] =	vst.idx.msk $0xffff, v17  }
0x254: {  	v18 =	vadd.s32 v5, v19;
	v17 =	vld [tilespmem:s23+$0x5040];
	_ =	sdelay $0x4  }
0x255: {  	[tilespmem:v18+s30+$0x0] =	vst.idx.msk $0xffff, v17  }
0x256: {  	s25 =	sadd.s32 $0xFFFFFFF4, s20;
	v18 =	vadd.s32 v6, v19;
	v17 =	vld [tilespmem:s23+$0x5050]  }
0x257: {  	v19 =	vmov s25  }
0x258: {  	v19 =	vshrl.u32 v19, $0x3  }
0x259: {  	v19 =	vshll.u32 v19, v1  }
0x25a: {  	v19 =	vbroadcast v19, $0x0  }
0x25b: {  	[tilespmem:v18+s30+$0x0] =	vst.idx.msk $0xffff, v17  }
0x25c: {  	v18 =	vadd.s32 v7, v19;
	v17 =	vld [tilespmem:s23+$0x5060];
	_ =	sdelay $0x4  }
0x25d: {  	[tilespmem:v18+s30+$0x0] =	vst.idx.msk $0xffff, v17  }
0x25e: {  	s25 =	sadd.s32 $0xFFFFFFF5, s20;
	v18 =	vadd.s32 v8, v19;
	v17 =	vld [tilespmem:s23+$0x5070]  }
0x25f: {  	v19 =	vmov s25  }
0x260: {  	v19 =	vshrl.u32 v19, $0x3  }
0x261: {  	v19 =	vshll.u32 v19, v1  }
0x262: {  	v19 =	vbroadcast v19, $0x0  }
0x263: {  	[tilespmem:v18+s30+$0x0] =	vst.idx.msk $0xffff, v17  }
0x264: {  	v18 =	vadd.s32 v9, v19;
	v17 =	vld [tilespmem:s23+$0x5080];
	_ =	sdelay $0x4  }
0x265: {  	[tilespmem:v18+s30+$0x0] =	vst.idx.msk $0xffff, v17  }
0x266: {  	s25 =	sadd.s32 $0xFFFFFFF6, s20;
	v18 =	vadd.s32 v10, v19;
	v17 =	vld [tilespmem:s23+$0x5090]  }
0x267: {  	v19 =	vmov s25  }
0x268: {  	v19 =	vshrl.u32 v19, $0x3  }
0x269: {  	v19 =	vshll.u32 v19, v1  }
0x26a: {  	v19 =	vbroadcast v19, $0x0  }
0x26b: {  	[tilespmem:v18+s30+$0x0] =	vst.idx.msk $0xffff, v17  }
0x26c: {  	v18 =	vadd.s32 v11, v19;
	v17 =	vld [tilespmem:s23+$0x50A0];
	_ =	sdelay $0x4  }
0x26d: {  	[tilespmem:v18+s30+$0x0] =	vst.idx.msk $0xffff, v17  }
0x26e: {  	s25 =	sadd.s32 $0xFFFFFFF7, s20;
	v18 =	vadd.s32 v12, v19;
	v17 =	vld [tilespmem:s23+$0x50B0]  }
0x26f: {  	v19 =	vmov s25  }
0x270: {  	v19 =	vshrl.u32 v19, $0x3  }
0x271: {  	v19 =	vshll.u32 v19, v1  }
0x272: {  	v19 =	vbroadcast v19, $0x0  }
0x273: {  	[tilespmem:v18+s30+$0x0] =	vst.idx.msk $0xffff, v17  }
0x274: {  	v18 =	vadd.s32 v13, v19;
	v17 =	vld [tilespmem:s23+$0x50C0];
	_ =	sdelay $0x4  }
0x275: {  	[tilespmem:v18+s30+$0x0] =	vst.idx.msk $0xffff, v17  }
0x276: {  	s25 =	sadd.s32 $0xFFFFFFF8, s20;
	v18 =	vadd.s32 v14, v19;
	v17 =	vld [tilespmem:s23+$0x50D0]  }
0x277: {  	v19 =	vmov s25  }
0x278: {  	v19 =	vshrl.u32 v19, $0x3  }
0x279: {  	v19 =	vshll.u32 v19, v1  }
0x27a: {  	v19 =	vbroadcast v19, $0x0  }
0x27b: {  	[tilespmem:v18+s30+$0x0] =	vst.idx.msk $0xffff, v17  }
0x27c: {  	v18 =	vadd.s32 v15, v19;
	v17 =	vld [tilespmem:s23+$0x50E0];
	_ =	sdelay $0x4  }
0x27d: {  	[tilespmem:v18+s30+$0x0] =	vst.idx.msk $0xffff, v17  }
0x27e: {  	s25 =	sadd.s32 $0xFFFFFFF9, s20;
	v18 =	vadd.s32 v16, v19;
	v17 =	vld [tilespmem:s23+$0x50F0]  }
0x27f: {  	v19 =	vmov s25  }
0x280: {  	v19 =	vshrl.u32 v19, $0x3  }
0x281: {  	v19 =	vshll.u32 v19, v1  }
0x282: {  	v19 =	vbroadcast v19, $0x0  }
0x283: {  	[tilespmem:v18+s30+$0x0] =	vst.idx.msk $0xffff, v17  }
0x284: {  	v18 =	vadd.s32 v0, v19;
	v17 =	vld [tilespmem:s23+$0x5100];
	_ =	sdelay $0x4  }
0x285: {  	[tilespmem:v18+s30+$0x0] =	vst.idx.msk $0xffff, v17  }
0x286: {  	s25 =	sadd.s32 $0xFFFFFFFA, s20;
	v18 =	vadd.s32 v2, v19;
	v17 =	vld [tilespmem:s23+$0x5110]  }
0x287: {  	v19 =	vmov s25  }
0x288: {  	v19 =	vshrl.u32 v19, $0x3  }
0x289: {  	v19 =	vshll.u32 v19, v1  }
0x28a: {  	v19 =	vbroadcast v19, $0x0  }
0x28b: {  	[tilespmem:v18+s30+$0x0] =	vst.idx.msk $0xffff, v17  }
0x28c: {  	v18 =	vadd.s32 v3, v19;
	v17 =	vld [tilespmem:s23+$0x5120];
	_ =	sdelay $0x4  }
0x28d: {  	[tilespmem:v18+s30+$0x0] =	vst.idx.msk $0xffff, v17  }
0x28e: {  	s25 =	sadd.s32 $0xFFFFFFFB, s20;
	v18 =	vadd.s32 v4, v19;
	v17 =	vld [tilespmem:s23+$0x5130]  }
0x28f: {  	v19 =	vmov s25  }
0x290: {  	v19 =	vshrl.u32 v19, $0x3  }
0x291: {  	v19 =	vshll.u32 v19, v1  }
0x292: {  	v19 =	vbroadcast v19, $0x0  }
0x293: {  	[tilespmem:v18+s30+$0x0] =	vst.idx.msk $0xffff, v17  }
0x294: {  	v18 =	vadd.s32 v5, v19;
	v17 =	vld [tilespmem:s23+$0x5140];
	_ =	sdelay $0x4  }
0x295: {  	[tilespmem:v18+s30+$0x0] =	vst.idx.msk $0xffff, v17  }
0x296: {  	s25 =	sadd.s32 $0xFFFFFFFC, s20;
	v18 =	vadd.s32 v6, v19;
	v17 =	vld [tilespmem:s23+$0x5150]  }
0x297: {  	v19 =	vmov s25  }
0x298: {  	v19 =	vshrl.u32 v19, $0x3  }
0x299: {  	v19 =	vshll.u32 v19, v1  }
0x29a: {  	v19 =	vbroadcast v19, $0x0  }
0x29b: {  	[tilespmem:v18+s30+$0x0] =	vst.idx.msk $0xffff, v17  }
0x29c: {  	v18 =	vadd.s32 v7, v19;
	v17 =	vld [tilespmem:s23+$0x5160];
	_ =	sdelay $0x4  }
0x29d: {  	[tilespmem:v18+s30+$0x0] =	vst.idx.msk $0xffff, v17  }
0x29e: {  	s25 =	sadd.s32 $0xFFFFFFFD, s20;
	v18 =	vadd.s32 v8, v19;
	v17 =	vld [tilespmem:s23+$0x5170]  }
0x29f: {  	v19 =	vmov s25  }
0x2a0: {  	v19 =	vshrl.u32 v19, $0x3  }
0x2a1: {  	v19 =	vshll.u32 v19, v1  }
0x2a2: {  	v19 =	vbroadcast v19, $0x0  }
0x2a3: {  	[tilespmem:v18+s30+$0x0] =	vst.idx.msk $0xffff, v17  }
0x2a4: {  	v18 =	vadd.s32 v9, v19;
	v17 =	vld [tilespmem:s23+$0x5180];
	_ =	sdelay $0x4  }
0x2a5: {  	[tilespmem:v18+s30+$0x0] =	vst.idx.msk $0xffff, v17  }
0x2a6: {  	s25 =	sadd.s32 $0xFFFFFFFE, s20;
	v18 =	vadd.s32 v10, v19;
	v17 =	vld [tilespmem:s23+$0x5190]  }
0x2a7: {  	v19 =	vmov s25  }
0x2a8: {  	v19 =	vshrl.u32 v19, $0x3  }
0x2a9: {  	v19 =	vshll.u32 v19, v1  }
0x2aa: {  	v19 =	vbroadcast v19, $0x0  }
0x2ab: {  	[tilespmem:v18+s30+$0x0] =	vst.idx.msk $0xffff, v17  }
0x2ac: {  	v18 =	vadd.s32 v11, v19;
	v17 =	vld [tilespmem:s23+$0x51A0];
	_ =	sdelay $0x4  }
0x2ad: {  	[tilespmem:v18+s30+$0x0] =	vst.idx.msk $0xffff, v17  }
0x2ae: {  	s25 =	sadd.s32 $0xFFFFFFFF, s20;
	v18 =	vadd.s32 v12, v19;
	v17 =	vld [tilespmem:s23+$0x51B0]  }
0x2af: {  	v19 =	vmov s25  }
0x2b0: {  	v19 =	vshrl.u32 v19, $0x3  }
0x2b1: {  	v19 =	vshll.u32 v19, v1  }
0x2b2: {  	v19 =	vbroadcast v19, $0x0  }
0x2b3: {  	[tilespmem:v18+s30+$0x0] =	vst.idx.msk $0xffff, v17  }
0x2b4: {  	v18 =	vadd.s32 v13, v19;
	v17 =	vld [tilespmem:s23+$0x51C0];
	_ =	sdelay $0x4  }
0x2b5: {  	[tilespmem:v18+s30+$0x0] =	vst.idx.msk $0xffff, v17  }
0x2b6: {  	v18 =	vadd.s32 v14, v19;
	v17 =	vld [tilespmem:s23+$0x51D0]  }
0x2b7: {  	v19 =	vmov s20  }
0x2b8: {  	v19 =	vshrl.u32 v19, $0x3  }
0x2b9: {  	v19 =	vshll.u32 v19, v1  }
0x2ba: {  	v19 =	vbroadcast v19, $0x0  }
0x2bb: {  	[tilespmem:v18+s30+$0x0] =	vst.idx.msk $0xffff, v17  }
0x2bc: {  	v18 =	vadd.s32 v15, v19;
	v17 =	vld [tilespmem:s23+$0x51E0];
	_ =	sdelay $0x1  }
.Ltmp2:
0x2bd: {  	(pc) =	sbr.rel @p1 .LBB2_7-.Ltmp2, $3  }
0x2be: {  	_ =	sdelay $0x1  }
0x2bf: {  	s20 =	sadd.s32 $0x10, s20;
	[tilespmem:v18+s30+$0x0] =	vst.idx.msk $0xffff, v17  }
0x2c0: {  	s22 =	sadd.s32 $0x800, s22;
	s25 =	sadd.s32 $0xFFFFFFF1, s20;
	v18 =	vadd.s32 v16, v19;
	v17 =	vld [tilespmem:s23+$0x51F0]  }
0x2c1: {  	v19 =	vmov s25  }
0x2c2: {  	v19 =	vshrl.u32 v19, $0x3  }
0x2c3: {  	v19 =	vshll.u32 v19, v1  }
0x2c4: {  	v19 =	vbroadcast v19, $0x0  }
0x2c5: {  	s21 =	sshra.s32 s21, $0x2;
	[tilespmem:v18+s30+$0x0] =	vst.idx.msk $0xffff, v17  }
0x2c6: {  	v17 =	vld [tilespmem:s21+$0x5000];
	v18 =	vadd.s32 v0, v19;
	_ =	sdelay $0x4  }
0x2c7: {  	[tilespmem:v18+s30+$0x0] =	vst.idx.msk $0xffff, v17  }
0x2c8: {  	s22 =	sadd.s32 $0xFFFFFFF2, s20;
	v18 =	vadd.s32 v2, v19;
	v17 =	vld [tilespmem:s21+$0x5010]  }
0x2c9: {  	v19 =	vmov s22  }
0x2ca: {  	v19 =	vshrl.u32 v19, $0x3  }
0x2cb: {  	v19 =	vshll.u32 v19, v1  }
0x2cc: {  	v19 =	vbroadcast v19, $0x0  }
0x2cd: {  	[tilespmem:v18+s30+$0x0] =	vst.idx.msk $0xffff, v17  }
0x2ce: {  	v18 =	vadd.s32 v3, v19;
	v17 =	vld [tilespmem:s21+$0x5020];
	_ =	sdelay $0x4  }
0x2cf: {  	[tilespmem:v18+s30+$0x0] =	vst.idx.msk $0xffff, v17  }
0x2d0: {  	s25 =	sadd.s32 $0xFFFFFFF3, s20;
	v18 =	vadd.s32 v4, v19;
	v17 =	vld [tilespmem:s21+$0x5030]  }
0x2d1: {  	v19 =	vmov s25  }
0x2d2: {  	v19 =	vshrl.u32 v19, $0x3  }
0x2d3: {  	v19 =	vshll.u32 v19, v1  }
0x2d4: {  	v19 =	vbroadcast v19, $0x0  }
0x2d5: {  	[tilespmem:v18+s30+$0x0] =	vst.idx.msk $0xffff, v17  }
0x2d6: {  	v18 =	vadd.s32 v5, v19;
	v17 =	vld [tilespmem:s21+$0x5040];
	_ =	sdelay $0x4  }
0x2d7: {  	[tilespmem:v18+s30+$0x0] =	vst.idx.msk $0xffff, v17  }
0x2d8: {  	s23 =	sadd.s32 $0xFFFFFFF4, s20;
	v18 =	vadd.s32 v6, v19;
	v17 =	vld [tilespmem:s21+$0x5050]  }
0x2d9: {  	v19 =	vmov s23  }
0x2da: {  	v19 =	vshrl.u32 v19, $0x3  }
0x2db: {  	v19 =	vshll.u32 v19, v1  }
0x2dc: {  	v19 =	vbroadcast v19, $0x0  }
0x2dd: {  	[tilespmem:v18+s30+$0x0] =	vst.idx.msk $0xffff, v17  }
0x2de: {  	v18 =	vadd.s32 v7, v19;
	v17 =	vld [tilespmem:s21+$0x5060];
	_ =	sdelay $0x4  }
0x2df: {  	[tilespmem:v18+s30+$0x0] =	vst.idx.msk $0xffff, v17  }
0x2e0: {  	s25 =	sadd.s32 $0xFFFFFFF5, s20;
	v18 =	vadd.s32 v8, v19;
	v17 =	vld [tilespmem:s21+$0x5070]  }
0x2e1: {  	v19 =	vmov s25  }
0x2e2: {  	v19 =	vshrl.u32 v19, $0x3  }
0x2e3: {  	v19 =	vshll.u32 v19, v1  }
0x2e4: {  	v19 =	vbroadcast v19, $0x0  }
0x2e5: {  	[tilespmem:v18+s30+$0x0] =	vst.idx.msk $0xffff, v17  }
0x2e6: {  	v18 =	vadd.s32 v9, v19;
	v17 =	vld [tilespmem:s21+$0x5080];
	_ =	sdelay $0x4  }
0x2e7: {  	[tilespmem:v18+s30+$0x0] =	vst.idx.msk $0xffff, v17  }
0x2e8: {  	s23 =	sadd.s32 $0xFFFFFFF6, s20;
	v18 =	vadd.s32 v10, v19;
	v17 =	vld [tilespmem:s21+$0x5090]  }
0x2e9: {  	v19 =	vmov s23  }
0x2ea: {  	v19 =	vshrl.u32 v19, $0x3  }
0x2eb: {  	v19 =	vshll.u32 v19, v1  }
0x2ec: {  	v19 =	vbroadcast v19, $0x0  }
0x2ed: {  	[tilespmem:v18+s30+$0x0] =	vst.idx.msk $0xffff, v17  }
0x2ee: {  	v18 =	vadd.s32 v11, v19;
	v17 =	vld [tilespmem:s21+$0x50A0];
	_ =	sdelay $0x4  }
0x2ef: {  	[tilespmem:v18+s30+$0x0] =	vst.idx.msk $0xffff, v17  }
0x2f0: {  	s25 =	sadd.s32 $0xFFFFFFF7, s20;
	v18 =	vadd.s32 v12, v19;
	v17 =	vld [tilespmem:s21+$0x50B0]  }
0x2f1: {  	v19 =	vmov s25  }
0x2f2: {  	v19 =	vshrl.u32 v19, $0x3  }
0x2f3: {  	v19 =	vshll.u32 v19, v1  }
0x2f4: {  	v19 =	vbroadcast v19, $0x0  }
0x2f5: {  	[tilespmem:v18+s30+$0x0] =	vst.idx.msk $0xffff, v17  }
0x2f6: {  	v18 =	vadd.s32 v13, v19;
	v17 =	vld [tilespmem:s21+$0x50C0];
	_ =	sdelay $0x4  }
0x2f7: {  	[tilespmem:v18+s30+$0x0] =	vst.idx.msk $0xffff, v17  }
0x2f8: {  	s23 =	sadd.s32 $0xFFFFFFF8, s20;
	v18 =	vadd.s32 v14, v19;
	v17 =	vld [tilespmem:s21+$0x50D0]  }
0x2f9: {  	v19 =	vmov s23  }
0x2fa: {  	v19 =	vshrl.u32 v19, $0x3  }
0x2fb: {  	v19 =	vshll.u32 v19, v1  }
0x2fc: {  	v19 =	vbroadcast v19, $0x0  }
0x2fd: {  	[tilespmem:v18+s30+$0x0] =	vst.idx.msk $0xffff, v17  }
0x2fe: {  	v18 =	vadd.s32 v15, v19;
	v17 =	vld [tilespmem:s21+$0x50E0];
	_ =	sdelay $0x4  }
0x2ff: {  	[tilespmem:v18+s30+$0x0] =	vst.idx.msk $0xffff, v17  }
0x300: {  	s25 =	sadd.s32 $0xFFFFFFF9, s20;
	v18 =	vadd.s32 v16, v19;
	v17 =	vld [tilespmem:s21+$0x50F0]  }
0x301: {  	v19 =	vmov s25  }
0x302: {  	v19 =	vshrl.u32 v19, $0x3  }
0x303: {  	v19 =	vshll.u32 v19, v1  }
0x304: {  	v19 =	vbroadcast v19, $0x0  }
0x305: {  	[tilespmem:v18+s30+$0x0] =	vst.idx.msk $0xffff, v17  }
0x306: {  	v18 =	vadd.s32 v0, v19;
	v17 =	vld [tilespmem:s21+$0x5100];
	_ =	sdelay $0x4  }
0x307: {  	[tilespmem:v18+s30+$0x0] =	vst.idx.msk $0xffff, v17  }
0x308: {  	s23 =	sadd.s32 $0xFFFFFFFA, s20;
	v18 =	vadd.s32 v2, v19;
	v17 =	vld [tilespmem:s21+$0x5110]  }
0x309: {  	v19 =	vmov s23  }
0x30a: {  	v19 =	vshrl.u32 v19, $0x3  }
0x30b: {  	v19 =	vshll.u32 v19, v1  }
0x30c: {  	v19 =	vbroadcast v19, $0x0  }
0x30d: {  	[tilespmem:v18+s30+$0x0] =	vst.idx.msk $0xffff, v17  }
0x30e: {  	v18 =	vadd.s32 v3, v19;
	v17 =	vld [tilespmem:s21+$0x5120];
	_ =	sdelay $0x4  }
0x30f: {  	[tilespmem:v18+s30+$0x0] =	vst.idx.msk $0xffff, v17  }
0x310: {  	s25 =	sadd.s32 $0xFFFFFFFB, s20;
	v18 =	vadd.s32 v4, v19;
	v17 =	vld [tilespmem:s21+$0x5130]  }
0x311: {  	v19 =	vmov s25  }
0x312: {  	v19 =	vshrl.u32 v19, $0x3  }
0x313: {  	v19 =	vshll.u32 v19, v1  }
0x314: {  	v19 =	vbroadcast v19, $0x0  }
0x315: {  	[tilespmem:v18+s30+$0x0] =	vst.idx.msk $0xffff, v17  }
0x316: {  	v18 =	vadd.s32 v5, v19;
	v17 =	vld [tilespmem:s21+$0x5140];
	_ =	sdelay $0x4  }
0x317: {  	[tilespmem:v18+s30+$0x0] =	vst.idx.msk $0xffff, v17  }
0x318: {  	s23 =	sadd.s32 $0xFFFFFFFC, s20;
	v18 =	vadd.s32 v6, v19;
	v17 =	vld [tilespmem:s21+$0x5150]  }
0x319: {  	v19 =	vmov s23  }
0x31a: {  	v19 =	vshrl.u32 v19, $0x3  }
0x31b: {  	v19 =	vshll.u32 v19, v1  }
0x31c: {  	v19 =	vbroadcast v19, $0x0  }
0x31d: {  	[tilespmem:v18+s30+$0x0] =	vst.idx.msk $0xffff, v17  }
0x31e: {  	v18 =	vadd.s32 v7, v19;
	v17 =	vld [tilespmem:s21+$0x5160];
	_ =	sdelay $0x4  }
0x31f: {  	[tilespmem:v18+s30+$0x0] =	vst.idx.msk $0xffff, v17  }
0x320: {  	s25 =	sadd.s32 $0xFFFFFFFD, s20;
	v18 =	vadd.s32 v8, v19;
	v17 =	vld [tilespmem:s21+$0x5170]  }
0x321: {  	v19 =	vmov s25  }
0x322: {  	v19 =	vshrl.u32 v19, $0x3  }
0x323: {  	v19 =	vshll.u32 v19, v1  }
0x324: {  	v19 =	vbroadcast v19, $0x0  }
0x325: {  	[tilespmem:v18+s30+$0x0] =	vst.idx.msk $0xffff, v17  }
0x326: {  	v18 =	vadd.s32 v9, v19;
	v17 =	vld [tilespmem:s21+$0x5180];
	_ =	sdelay $0x4  }
0x327: {  	[tilespmem:v18+s30+$0x0] =	vst.idx.msk $0xffff, v17  }
0x328: {  	s23 =	sadd.s32 $0xFFFFFFFE, s20;
	v18 =	vadd.s32 v10, v19;
	v17 =	vld [tilespmem:s21+$0x5190]  }
0x329: {  	v19 =	vmov s23  }
0x32a: {  	v19 =	vshrl.u32 v19, $0x3  }
0x32b: {  	v19 =	vshll.u32 v19, v1  }
0x32c: {  	v19 =	vbroadcast v19, $0x0  }
0x32d: {  	[tilespmem:v18+s30+$0x0] =	vst.idx.msk $0xffff, v17  }
0x32e: {  	v18 =	vadd.s32 v11, v19;
	v17 =	vld [tilespmem:s21+$0x51A0];
	_ =	sdelay $0x4  }
0x32f: {  	[tilespmem:v18+s30+$0x0] =	vst.idx.msk $0xffff, v17  }
0x330: {  	s25 =	sadd.s32 $0xFFFFFFFF, s20;
	v18 =	vadd.s32 v12, v19;
	v17 =	vld [tilespmem:s21+$0x51B0]  }
0x331: {  	v19 =	vmov s25  }
0x332: {  	v19 =	vshrl.u32 v19, $0x3  }
0x333: {  	v19 =	vshll.u32 v19, v1  }
0x334: {  	v19 =	vbroadcast v19, $0x0  }
0x335: {  	[tilespmem:v18+s30+$0x0] =	vst.idx.msk $0xffff, v17  }
0x336: {  	v18 =	vadd.s32 v13, v19;
	v17 =	vld [tilespmem:s21+$0x51C0];
	_ =	sdelay $0x4  }
0x337: {  	[tilespmem:v18+s30+$0x0] =	vst.idx.msk $0xffff, v17  }
0x338: {  	v18 =	vadd.s32 v14, v19;
	v17 =	vld [tilespmem:s21+$0x51D0]  }
0x339: {  	v19 =	vmov s20  }
0x33a: {  	v19 =	vshrl.u32 v19, $0x3  }
0x33b: {  	v19 =	vshll.u32 v19, v1  }
0x33c: {  	v19 =	vbroadcast v19, $0x0  }
0x33d: {  	[tilespmem:v18+s30+$0x0] =	vst.idx.msk $0xffff, v17  }
0x33e: {  	v18 =	vadd.s32 v15, v19;
	v17 =	vld [tilespmem:s21+$0x51E0];
	_ =	sdelay $0x4  }
0x33f: {  	[tilespmem:v18+s30+$0x0] =	vst.idx.msk $0xffff, v17  }
0x340: {  	v18 =	vadd.s32 v16, v19;
	v17 =	vld [tilespmem:s21+$0x51F0]  }
0x341: {  	s18 =	sshll.u32 s18, $0x13  }
0x342: {  	s18 =	sor.u32 s4, s18  }
0x343: {  	s18 =	sshrl.u32 s18, $0x3  }
0x344: {  	s18 =	sadd.s32 s6, s18;
	s22 =	simm.s32 $0xD308  }
0x345: {  	s23 =	sadd.s32 $0x0, s18;
	s20 =	simm.s32 $0xD100;
	s21 =	simm.s32 $0x800;
	[tilespmem:v18+s30+$0x0] =	vst.idx.msk $0xffff, v17  }
.LBB2_9:
0x346: {  	[hbm4b:s23+s2] =	stream.linear.scatter [tilespmem:s20], [sflag:$0x3], $0x200, $0x38;
	[tilespmem:$0x11200] =	vst v63  }
0x347: {  	s23 =	smov.u32 s21;
	s20 =	smov.u32 s22;
	p1 =	sne.s32 s21, $0xF800  }
.Ltmp3:
0x348: {  	s21 =	sadd.s32 $0x800, s21;
	(pc) =	sbr.rel @p1 .LBB2_9-.Ltmp3, $2  }
0x349: {  	_ =	sdelay $0x2  }
0x34a: {  	s22 =	sadd.s32 $0x208, s22;
	s23 =	sadd.s32 s23, s18  }
0x34b: {  	[hbm4b:s23+s2] =	stream.linear.scatter [tilespmem:s20], [sflag:$0x3], $0x200, $0x38;
	[tilespmem:$0x11200] =	vst v63  }
0x34c: {  	s18 =	sadd.s32 @!p0 $0x9, s19  }
0x34d: {  	s19 =	sshll.u32 @!p0 s18, $0xE  }
0x34e: {  	s19 =	sor.u32 @!p0 s4, s19  }
0x34f: {  	s20 =	simm.s32 @!p0 $0x0;
	s18 =	sshll.u32 @!p0 s18, $0x9;
	s19 =	sshrl.u32 @!p0 s19, $0x3  }
0x350: {  	s1 =	sadd.s32 $0x1, s1;
	s18 =	sand.u32 @!p0 $0xE00, s18;
	s19 =	sadd.s32 @!p0 s3, s19  }
0x351: {  	[tilespmem:s18], [sflag:$0x1] =	stream.linear.gather @!p0 [hbm4b:s19+s20], $0x200, $0x38;
	[tilespmem:$0x11200] =	vst v63  }
0x352: {  	p0 =	sne.s32 s1, $0x64  }
.Ltmp4:
0x353: {  	_ = 	snop;
	(pc) =	sbr.rel @p0 .LBB2_2-.Ltmp4, $1  }
0x354: {  	_ =	sdelay $0x3  }
0x355: {  	s0 =	sadd.s32 $0x1, s0  }
0x356: {  	_ =	swait.ge [sflag:s31], $0x4000;
	p0 =	sne.s32 s0, s16  }
.Ltmp5:
0x357: {  	[sflag:s31] =	ssyncset.done $0x0;
	(pc) =	sbr.rel @p0 .LBB2_1-.Ltmp5, $4  }
0x358: {  	[sflag:s31] =	ssyncadd.s32 $0xFFFFC000  }
0x359: {  	_ =	swait.ge [sflag:s31], $0x4000  }
0x35a: {  	[sflag:s31] =	ssyncset.done $0x0  }
0x35b: {  	[sflag:s31] =	ssyncadd.s32 $0xFFFFC000  }
0x35c: {  	_ =	sfence.sel $0x180000  }
0x35d: {  	[bflag:$0x0] =	sbarrier.arrive $0xFFFF  }
0x35e: {  	_ =	strace $0x90000047  }
0x35f: {  	s0 =	stileid.u32;
	[bflag:$0x2] =	sbarrier.arrive $0xFFFF  }
0x360: {  	p0 =	sne.s32 s0, $0x0;
	s0 =	rddreg [dreg:$0x1]  }
0x361: {  	s0 =	sadd.s32 @!p0 $0x100000, s0  }
0x362: {  	[sflag:s0] =	ssyncadd.tile.s32 @!p0 $0x1;
	_ =	shalt  }
.Lfunc_end2:
_tile_overlayer_lowered:
.L_overlay_start_2:
0x363: {  	(tag) =	ssettag $0x2  }
0x364: {  	s0 =	rddreg [dreg:$0x0];
	s2 =	stileid.u32  }
0x365: {  	s1 =	rddreg [dreg:$0x1];
	p0 =	sne.s32 s2, $0x0  }
0x366: {  	s3 =	rddreg [dreg:$0x2];
	[bflag:$0x3] =	sbarrier.arrive $0xFFFF;
	s2 =	simm.s32 @!p0 $0x1C04  }
0x367: {  	[timem:s3], [sflag:s2] =	dma.local @!p0 [hbm:s0], s1  }
0x368: {  	s0 =	simm.s32 @!p0 $0x4  }
0x369: {  	_ =	swait.ge @!p0 [sflag:s0], s1  }
0x36a: {  	s1 =	ssub.s32 @!p0 $0x0, s1;
	[sflag:s0] =	ssyncset.done @!p0 $0x0  }
0x36b: {  	[sflag:s0] =	ssyncadd.s32 @!p0 s1  }
0x36c: {  	[bflag:$0x3] =	sbarrier.arrive $0xFFFF  }
0x36d: {  	_ =	shalt  }

</sc_bundles>
